<compile_context>
chip_gen: v7x
topology: tpu7x:2x2x1
jax: 0.10.2.dev20260603
libtpu: 0.0.44.dev20260713+nightly
codegen_flags: <defaults>
</compile_context>

<pallas_src>
import functools

import jax
import jax.numpy as jnp
from jax import lax
from jax.experimental import pallas as pl
from jax.experimental.pallas import tpu as pltpu
from jax.experimental.pallas import tpu_sc as plsc

R, C, V = 16384, 128, 100000
TOTAL = R * C
NC, NS, L = 2, 16, 16
NW = NC * NS
PER_W = TOTAL // NW
CHUNK = 8192
CHUNKS = (1024,) + (CHUNK,) * 7 + (7168,)
NCHUNK = len(CHUNKS)
GRP = C // L

_MESH = plsc.VectorSubcoreMesh(
    core_axis_name="c", subcore_axis_name="s", num_cores=NC, num_subcores=NS
)


def _body(x_hbm, ids_hbm, out_hbm, ids_v, fidx_v, gat_v, sem_i, sem_g):
    wid = lax.axis_index("s") * NC + lax.axis_index("c")
    iota = lax.iota(jnp.int32, 16)
    jvecs = [iota + (u * L) for u in range(GRP)]
    base0 = wid * PER_W

    def chunk_base(ci):
        return base0 + sum(CHUNKS[:ci])

    def load_ids(ci, b):
        n = CHUNKS[ci]
        pltpu.async_copy(
            ids_hbm.at[pl.ds(chunk_base(ci), n)], ids_v[b].at[pl.ds(0, n)],
            sem_i[b],
        )

    def wait_ids(ci, b):
        n = CHUNKS[ci]
        pltpu.make_async_copy(
            ids_hbm.at[pl.ds(chunk_base(ci), n)], ids_v[b].at[pl.ds(0, n)],
            sem_i[b],
        ).wait()

    def fix_and_fire(ci, b):
        n = CHUNKS[ci]

        def body(r, carry):
            for u in range(GRP):
                sl = pl.ds(r * C + u * L, L)
                fidx_v[b][sl] = ids_v[b][sl] * C + jvecs[u]
            return carry

        lax.fori_loop(0, n // C, body, 0)
        pltpu.async_copy(
            x_hbm.at[fidx_v[b].at[pl.ds(0, n)]], gat_v[b].at[pl.ds(0, n)],
            sem_g[b],
        )

    def drain_and_store(ci, b):
        n = CHUNKS[ci]
        pltpu.make_async_copy(
            out_hbm.at[pl.ds(chunk_base(ci), n)], gat_v[b].at[pl.ds(0, n)],
            sem_g[b],
        ).wait()
        pltpu.sync_copy(
            gat_v[b].at[pl.ds(0, n)], out_hbm.at[pl.ds(chunk_base(ci), n)]
        )

    load_ids(0, 0)
    for ci in range(NCHUNK):
        b = ci % 2
        wait_ids(ci, b)
        if ci + 1 < NCHUNK:
            load_ids(ci + 1, 1 - b)
        fix_and_fire(ci, b)
        if ci > 0:
            drain_and_store(ci - 1, 1 - b)
    drain_and_store(NCHUNK - 1, (NCHUNK - 1) % 2)


@functools.partial(
    pl.kernel,
    out_type=jax.ShapeDtypeStruct((TOTAL,), jnp.float32),
    mesh=_MESH,
    scratch_types=[
        [pltpu.VMEM((CHUNK,), jnp.int32) for _ in range(2)],
        [pltpu.VMEM((CHUNK,), jnp.int32) for _ in range(2)],
        [pltpu.VMEM((CHUNK,), jnp.float32) for _ in range(2)],
        [pltpu.SemaphoreType.DMA for _ in range(2)],
        [pltpu.SemaphoreType.DMA for _ in range(2)],
    ],
)
def _gather_sc(x_flat, ids_flat, out, ids_v, fidx_v, gat_v, sem_i, sem_g):
    _body(x_flat, ids_flat, out, ids_v, fidx_v, gat_v, sem_i, sem_g)


def kernel(x, ids):
    out = _gather_sc(x.reshape(-1), ids.astype(jnp.int32).reshape(-1))
    return out.reshape(R, C)

# --- scband reference (transcript-rebuilt; emitter-appended) ---
"""Pipeline reference for scband-selector-7954279432209 (READ-ONLY COPY).

The authoritative reference and input builder live on the scoring server;
editing this copy changes nothing except your own understanding.
"""

import jax, jax.numpy as jnp
import numpy as np

def setup_inputs(seed: int = 0) -> dict:
    key = jax.random.key(seed)
    k1, k2 = jax.random.split(key)
    x = jax.random.normal(k1, (100000, 128), dtype=jnp.float32)
    ids = jax.random.randint(k2, (16384, 128), 0, 100000, dtype=jnp.int64)
    return {"x": x, "ids": ids}

def reference(x, ids):
    # torch.gather(x, 0, ids): out[i, j] = x[ids[i, j], j]
    return jnp.take_along_axis(x, ids.astype(jnp.int64), axis=0)

if __name__ == "__main__":
    import jax
    _d = setup_inputs()
    print(jax.jit(kernel)(*tuple(_d.values())))

</pallas_src>

<mosaic_0001>
#map = affine_map<(d0, d1) -> (0)>
module attributes {stable_mosaic.version = 14 : i64} {
  func.func @_gather_sc(%arg0: i32, %arg1: i32, %arg2: memref<12800000xf32, #tpu.memory_space<hbm>>, %arg3: memref<2097152xi32, #tpu.memory_space<hbm>>, %arg4: memref<2097152xf32, #tpu.memory_space<hbm>>, %arg5: memref<8192xi32, #tpu.memory_space<vmem>>, %arg6: memref<8192xi32, #tpu.memory_space<vmem>>, %arg7: memref<8192xi32, #tpu.memory_space<vmem>>, %arg8: memref<8192xi32, #tpu.memory_space<vmem>>, %arg9: memref<8192xf32, #tpu.memory_space<vmem>>, %arg10: memref<8192xf32, #tpu.memory_space<vmem>>, %arg11: memref<!tpu.dma_semaphore, #tpu.memory_space<semaphore_mem>>, %arg12: memref<!tpu.dma_semaphore, #tpu.memory_space<semaphore_mem>>, %arg13: memref<!tpu.dma_semaphore, #tpu.memory_space<semaphore_mem>>, %arg14: memref<!tpu.dma_semaphore, #tpu.memory_space<semaphore_mem>>) attributes {dimension_semantics = [#tpu.dimension_semantics<core_parallel>, #tpu.dimension_semantics<subcore_parallel>], iteration_bounds = array<i64: 2, 16>, scalar_prefetch = 0 : i64, scratch_operands = 10 : i64, tpu.core_type = #tpu.core_type<sc_vector_subcore>, window_params = [{transform_indices = #map}, {transform_indices = #map}, {transform_indices = #map}]} {
    %mul3A = arith.constant 2 : i32
    %mul3A_0 = arith.muli %arg1, %mul3A : i32
    %add3A = arith.addi %mul3A_0, %arg0 : i32
    %iota3A = tpu.iota {dimensions = array<i32: 0>} : vector<16xi32>
    %add3A_1 = arith.constant 0 : i32
    %add3A_2 = vector.broadcast %add3A_1 : i32 to vector<16xi32>
    %add3A_3 = arith.addi %iota3A, %add3A_2 : vector<16xi32>
    %add3A_4 = arith.constant 16 : i32
    %add3A_5 = vector.broadcast %add3A_4 : i32 to vector<16xi32>
    %add3A_6 = arith.addi %iota3A, %add3A_5 : vector<16xi32>
    %add3A_7 = arith.constant 32 : i32
    %add3A_8 = vector.broadcast %add3A_7 : i32 to vector<16xi32>
    %add3A_9 = arith.addi %iota3A, %add3A_8 : vector<16xi32>
    %add3A_10 = arith.constant 48 : i32
    %add3A_11 = vector.broadcast %add3A_10 : i32 to vector<16xi32>
    %add3A_12 = arith.addi %iota3A, %add3A_11 : vector<16xi32>
    %add3A_13 = arith.constant 64 : i32
    %add3A_14 = vector.broadcast %add3A_13 : i32 to vector<16xi32>
    %add3A_15 = arith.addi %iota3A, %add3A_14 : vector<16xi32>
    %add3A_16 = arith.constant 80 : i32
    %add3A_17 = vector.broadcast %add3A_16 : i32 to vector<16xi32>
    %add3A_18 = arith.addi %iota3A, %add3A_17 : vector<16xi32>
    %add3A_19 = arith.constant 96 : i32
    %add3A_20 = vector.broadcast %add3A_19 : i32 to vector<16xi32>
    %add3A_21 = arith.addi %iota3A, %add3A_20 : vector<16xi32>
    %add3A_22 = arith.constant 112 : i32
    %add3A_23 = vector.broadcast %add3A_22 : i32 to vector<16xi32>
    %add3A_24 = arith.addi %iota3A, %add3A_23 : vector<16xi32>
    %mul3A_25 = arith.constant 65536 : i32
    %mul3A_26 = arith.muli %add3A, %mul3A_25 : i32
    %add3A_27 = arith.constant 0 : i32
    %add3A_28 = arith.addi %mul3A_26, %add3A_27 : i32
    %dma_start3A = arith.constant 0 : i32
    %dma_start3A_29 = tpu.memref_slice %arg5[%dma_start3A] : memref<8192xi32, #tpu.memory_space<vmem>> -> memref<1024xi32, #tpu.memory_space<vmem>>
    %dma_start3A_30 = tpu.memref_slice %arg3[%add3A_28] : memref<2097152xi32, #tpu.memory_space<hbm>> -> memref<1024xi32, #tpu.memory_space<hbm>>
    %dma_start3A_31 = arith.constant 0 : i32
    %dma_start3A_32 = tpu.memref_slice %arg5[%dma_start3A_31] : memref<8192xi32, #tpu.memory_space<vmem>> -> memref<1024xi32, #tpu.memory_space<vmem>>
    %dma_start3A_33 = tpu.memref_slice %arg3[%add3A_28] : memref<2097152xi32, #tpu.memory_space<hbm>> -> memref<1024xi32, #tpu.memory_space<hbm>>
    tpu.enqueue_dma source(%dma_start3A_33 : memref<1024xi32, #tpu.memory_space<hbm>>) target(%dma_start3A_32 : memref<1024xi32, #tpu.memory_space<vmem>>) target_semaphore(%arg11 : memref<!tpu.dma_semaphore, #tpu.memory_space<semaphore_mem>>)
    %add3A_34 = arith.constant 0 : i32
    %add3A_35 = arith.addi %mul3A_26, %add3A_34 : i32
    %dma_wait3A = arith.constant 0 : i32
    %dma_wait3A_36 = tpu.memref_slice %arg5[%dma_wait3A] : memref<8192xi32, #tpu.memory_space<vmem>> -> memref<1024xi32, #tpu.memory_space<vmem>>
    %dma_wait3A_37 = tpu.memref_slice %arg3[%add3A_35] : memref<2097152xi32, #tpu.memory_space<hbm>> -> memref<1024xi32, #tpu.memory_space<hbm>>
    %dma_wait3A_38 = arith.constant 0 : i32
    %dma_wait3A_39 = tpu.memref_slice %arg5[%dma_wait3A_38] : memref<8192xi32, #tpu.memory_space<vmem>> -> memref<1024xi32, #tpu.memory_space<vmem>>
    %dma_wait3A_40 = tpu.memref_slice %arg3[%add3A_35] : memref<2097152xi32, #tpu.memory_space<hbm>> -> memref<1024xi32, #tpu.memory_space<hbm>>
    tpu.wait_dma2 semaphore(%arg11 : memref<!tpu.dma_semaphore, #tpu.memory_space<semaphore_mem>>) src(%dma_wait3A_40 : memref<1024xi32, #tpu.memory_space<hbm>>) dst(%dma_wait3A_39 : memref<1024xi32, #tpu.memory_space<vmem>>)
    %add3A_41 = arith.constant 1024 : i32
    %add3A_42 = arith.addi %mul3A_26, %add3A_41 : i32
    %dma_start3A_43 = arith.constant 0 : i32
    %dma_start3A_44 = tpu.memref_slice %arg6[%dma_start3A_43] : memref<8192xi32, #tpu.memory_space<vmem>> -> memref<8192xi32, #tpu.memory_space<vmem>>
    %dma_start3A_45 = tpu.memref_slice %arg3[%add3A_42] : memref<2097152xi32, #tpu.memory_space<hbm>> -> memref<8192xi32, #tpu.memory_space<hbm>>
    %dma_start3A_46 = arith.constant 0 : i32
    %dma_start3A_47 = tpu.memref_slice %arg6[%dma_start3A_46] : memref<8192xi32, #tpu.memory_space<vmem>> -> memref<8192xi32, #tpu.memory_space<vmem>>
    %dma_start3A_48 = tpu.memref_slice %arg3[%add3A_42] : memref<2097152xi32, #tpu.memory_space<hbm>> -> memref<8192xi32, #tpu.memory_space<hbm>>
    tpu.enqueue_dma source(%dma_start3A_48 : memref<8192xi32, #tpu.memory_space<hbm>>) target(%dma_start3A_47 : memref<8192xi32, #tpu.memory_space<vmem>>) target_semaphore(%arg12 : memref<!tpu.dma_semaphore, #tpu.memory_space<semaphore_mem>>)
    %scan3A = arith.constant 0 : i32
    %scan3A_49 = arith.constant 0 : i32
    %scan3A_50 = arith.constant 8 : i32
    %scan3A_51 = arith.addi %scan3A_49, %scan3A_50 : i32
    %scan3A_52 = arith.constant 1 : i32
    scf.for %scan3A_366 = %scan3A_49 to %scan3A_51 step %scan3A_52  : i32 {
      %mul3A_367 = arith.constant 128 : i32
      %mul3A_368 = arith.muli %scan3A_366, %mul3A_367 : i32
      %add3A_369 = arith.constant 0 : i32
      %add3A_370 = arith.addi %mul3A_368, %add3A_369 : i32
      %get3A = arith.index_cast %add3A_370 : i32 to index
      %get3A_371 = tpu.vector_load %arg5[%get3A] {strides = array<i32>} : memref<8192xi32, #tpu.memory_space<vmem>>, vector<16xi32>,
      %get3A_372 = vector.shape_cast %get3A_371 : vector<16xi32> to vector<16xi32>
      %mul3A_373 = arith.constant 128 : i32
      %mul3A_374 = vector.broadcast %mul3A_373 : i32 to vector<16xi32>
      %mul3A_375 = arith.muli %get3A_372, %mul3A_374 : vector<16xi32>
      %add3A_376 = arith.addi %mul3A_375, %add3A_3 : vector<16xi32>
      %swap3A = arith.index_cast %add3A_370 : i32 to index
      %swap3A_377 = tpu.vector_load %arg7[%swap3A] {strides = array<i32>} : memref<8192xi32, #tpu.memory_space<vmem>>, vector<16xi32>,
      %swap3A_378 = vector.shape_cast %swap3A_377 : vector<16xi32> to vector<16xi32>
      %swap3A_379 = vector.shape_cast %add3A_376 : vector<16xi32> to vector<16xi32>
      tpu.vector_store %arg7[%swap3A], %swap3A_379 {strides = array<i32>} : memref<8192xi32, #tpu.memory_space<vmem>>, vector<16xi32>,
      %mul3A_380 = arith.constant 128 : i32
      %mul3A_381 = arith.muli %scan3A_366, %mul3A_380 : i32
      %add3A_382 = arith.constant 16 : i32
      %add3A_383 = arith.addi %mul3A_381, %add3A_382 : i32
      %get3A_384 = arith.index_cast %add3A_383 : i32 to index
      %get3A_385 = tpu.vector_load %arg5[%get3A_384] {strides = array<i32>} : memref<8192xi32, #tpu.memory_space<vmem>>, vector<16xi32>,
      %get3A_386 = vector.shape_cast %get3A_385 : vector<16xi32> to vector<16xi32>
      %mul3A_387 = arith.constant 128 : i32
      %mul3A_388 = vector.broadcast %mul3A_387 : i32 to vector<16xi32>
      %mul3A_389 = arith.muli %get3A_386, %mul3A_388 : vector<16xi32>
      %add3A_390 = arith.addi %mul3A_389, %add3A_6 : vector<16xi32>
      %swap3A_391 = arith.index_cast %add3A_383 : i32 to index
      %swap3A_392 = tpu.vector_load %arg7[%swap3A_391] {strides = array<i32>} : memref<8192xi32, #tpu.memory_space<vmem>>, vector<16xi32>,
      %swap3A_393 = vector.shape_cast %swap3A_392 : vector<16xi32> to vector<16xi32>
      %swap3A_394 = vector.shape_cast %add3A_390 : vector<16xi32> to vector<16xi32>
      tpu.vector_store %arg7[%swap3A_391], %swap3A_394 {strides = array<i32>} : memref<8192xi32, #tpu.memory_space<vmem>>, vector<16xi32>,
      %mul3A_395 = arith.constant 128 : i32
      %mul3A_396 = arith.muli %scan3A_366, %mul3A_395 : i32
      %add3A_397 = arith.constant 32 : i32
      %add3A_398 = arith.addi %mul3A_396, %add3A_397 : i32
      %get3A_399 = arith.index_cast %add3A_398 : i32 to index
      %get3A_400 = tpu.vector_load %arg5[%get3A_399] {strides = array<i32>} : memref<8192xi32, #tpu.memory_space<vmem>>, vector<16xi32>,
      %get3A_401 = vector.shape_cast %get3A_400 : vector<16xi32> to vector<16xi32>
      %mul3A_402 = arith.constant 128 : i32
      %mul3A_403 = vector.broadcast %mul3A_402 : i32 to vector<16xi32>
      %mul3A_404 = arith.muli %get3A_401, %mul3A_403 : vector<16xi32>
      %add3A_405 = arith.addi %mul3A_404, %add3A_9 : vector<16xi32>
      %swap3A_406 = arith.index_cast %add3A_398 : i32 to index
      %swap3A_407 = tpu.vector_load %arg7[%swap3A_406] {strides = array<i32>} : memref<8192xi32, #tpu.memory_space<vmem>>, vector<16xi32>,
      %swap3A_408 = vector.shape_cast %swap3A_407 : vector<16xi32> to vector<16xi32>
      %swap3A_409 = vector.shape_cast %add3A_405 : vector<16xi32> to vector<16xi32>
      tpu.vector_store %arg7[%swap3A_406], %swap3A_409 {strides = array<i32>} : memref<8192xi32, #tpu.memory_space<vmem>>, vector<16xi32>,
      %mul3A_410 = arith.constant 128 : i32
      %mul3A_411 = arith.muli %scan3A_366, %mul3A_410 : i32
      %add3A_412 = arith.constant 48 : i32
      %add3A_413 = arith.addi %mul3A_411, %add3A_412 : i32
      %get3A_414 = arith.index_cast %add3A_413 : i32 to index
      %get3A_415 = tpu.vector_load %arg5[%get3A_414] {strides = array<i32>} : memref<8192xi32, #tpu.memory_space<vmem>>, vector<16xi32>,
      %get3A_416 = vector.shape_cast %get3A_415 : vector<16xi32> to vector<16xi32>
      %mul3A_417 = arith.constant 128 : i32
      %mul3A_418 = vector.broadcast %mul3A_417 : i32 to vector<16xi32>
      %mul3A_419 = arith.muli %get3A_416, %mul3A_418 : vector<16xi32>
      %add3A_420 = arith.addi %mul3A_419, %add3A_12 : vector<16xi32>
      %swap3A_421 = arith.index_cast %add3A_413 : i32 to index
      %swap3A_422 = tpu.vector_load %arg7[%swap3A_421] {strides = array<i32>} : memref<8192xi32, #tpu.memory_space<vmem>>, vector<16xi32>,
      %swap3A_423 = vector.shape_cast %swap3A_422 : vector<16xi32> to vector<16xi32>
      %swap3A_424 = vector.shape_cast %add3A_420 : vector<16xi32> to vector<16xi32>
      tpu.vector_store %arg7[%swap3A_421], %swap3A_424 {strides = array<i32>} : memref<8192xi32, #tpu.memory_space<vmem>>, vector<16xi32>,
      %mul3A_425 = arith.constant 128 : i32
      %mul3A_426 = arith.muli %scan3A_366, %mul3A_425 : i32
      %add3A_427 = arith.constant 64 : i32
      %add3A_428 = arith.addi %mul3A_426, %add3A_427 : i32
      %get3A_429 = arith.index_cast %add3A_428 : i32 to index
      %get3A_430 = tpu.vector_load %arg5[%get3A_429] {strides = array<i32>} : memref<8192xi32, #tpu.memory_space<vmem>>, vector<16xi32>,
      %get3A_431 = vector.shape_cast %get3A_430 : vector<16xi32> to vector<16xi32>
      %mul3A_432 = arith.constant 128 : i32
      %mul3A_433 = vector.broadcast %mul3A_432 : i32 to vector<16xi32>
      %mul3A_434 = arith.muli %get3A_431, %mul3A_433 : vector<16xi32>
      %add3A_435 = arith.addi %mul3A_434, %add3A_15 : vector<16xi32>
      %swap3A_436 = arith.index_cast %add3A_428 : i32 to index
      %swap3A_437 = tpu.vector_load %arg7[%swap3A_436] {strides = array<i32>} : memref<8192xi32, #tpu.memory_space<vmem>>, vector<16xi32>,
      %swap3A_438 = vector.shape_cast %swap3A_437 : vector<16xi32> to vector<16xi32>
      %swap3A_439 = vector.shape_cast %add3A_435 : vector<16xi32> to vector<16xi32>
      tpu.vector_store %arg7[%swap3A_436], %swap3A_439 {strides = array<i32>} : memref<8192xi32, #tpu.memory_space<vmem>>, vector<16xi32>,
      %mul3A_440 = arith.constant 128 : i32
      %mul3A_441 = arith.muli %scan3A_366, %mul3A_440 : i32
      %add3A_442 = arith.constant 80 : i32
      %add3A_443 = arith.addi %mul3A_441, %add3A_442 : i32
      %get3A_444 = arith.index_cast %add3A_443 : i32 to index
      %get3A_445 = tpu.vector_load %arg5[%get3A_444] {strides = array<i32>} : memref<8192xi32, #tpu.memory_space<vmem>>, vector<16xi32>,
      %get3A_446 = vector.shape_cast %get3A_445 : vector<16xi32> to vector<16xi32>
      %mul3A_447 = arith.constant 128 : i32
      %mul3A_448 = vector.broadcast %mul3A_447 : i32 to vector<16xi32>
      %mul3A_449 = arith.muli %get3A_446, %mul3A_448 : vector<16xi32>
      %add3A_450 = arith.addi %mul3A_449, %add3A_18 : vector<16xi32>
      %swap3A_451 = arith.index_cast %add3A_443 : i32 to index
      %swap3A_452 = tpu.vector_load %arg7[%swap3A_451] {strides = array<i32>} : memref<8192xi32, #tpu.memory_space<vmem>>, vector<16xi32>,
      %swap3A_453 = vector.shape_cast %swap3A_452 : vector<16xi32> to vector<16xi32>
      %swap3A_454 = vector.shape_cast %add3A_450 : vector<16xi32> to vector<16xi32>
      tpu.vector_store %arg7[%swap3A_451], %swap3A_454 {strides = array<i32>} : memref<8192xi32, #tpu.memory_space<vmem>>, vector<16xi32>,
      %mul3A_455 = arith.constant 128 : i32
      %mul3A_456 = arith.muli %scan3A_366, %mul3A_455 : i32
      %add3A_457 = arith.constant 96 : i32
      %add3A_458 = arith.addi %mul3A_456, %add3A_457 : i32
      %get3A_459 = arith.index_cast %add3A_458 : i32 to index
      %get3A_460 = tpu.vector_load %arg5[%get3A_459] {strides = array<i32>} : memref<8192xi32, #tpu.memory_space<vmem>>, vector<16xi32>,
      %get3A_461 = vector.shape_cast %get3A_460 : vector<16xi32> to vector<16xi32>
      %mul3A_462 = arith.constant 128 : i32
      %mul3A_463 = vector.broadcast %mul3A_462 : i32 to vector<16xi32>
      %mul3A_464 = arith.muli %get3A_461, %mul3A_463 : vector<16xi32>
      %add3A_465 = arith.addi %mul3A_464, %add3A_21 : vector<16xi32>
      %swap3A_466 = arith.index_cast %add3A_458 : i32 to index
      %swap3A_467 = tpu.vector_load %arg7[%swap3A_466] {strides = array<i32>} : memref<8192xi32, #tpu.memory_space<vmem>>, vector<16xi32>,
      %swap3A_468 = vector.shape_cast %swap3A_467 : vector<16xi32> to vector<16xi32>
      %swap3A_469 = vector.shape_cast %add3A_465 : vector<16xi32> to vector<16xi32>
      tpu.vector_store %arg7[%swap3A_466], %swap3A_469 {strides = array<i32>} : memref<8192xi32, #tpu.memory_space<vmem>>, vector<16xi32>,
      %mul3A_470 = arith.constant 128 : i32
      %mul3A_471 = arith.muli %scan3A_366, %mul3A_470 : i32
      %add3A_472 = arith.constant 112 : i32
      %add3A_473 = arith.addi %mul3A_471, %add3A_472 : i32
      %get3A_474 = arith.index_cast %add3A_473 : i32 to index
      %get3A_475 = tpu.vector_load %arg5[%get3A_474] {strides = array<i32>} : memref<8192xi32, #tpu.memory_space<vmem>>, vector<16xi32>,
      %get3A_476 = vector.shape_cast %get3A_475 : vector<16xi32> to vector<16xi32>
      %mul3A_477 = arith.constant 128 : i32
      %mul3A_478 = vector.broadcast %mul3A_477 : i32 to vector<16xi32>
      %mul3A_479 = arith.muli %get3A_476, %mul3A_478 : vector<16xi32>
      %add3A_480 = arith.addi %mul3A_479, %add3A_24 : vector<16xi32>
      %swap3A_481 = arith.index_cast %add3A_473 : i32 to index
      %swap3A_482 = tpu.vector_load %arg7[%swap3A_481] {strides = array<i32>} : memref<8192xi32, #tpu.memory_space<vmem>>, vector<16xi32>,
      %swap3A_483 = vector.shape_cast %swap3A_482 : vector<16xi32> to vector<16xi32>
      %swap3A_484 = vector.shape_cast %add3A_480 : vector<16xi32> to vector<16xi32>
      tpu.vector_store %arg7[%swap3A_481], %swap3A_484 {strides = array<i32>} : memref<8192xi32, #tpu.memory_space<vmem>>, vector<16xi32>,
    }
    %scan3A_53 = arith.constant 8 : i32
    %dma_start3A_54 = arith.constant 0 : i32
    %dma_start3A_55 = tpu.memref_slice %arg9[%dma_start3A_54] : memref<8192xf32, #tpu.memory_space<vmem>> -> memref<1024xf32, #tpu.memory_space<vmem>>
    %dma_start3A_56 = arith.constant 0 : i32
    %dma_start3A_57 = tpu.memref_slice %arg7[%dma_start3A_56] : memref<8192xi32, #tpu.memory_space<vmem>> -> memref<1024xi32, #tpu.memory_space<vmem>>
    %dma_start3A_58 = arith.constant 0 : i32
    %dma_start3A_59 = tpu.memref_slice %arg2[%dma_start3A_58] : memref<12800000xf32, #tpu.memory_space<hbm>> -> memref<12800000xf32, #tpu.memory_space<hbm>>
    tpu.enqueue_indirect_dma source(%dma_start3A_59 : memref<12800000xf32, #tpu.memory_space<hbm>>) target(%dma_start3A_55 : memref<1024xf32, #tpu.memory_space<vmem>>) offsets(%dma_start3A_57 : memref<1024xi32, #tpu.memory_space<vmem>>) semaphore(%arg13 : memref<!tpu.dma_semaphore, #tpu.memory_space<semaphore_mem>>)
    %add3A_60 = arith.constant 1024 : i32
    %add3A_61 = arith.addi %mul3A_26, %add3A_60 : i32
    %dma_wait3A_62 = arith.constant 0 : i32
    %dma_wait3A_63 = tpu.memref_slice %arg6[%dma_wait3A_62] : memref<8192xi32, #tpu.memory_space<vmem>> -> memref<8192xi32, #tpu.memory_space<vmem>>
    %dma_wait3A_64 = tpu.memref_slice %arg3[%add3A_61] : memref<2097152xi32, #tpu.memory_space<hbm>> -> memref<8192xi32, #tpu.memory_space<hbm>>
    %dma_wait3A_65 = arith.constant 0 : i32
    %dma_wait3A_66 = tpu.memref_slice %arg6[%dma_wait3A_65] : memref<8192xi32, #tpu.memory_space<vmem>> -> memref<8192xi32, #tpu.memory_space<vmem>>
    %dma_wait3A_67 = tpu.memref_slice %arg3[%add3A_61] : memref<2097152xi32, #tpu.memory_space<hbm>> -> memref<8192xi32, #tpu.memory_space<hbm>>
    tpu.wait_dma2 semaphore(%arg12 : memref<!tpu.dma_semaphore, #tpu.memory_space<semaphore_mem>>) src(%dma_wait3A_67 : memref<8192xi32, #tpu.memory_space<hbm>>) dst(%dma_wait3A_66 : memref<8192xi32, #tpu.memory_space<vmem>>)
    %add3A_68 = arith.constant 9216 : i32
    %add3A_69 = arith.addi %mul3A_26, %add3A_68 : i32
    %dma_start3A_70 = arith.constant 0 : i32
    %dma_start3A_71 = tpu.memref_slice %arg5[%dma_start3A_70] : memref<8192xi32, #tpu.memory_space<vmem>> -> memref<8192xi32, #tpu.memory_space<vmem>>
    %dma_start3A_72 = tpu.memref_slice %arg3[%add3A_69] : memref<2097152xi32, #tpu.memory_space<hbm>> -> memref<8192xi32, #tpu.memory_space<hbm>>
    %dma_start3A_73 = arith.constant 0 : i32
    %dma_start3A_74 = tpu.memref_slice %arg5[%dma_start3A_73] : memref<8192xi32, #tpu.memory_space<vmem>> -> memref<8192xi32, #tpu.memory_space<vmem>>
    %dma_start3A_75 = tpu.memref_slice %arg3[%add3A_69] : memref<2097152xi32, #tpu.memory_space<hbm>> -> memref<8192xi32, #tpu.memory_space<hbm>>
    tpu.enqueue_dma source(%dma_start3A_75 : memref<8192xi32, #tpu.memory_space<hbm>>) target(%dma_start3A_74 : memref<8192xi32, #tpu.memory_space<vmem>>) target_semaphore(%arg11 : memref<!tpu.dma_semaphore, #tpu.memory_space<semaphore_mem>>)
    %scan3A_76 = arith.constant 0 : i32
    %scan3A_77 = arith.constant 0 : i32
    %scan3A_78 = arith.constant 64 : i32
    %scan3A_79 = arith.addi %scan3A_77, %scan3A_78 : i32
    %scan3A_80 = arith.constant 1 : i32
    scf.for %scan3A_366 = %scan3A_77 to %scan3A_79 step %scan3A_80  : i32 {
      %mul3A_367 = arith.constant 128 : i32
      %mul3A_368 = arith.muli %scan3A_366, %mul3A_367 : i32
      %add3A_369 = arith.constant 0 : i32
      %add3A_370 = arith.addi %mul3A_368, %add3A_369 : i32
      %get3A = arith.index_cast %add3A_370 : i32 to index
      %get3A_371 = tpu.vector_load %arg6[%get3A] {strides = array<i32>} : memref<8192xi32, #tpu.memory_space<vmem>>, vector<16xi32>,
      %get3A_372 = vector.shape_cast %get3A_371 : vector<16xi32> to vector<16xi32>
      %mul3A_373 = arith.constant 128 : i32
      %mul3A_374 = vector.broadcast %mul3A_373 : i32 to vector<16xi32>
      %mul3A_375 = arith.muli %get3A_372, %mul3A_374 : vector<16xi32>
      %add3A_376 = arith.addi %mul3A_375, %add3A_3 : vector<16xi32>
      %swap3A = arith.index_cast %add3A_370 : i32 to index
      %swap3A_377 = tpu.vector_load %arg8[%swap3A] {strides = array<i32>} : memref<8192xi32, #tpu.memory_space<vmem>>, vector<16xi32>,
      %swap3A_378 = vector.shape_cast %swap3A_377 : vector<16xi32> to vector<16xi32>
      %swap3A_379 = vector.shape_cast %add3A_376 : vector<16xi32> to vector<16xi32>
      tpu.vector_store %arg8[%swap3A], %swap3A_379 {strides = array<i32>} : memref<8192xi32, #tpu.memory_space<vmem>>, vector<16xi32>,
      %mul3A_380 = arith.constant 128 : i32
      %mul3A_381 = arith.muli %scan3A_366, %mul3A_380 : i32
      %add3A_382 = arith.constant 16 : i32
      %add3A_383 = arith.addi %mul3A_381, %add3A_382 : i32
      %get3A_384 = arith.index_cast %add3A_383 : i32 to index
      %get3A_385 = tpu.vector_load %arg6[%get3A_384] {strides = array<i32>} : memref<8192xi32, #tpu.memory_space<vmem>>, vector<16xi32>,
      %get3A_386 = vector.shape_cast %get3A_385 : vector<16xi32> to vector<16xi32>
      %mul3A_387 = arith.constant 128 : i32
      %mul3A_388 = vector.broadcast %mul3A_387 : i32 to vector<16xi32>
      %mul3A_389 = arith.muli %get3A_386, %mul3A_388 : vector<16xi32>
      %add3A_390 = arith.addi %mul3A_389, %add3A_6 : vector<16xi32>
      %swap3A_391 = arith.index_cast %add3A_383 : i32 to index
      %swap3A_392 = tpu.vector_load %arg8[%swap3A_391] {strides = array<i32>} : memref<8192xi32, #tpu.memory_space<vmem>>, vector<16xi32>,
      %swap3A_393 = vector.shape_cast %swap3A_392 : vector<16xi32> to vector<16xi32>
      %swap3A_394 = vector.shape_cast %add3A_390 : vector<16xi32> to vector<16xi32>
      tpu.vector_store %arg8[%swap3A_391], %swap3A_394 {strides = array<i32>} : memref<8192xi32, #tpu.memory_space<vmem>>, vector<16xi32>,
      %mul3A_395 = arith.constant 128 : i32
      %mul3A_396 = arith.muli %scan3A_366, %mul3A_395 : i32
      %add3A_397 = arith.constant 32 : i32
      %add3A_398 = arith.addi %mul3A_396, %add3A_397 : i32
      %get3A_399 = arith.index_cast %add3A_398 : i32 to index
      %get3A_400 = tpu.vector_load %arg6[%get3A_399] {strides = array<i32>} : memref<8192xi32, #tpu.memory_space<vmem>>, vector<16xi32>,
      %get3A_401 = vector.shape_cast %get3A_400 : vector<16xi32> to vector<16xi32>
      %mul3A_402 = arith.constant 128 : i32
      %mul3A_403 = vector.broadcast %mul3A_402 : i32 to vector<16xi32>
      %mul3A_404 = arith.muli %get3A_401, %mul3A_403 : vector<16xi32>
      %add3A_405 = arith.addi %mul3A_404, %add3A_9 : vector<16xi32>
      %swap3A_406 = arith.index_cast %add3A_398 : i32 to index
      %swap3A_407 = tpu.vector_load %arg8[%swap3A_406] {strides = array<i32>} : memref<8192xi32, #tpu.memory_space<vmem>>, vector<16xi32>,
      %swap3A_408 = vector.shape_cast %swap3A_407 : vector<16xi32> to vector<16xi32>
      %swap3A_409 = vector.shape_cast %add3A_405 : vector<16xi32> to vector<16xi32>
      tpu.vector_store %arg8[%swap3A_406], %swap3A_409 {strides = array<i32>} : memref<8192xi32, #tpu.memory_space<vmem>>, vector<16xi32>,
      %mul3A_410 = arith.constant 128 : i32
      %mul3A_411 = arith.muli %scan3A_366, %mul3A_410 : i32
      %add3A_412 = arith.constant 48 : i32
      %add3A_413 = arith.addi %mul3A_411, %add3A_412 : i32
      %get3A_414 = arith.index_cast %add3A_413 : i32 to index
      %get3A_415 = tpu.vector_load %arg6[%get3A_414] {strides = array<i32>} : memref<8192xi32, #tpu.memory_space<vmem>>, vector<16xi32>,
      %get3A_416 = vector.shape_cast %get3A_415 : vector<16xi32> to vector<16xi32>
      %mul3A_417 = arith.constant 128 : i32
      %mul3A_418 = vector.broadcast %mul3A_417 : i32 to vector<16xi32>
      %mul3A_419 = arith.muli %get3A_416, %mul3A_418 : vector<16xi32>
      %add3A_420 = arith.addi %mul3A_419, %add3A_12 : vector<16xi32>
      %swap3A_421 = arith.index_cast %add3A_413 : i32 to index
      %swap3A_422 = tpu.vector_load %arg8[%swap3A_421] {strides = array<i32>} : memref<8192xi32, #tpu.memory_space<vmem>>, vector<16xi32>,
      %swap3A_423 = vector.shape_cast %swap3A_422 : vector<16xi32> to vector<16xi32>
      %swap3A_424 = vector.shape_cast %add3A_420 : vector<16xi32> to vector<16xi32>
      tpu.vector_store %arg8[%swap3A_421], %swap3A_424 {strides = array<i32>} : memref<8192xi32, #tpu.memory_space<vmem>>, vector<16xi32>,
      %mul3A_425 = arith.constant 128 : i32
      %mul3A_426 = arith.muli %scan3A_366, %mul3A_425 : i32
      %add3A_427 = arith.constant 64 : i32
      %add3A_428 = arith.addi %mul3A_426, %add3A_427 : i32
      %get3A_429 = arith.index_cast %add3A_428 : i32 to index
      %get3A_430 = tpu.vector_load %arg6[%get3A_429] {strides = array<i32>} : memref<8192xi32, #tpu.memory_space<vmem>>, vector<16xi32>,
      %get3A_431 = vector.shape_cast %get3A_430 : vector<16xi32> to vector<16xi32>
      %mul3A_432 = arith.constant 128 : i32
      %mul3A_433 = vector.broadcast %mul3A_432 : i32 to vector<16xi32>
      %mul3A_434 = arith.muli %get3A_431, %mul3A_433 : vector<16xi32>
      %add3A_435 = arith.addi %mul3A_434, %add3A_15 : vector<16xi32>
      %swap3A_436 = arith.index_cast %add3A_428 : i32 to index
      %swap3A_437 = tpu.vector_load %arg8[%swap3A_436] {strides = array<i32>} : memref<8192xi32, #tpu.memory_space<vmem>>, vector<16xi32>,
      %swap3A_438 = vector.shape_cast %swap3A_437 : vector<16xi32> to vector<16xi32>
      %swap3A_439 = vector.shape_cast %add3A_435 : vector<16xi32> to vector<16xi32>
      tpu.vector_store %arg8[%swap3A_436], %swap3A_439 {strides = array<i32>} : memref<8192xi32, #tpu.memory_space<vmem>>, vector<16xi32>,
      %mul3A_440 = arith.constant 128 : i32
      %mul3A_441 = arith.muli %scan3A_366, %mul3A_440 : i32
      %add3A_442 = arith.constant 80 : i32
      %add3A_443 = arith.addi %mul3A_441, %add3A_442 : i32
      %get3A_444 = arith.index_cast %add3A_443 : i32 to index
      %get3A_445 = tpu.vector_load %arg6[%get3A_444] {strides = array<i32>} : memref<8192xi32, #tpu.memory_space<vmem>>, vector<16xi32>,
      %get3A_446 = vector.shape_cast %get3A_445 : vector<16xi32> to vector<16xi32>
      %mul3A_447 = arith.constant 128 : i32
      %mul3A_448 = vector.broadcast %mul3A_447 : i32 to vector<16xi32>
      %mul3A_449 = arith.muli %get3A_446, %mul3A_448 : vector<16xi32>
      %add3A_450 = arith.addi %mul3A_449, %add3A_18 : vector<16xi32>
      %swap3A_451 = arith.index_cast %add3A_443 : i32 to index
      %swap3A_452 = tpu.vector_load %arg8[%swap3A_451] {strides = array<i32>} : memref<8192xi32, #tpu.memory_space<vmem>>, vector<16xi32>,
      %swap3A_453 = vector.shape_cast %swap3A_452 : vector<16xi32> to vector<16xi32>
      %swap3A_454 = vector.shape_cast %add3A_450 : vector<16xi32> to vector<16xi32>
      tpu.vector_store %arg8[%swap3A_451], %swap3A_454 {strides = array<i32>} : memref<8192xi32, #tpu.memory_space<vmem>>, vector<16xi32>,
      %mul3A_455 = arith.constant 128 : i32
      %mul3A_456 = arith.muli %scan3A_366, %mul3A_455 : i32
      %add3A_457 = arith.constant 96 : i32
      %add3A_458 = arith.addi %mul3A_456, %add3A_457 : i32
      %get3A_459 = arith.index_cast %add3A_458 : i32 to index
      %get3A_460 = tpu.vector_load %arg6[%get3A_459] {strides = array<i32>} : memref<8192xi32, #tpu.memory_space<vmem>>, vector<16xi32>,
      %get3A_461 = vector.shape_cast %get3A_460 : vector<16xi32> to vector<16xi32>
      %mul3A_462 = arith.constant 128 : i32
      %mul3A_463 = vector.broadcast %mul3A_462 : i32 to vector<16xi32>
      %mul3A_464 = arith.muli %get3A_461, %mul3A_463 : vector<16xi32>
      %add3A_465 = arith.addi %mul3A_464, %add3A_21 : vector<16xi32>
      %swap3A_466 = arith.index_cast %add3A_458 : i32 to index
      %swap3A_467 = tpu.vector_load %arg8[%swap3A_466] {strides = array<i32>} : memref<8192xi32, #tpu.memory_space<vmem>>, vector<16xi32>,
      %swap3A_468 = vector.shape_cast %swap3A_467 : vector<16xi32> to vector<16xi32>
      %swap3A_469 = vector.shape_cast %add3A_465 : vector<16xi32> to vector<16xi32>
      tpu.vector_store %arg8[%swap3A_466], %swap3A_469 {strides = array<i32>} : memref<8192xi32, #tpu.memory_space<vmem>>, vector<16xi32>,
      %mul3A_470 = arith.constant 128 : i32
      %mul3A_471 = arith.muli %scan3A_366, %mul3A_470 : i32
      %add3A_472 = arith.constant 112 : i32
      %add3A_473 = arith.addi %mul3A_471, %add3A_472 : i32
      %get3A_474 = arith.index_cast %add3A_473 : i32 to index
      %get3A_475 = tpu.vector_load %arg6[%get3A_474] {strides = array<i32>} : memref<8192xi32, #tpu.memory_space<vmem>>, vector<16xi32>,
      %get3A_476 = vector.shape_cast %get3A_475 : vector<16xi32> to vector<16xi32>
      %mul3A_477 = arith.constant 128 : i32
      %mul3A_478 = vector.broadcast %mul3A_477 : i32 to vector<16xi32>
      %mul3A_479 = arith.muli %get3A_476, %mul3A_478 : vector<16xi32>
      %add3A_480 = arith.addi %mul3A_479, %add3A_24 : vector<16xi32>
      %swap3A_481 = arith.index_cast %add3A_473 : i32 to index
      %swap3A_482 = tpu.vector_load %arg8[%swap3A_481] {strides = array<i32>} : memref<8192xi32, #tpu.memory_space<vmem>>, vector<16xi32>,
      %swap3A_483 = vector.shape_cast %swap3A_482 : vector<16xi32> to vector<16xi32>
      %swap3A_484 = vector.shape_cast %add3A_480 : vector<16xi32> to vector<16xi32>
      tpu.vector_store %arg8[%swap3A_481], %swap3A_484 {strides = array<i32>} : memref<8192xi32, #tpu.memory_space<vmem>>, vector<16xi32>,
    }
    %scan3A_81 = arith.constant 64 : i32
    %dma_start3A_82 = arith.constant 0 : i32
    %dma_start3A_83 = tpu.memref_slice %arg10[%dma_start3A_82] : memref<8192xf32, #tpu.memory_space<vmem>> -> memref<8192xf32, #tpu.memory_space<vmem>>
    %dma_start3A_84 = arith.constant 0 : i32
    %dma_start3A_85 = tpu.memref_slice %arg8[%dma_start3A_84] : memref<8192xi32, #tpu.memory_space<vmem>> -> memref<8192xi32, #tpu.memory_space<vmem>>
    %dma_start3A_86 = arith.constant 0 : i32
    %dma_start3A_87 = tpu.memref_slice %arg2[%dma_start3A_86] : memref<12800000xf32, #tpu.memory_space<hbm>> -> memref<12800000xf32, #tpu.memory_space<hbm>>
    tpu.enqueue_indirect_dma source(%dma_start3A_87 : memref<12800000xf32, #tpu.memory_space<hbm>>) target(%dma_start3A_83 : memref<8192xf32, #tpu.memory_space<vmem>>) offsets(%dma_start3A_85 : memref<8192xi32, #tpu.memory_space<vmem>>) semaphore(%arg14 : memref<!tpu.dma_semaphore, #tpu.memory_space<semaphore_mem>>)
    %add3A_88 = arith.constant 0 : i32
    %add3A_89 = arith.addi %mul3A_26, %add3A_88 : i32
    %dma_wait3A_90 = arith.constant 0 : i32
    %dma_wait3A_91 = tpu.memref_slice %arg9[%dma_wait3A_90] : memref<8192xf32, #tpu.memory_space<vmem>> -> memref<1024xf32, #tpu.memory_space<vmem>>
    %dma_wait3A_92 = tpu.memref_slice %arg4[%add3A_89] : memref<2097152xf32, #tpu.memory_space<hbm>> -> memref<1024xf32, #tpu.memory_space<hbm>>
    %dma_wait3A_93 = arith.constant 0 : i32
    %dma_wait3A_94 = tpu.memref_slice %arg9[%dma_wait3A_93] : memref<8192xf32, #tpu.memory_space<vmem>> -> memref<1024xf32, #tpu.memory_space<vmem>>
    %dma_wait3A_95 = tpu.memref_slice %arg4[%add3A_89] : memref<2097152xf32, #tpu.memory_space<hbm>> -> memref<1024xf32, #tpu.memory_space<hbm>>
    tpu.wait_dma2 semaphore(%arg13 : memref<!tpu.dma_semaphore, #tpu.memory_space<semaphore_mem>>) src(%dma_wait3A_95 : memref<1024xf32, #tpu.memory_space<hbm>>) dst(%dma_wait3A_94 : memref<1024xf32, #tpu.memory_space<vmem>>)
    %add3A_96 = arith.constant 0 : i32
    %add3A_97 = arith.addi %mul3A_26, %add3A_96 : i32
    "tpu.region"() ({
      %run_scoped3A = tpu.sem_alloc : memref<!tpu.dma_semaphore, #tpu.memory_space<semaphore_mem>>
      %dma_start3A_366 = arith.constant 0 : i32
      %dma_start3A_367 = tpu.memref_slice %arg9[%dma_start3A_366] : memref<8192xf32, #tpu.memory_space<vmem>> -> memref<1024xf32, #tpu.memory_space<vmem>>
      %dma_start3A_368 = tpu.memref_slice %arg4[%add3A_97] : memref<2097152xf32, #tpu.memory_space<hbm>> -> memref<1024xf32, #tpu.memory_space<hbm>>
      %dma_start3A_369 = tpu.memref_slice %arg4[%add3A_97] : memref<2097152xf32, #tpu.memory_space<hbm>> -> memref<1024xf32, #tpu.memory_space<hbm>>
      %dma_start3A_370 = arith.constant 0 : i32
      %dma_start3A_371 = tpu.memref_slice %arg9[%dma_start3A_370] : memref<8192xf32, #tpu.memory_space<vmem>> -> memref<1024xf32, #tpu.memory_space<vmem>>
      tpu.enqueue_dma source(%dma_start3A_371 : memref<1024xf32, #tpu.memory_space<vmem>>) target(%dma_start3A_369 : memref<1024xf32, #tpu.memory_space<hbm>>) target_semaphore(%run_scoped3A : memref<!tpu.dma_semaphore, #tpu.memory_space<semaphore_mem>>)
      %dma_wait3A_372 = arith.constant 0 : i32
      %dma_wait3A_373 = tpu.memref_slice %arg9[%dma_wait3A_372] : memref<8192xf32, #tpu.memory_space<vmem>> -> memref<1024xf32, #tpu.memory_space<vmem>>
      %dma_wait3A_374 = tpu.memref_slice %arg4[%add3A_97] : memref<2097152xf32, #tpu.memory_space<hbm>> -> memref<1024xf32, #tpu.memory_space<hbm>>
      %dma_wait3A_375 = tpu.memref_slice %arg4[%add3A_97] : memref<2097152xf32, #tpu.memory_space<hbm>> -> memref<1024xf32, #tpu.memory_space<hbm>>
      %dma_wait3A_376 = arith.constant 0 : i32
      %dma_wait3A_377 = tpu.memref_slice %arg9[%dma_wait3A_376] : memref<8192xf32, #tpu.memory_space<vmem>> -> memref<1024xf32, #tpu.memory_space<vmem>>
      tpu.wait_dma2 semaphore(%run_scoped3A : memref<!tpu.dma_semaphore, #tpu.memory_space<semaphore_mem>>) src(%dma_wait3A_377 : memref<1024xf32, #tpu.memory_space<vmem>>) dst(%dma_wait3A_375 : memref<1024xf32, #tpu.memory_space<hbm>>)
      tpu.yield
    }) : () -> ()
    %add3A_98 = arith.constant 9216 : i32
    %add3A_99 = arith.addi %mul3A_26, %add3A_98 : i32
    %dma_wait3A_100 = arith.constant 0 : i32
    %dma_wait3A_101 = tpu.memref_slice %arg5[%dma_wait3A_100] : memref<8192xi32, #tpu.memory_space<vmem>> -> memref<8192xi32, #tpu.memory_space<vmem>>
    %dma_wait3A_102 = tpu.memref_slice %arg3[%add3A_99] : memref<2097152xi32, #tpu.memory_space<hbm>> -> memref<8192xi32, #tpu.memory_space<hbm>>
    %dma_wait3A_103 = arith.constant 0 : i32
    %dma_wait3A_104 = tpu.memref_slice %arg5[%dma_wait3A_103] : memref<8192xi32, #tpu.memory_space<vmem>> -> memref<8192xi32, #tpu.memory_space<vmem>>
    %dma_wait3A_105 = tpu.memref_slice %arg3[%add3A_99] : memref<2097152xi32, #tpu.memory_space<hbm>> -> memref<8192xi32, #tpu.memory_space<hbm>>
    tpu.wait_dma2 semaphore(%arg11 : memref<!tpu.dma_semaphore, #tpu.memory_space<semaphore_mem>>) src(%dma_wait3A_105 : memref<8192xi32, #tpu.memory_space<hbm>>) dst(%dma_wait3A_104 : memref<8192xi32, #tpu.memory_space<vmem>>)
    %add3A_106 = arith.constant 17408 : i32
    %add3A_107 = arith.addi %mul3A_26, %add3A_106 : i32
    %dma_start3A_108 = arith.constant 0 : i32
    %dma_start3A_109 = tpu.memref_slice %arg6[%dma_start3A_108] : memref<8192xi32, #tpu.memory_space<vmem>> -> memref<8192xi32, #tpu.memory_space<vmem>>
    %dma_start3A_110 = tpu.memref_slice %arg3[%add3A_107] : memref<2097152xi32, #tpu.memory_space<hbm>> -> memref<8192xi32, #tpu.memory_space<hbm>>
    %dma_start3A_111 = arith.constant 0 : i32
    %dma_start3A_112 = tpu.memref_slice %arg6[%dma_start3A_111] : memref<8192xi32, #tpu.memory_space<vmem>> -> memref<8192xi32, #tpu.memory_space<vmem>>
    %dma_start3A_113 = tpu.memref_slice %arg3[%add3A_107] : memref<2097152xi32, #tpu.memory_space<hbm>> -> memref<8192xi32, #tpu.memory_space<hbm>>
    tpu.enqueue_dma source(%dma_start3A_113 : memref<8192xi32, #tpu.memory_space<hbm>>) target(%dma_start3A_112 : memref<8192xi32, #tpu.memory_space<vmem>>) target_semaphore(%arg12 : memref<!tpu.dma_semaphore, #tpu.memory_space<semaphore_mem>>)
    %scan3A_114 = arith.constant 0 : i32
    %scan3A_115 = arith.constant 0 : i32
    %scan3A_116 = arith.constant 64 : i32
    %scan3A_117 = arith.addi %scan3A_115, %scan3A_116 : i32
    %scan3A_118 = arith.constant 1 : i32
    scf.for %scan3A_366 = %scan3A_115 to %scan3A_117 step %scan3A_118  : i32 {
      %mul3A_367 = arith.constant 128 : i32
      %mul3A_368 = arith.muli %scan3A_366, %mul3A_367 : i32
      %add3A_369 = arith.constant 0 : i32
      %add3A_370 = arith.addi %mul3A_368, %add3A_369 : i32
      %get3A = arith.index_cast %add3A_370 : i32 to index
      %get3A_371 = tpu.vector_load %arg5[%get3A] {strides = array<i32>} : memref<8192xi32, #tpu.memory_space<vmem>>, vector<16xi32>,
      %get3A_372 = vector.shape_cast %get3A_371 : vector<16xi32> to vector<16xi32>
      %mul3A_373 = arith.constant 128 : i32
      %mul3A_374 = vector.broadcast %mul3A_373 : i32 to vector<16xi32>
      %mul3A_375 = arith.muli %get3A_372, %mul3A_374 : vector<16xi32>
      %add3A_376 = arith.addi %mul3A_375, %add3A_3 : vector<16xi32>
      %swap3A = arith.index_cast %add3A_370 : i32 to index
      %swap3A_377 = tpu.vector_load %arg7[%swap3A] {strides = array<i32>} : memref<8192xi32, #tpu.memory_space<vmem>>, vector<16xi32>,
      %swap3A_378 = vector.shape_cast %swap3A_377 : vector<16xi32> to vector<16xi32>
      %swap3A_379 = vector.shape_cast %add3A_376 : vector<16xi32> to vector<16xi32>
      tpu.vector_store %arg7[%swap3A], %swap3A_379 {strides = array<i32>} : memref<8192xi32, #tpu.memory_space<vmem>>, vector<16xi32>,
      %mul3A_380 = arith.constant 128 : i32
      %mul3A_381 = arith.muli %scan3A_366, %mul3A_380 : i32
      %add3A_382 = arith.constant 16 : i32
      %add3A_383 = arith.addi %mul3A_381, %add3A_382 : i32
      %get3A_384 = arith.index_cast %add3A_383 : i32 to index
      %get3A_385 = tpu.vector_load %arg5[%get3A_384] {strides = array<i32>} : memref<8192xi32, #tpu.memory_space<vmem>>, vector<16xi32>,
      %get3A_386 = vector.shape_cast %get3A_385 : vector<16xi32> to vector<16xi32>
      %mul3A_387 = arith.constant 128 : i32
      %mul3A_388 = vector.broadcast %mul3A_387 : i32 to vector<16xi32>
      %mul3A_389 = arith.muli %get3A_386, %mul3A_388 : vector<16xi32>
      %add3A_390 = arith.addi %mul3A_389, %add3A_6 : vector<16xi32>
      %swap3A_391 = arith.index_cast %add3A_383 : i32 to index
      %swap3A_392 = tpu.vector_load %arg7[%swap3A_391] {strides = array<i32>} : memref<8192xi32, #tpu.memory_space<vmem>>, vector<16xi32>,
      %swap3A_393 = vector.shape_cast %swap3A_392 : vector<16xi32> to vector<16xi32>
      %swap3A_394 = vector.shape_cast %add3A_390 : vector<16xi32> to vector<16xi32>
      tpu.vector_store %arg7[%swap3A_391], %swap3A_394 {strides = array<i32>} : memref<8192xi32, #tpu.memory_space<vmem>>, vector<16xi32>,
      %mul3A_395 = arith.constant 128 : i32
      %mul3A_396 = arith.muli %scan3A_366, %mul3A_395 : i32
      %add3A_397 = arith.constant 32 : i32
      %add3A_398 = arith.addi %mul3A_396, %add3A_397 : i32
      %get3A_399 = arith.index_cast %add3A_398 : i32 to index
      %get3A_400 = tpu.vector_load %arg5[%get3A_399] {strides = array<i32>} : memref<8192xi32, #tpu.memory_space<vmem>>, vector<16xi32>,
      %get3A_401 = vector.shape_cast %get3A_400 : vector<16xi32> to vector<16xi32>
      %mul3A_402 = arith.constant 128 : i32
      %mul3A_403 = vector.broadcast %mul3A_402 : i32 to vector<16xi32>
      %mul3A_404 = arith.muli %get3A_401, %mul3A_403 : vector<16xi32>
      %add3A_405 = arith.addi %mul3A_404, %add3A_9 : vector<16xi32>
      %swap3A_406 = arith.index_cast %add3A_398 : i32 to index
      %swap3A_407 = tpu.vector_load %arg7[%swap3A_406] {strides = array<i32>} : memref<8192xi32, #tpu.memory_space<vmem>>, vector<16xi32>,
      %swap3A_408 = vector.shape_cast %swap3A_407 : vector<16xi32> to vector<16xi32>
      %swap3A_409 = vector.shape_cast %add3A_405 : vector<16xi32> to vector<16xi32>
      tpu.vector_store %arg7[%swap3A_406], %swap3A_409 {strides = array<i32>} : memref<8192xi32, #tpu.memory_space<vmem>>, vector<16xi32>,
      %mul3A_410 = arith.constant 128 : i32
      %mul3A_411 = arith.muli %scan3A_366, %mul3A_410 : i32
      %add3A_412 = arith.constant 48 : i32
      %add3A_413 = arith.addi %mul3A_411, %add3A_412 : i32
      %get3A_414 = arith.index_cast %add3A_413 : i32 to index
      %get3A_415 = tpu.vector_load %arg5[%get3A_414] {strides = array<i32>} : memref<8192xi32, #tpu.memory_space<vmem>>, vector<16xi32>,
      %get3A_416 = vector.shape_cast %get3A_415 : vector<16xi32> to vector<16xi32>
      %mul3A_417 = arith.constant 128 : i32
      %mul3A_418 = vector.broadcast %mul3A_417 : i32 to vector<16xi32>
      %mul3A_419 = arith.muli %get3A_416, %mul3A_418 : vector<16xi32>
      %add3A_420 = arith.addi %mul3A_419, %add3A_12 : vector<16xi32>
      %swap3A_421 = arith.index_cast %add3A_413 : i32 to index
      %swap3A_422 = tpu.vector_load %arg7[%swap3A_421] {strides = array<i32>} : memref<8192xi32, #tpu.memory_space<vmem>>, vector<16xi32>,
      %swap3A_423 = vector.shape_cast %swap3A_422 : vector<16xi32> to vector<16xi32>
      %swap3A_424 = vector.shape_cast %add3A_420 : vector<16xi32> to vector<16xi32>
      tpu.vector_store %arg7[%swap3A_421], %swap3A_424 {strides = array<i32>} : memref<8192xi32, #tpu.memory_space<vmem>>, vector<16xi32>,
      %mul3A_425 = arith.constant 128 : i32
      %mul3A_426 = arith.muli %scan3A_366, %mul3A_425 : i32
      %add3A_427 = arith.constant 64 : i32
      %add3A_428 = arith.addi %mul3A_426, %add3A_427 : i32
      %get3A_429 = arith.index_cast %add3A_428 : i32 to index
      %get3A_430 = tpu.vector_load %arg5[%get3A_429] {strides = array<i32>} : memref<8192xi32, #tpu.memory_space<vmem>>, vector<16xi32>,
      %get3A_431 = vector.shape_cast %get3A_430 : vector<16xi32> to vector<16xi32>
      %mul3A_432 = arith.constant 128 : i32
      %mul3A_433 = vector.broadcast %mul3A_432 : i32 to vector<16xi32>
      %mul3A_434 = arith.muli %get3A_431, %mul3A_433 : vector<16xi32>
      %add3A_435 = arith.addi %mul3A_434, %add3A_15 : vector<16xi32>
      %swap3A_436 = arith.index_cast %add3A_428 : i32 to index
      %swap3A_437 = tpu.vector_load %arg7[%swap3A_436] {strides = array<i32>} : memref<8192xi32, #tpu.memory_space<vmem>>, vector<16xi32>,
      %swap3A_438 = vector.shape_cast %swap3A_437 : vector<16xi32> to vector<16xi32>
      %swap3A_439 = vector.shape_cast %add3A_435 : vector<16xi32> to vector<16xi32>
      tpu.vector_store %arg7[%swap3A_436], %swap3A_439 {strides = array<i32>} : memref<8192xi32, #tpu.memory_space<vmem>>, vector<16xi32>,
      %mul3A_440 = arith.constant 128 : i32
      %mul3A_441 = arith.muli %scan3A_366, %mul3A_440 : i32
      %add3A_442 = arith.constant 80 : i32
      %add3A_443 = arith.addi %mul3A_441, %add3A_442 : i32
      %get3A_444 = arith.index_cast %add3A_443 : i32 to index
      %get3A_445 = tpu.vector_load %arg5[%get3A_444] {strides = array<i32>} : memref<8192xi32, #tpu.memory_space<vmem>>, vector<16xi32>,
      %get3A_446 = vector.shape_cast %get3A_445 : vector<16xi32> to vector<16xi32>
      %mul3A_447 = arith.constant 128 : i32
      %mul3A_448 = vector.broadcast %mul3A_447 : i32 to vector<16xi32>
      %mul3A_449 = arith.muli %get3A_446, %mul3A_448 : vector<16xi32>
      %add3A_450 = arith.addi %mul3A_449, %add3A_18 : vector<16xi32>
      %swap3A_451 = arith.index_cast %add3A_443 : i32 to index
      %swap3A_452 = tpu.vector_load %arg7[%swap3A_451] {strides = array<i32>} : memref<8192xi32, #tpu.memory_space<vmem>>, vector<16xi32>,
      %swap3A_453 = vector.shape_cast %swap3A_452 : vector<16xi32> to vector<16xi32>
      %swap3A_454 = vector.shape_cast %add3A_450 : vector<16xi32> to vector<16xi32>
      tpu.vector_store %arg7[%swap3A_451], %swap3A_454 {strides = array<i32>} : memref<8192xi32, #tpu.memory_space<vmem>>, vector<16xi32>,
      %mul3A_455 = arith.constant 128 : i32
      %mul3A_456 = arith.muli %scan3A_366, %mul3A_455 : i32
      %add3A_457 = arith.constant 96 : i32
      %add3A_458 = arith.addi %mul3A_456, %add3A_457 : i32
      %get3A_459 = arith.index_cast %add3A_458 : i32 to index
      %get3A_460 = tpu.vector_load %arg5[%get3A_459] {strides = array<i32>} : memref<8192xi32, #tpu.memory_space<vmem>>, vector<16xi32>,
      %get3A_461 = vector.shape_cast %get3A_460 : vector<16xi32> to vector<16xi32>
      %mul3A_462 = arith.constant 128 : i32
      %mul3A_463 = vector.broadcast %mul3A_462 : i32 to vector<16xi32>
      %mul3A_464 = arith.muli %get3A_461, %mul3A_463 : vector<16xi32>
      %add3A_465 = arith.addi %mul3A_464, %add3A_21 : vector<16xi32>
      %swap3A_466 = arith.index_cast %add3A_458 : i32 to index
      %swap3A_467 = tpu.vector_load %arg7[%swap3A_466] {strides = array<i32>} : memref<8192xi32, #tpu.memory_space<vmem>>, vector<16xi32>,
      %swap3A_468 = vector.shape_cast %swap3A_467 : vector<16xi32> to vector<16xi32>
      %swap3A_469 = vector.shape_cast %add3A_465 : vector<16xi32> to vector<16xi32>
      tpu.vector_store %arg7[%swap3A_466], %swap3A_469 {strides = array<i32>} : memref<8192xi32, #tpu.memory_space<vmem>>, vector<16xi32>,
      %mul3A_470 = arith.constant 128 : i32
      %mul3A_471 = arith.muli %scan3A_366, %mul3A_470 : i32
      %add3A_472 = arith.constant 112 : i32
      %add3A_473 = arith.addi %mul3A_471, %add3A_472 : i32
      %get3A_474 = arith.index_cast %add3A_473 : i32 to index
      %get3A_475 = tpu.vector_load %arg5[%get3A_474] {strides = array<i32>} : memref<8192xi32, #tpu.memory_space<vmem>>, vector<16xi32>,
      %get3A_476 = vector.shape_cast %get3A_475 : vector<16xi32> to vector<16xi32>
      %mul3A_477 = arith.constant 128 : i32
      %mul3A_478 = vector.broadcast %mul3A_477 : i32 to vector<16xi32>
      %mul3A_479 = arith.muli %get3A_476, %mul3A_478 : vector<16xi32>
      %add3A_480 = arith.addi %mul3A_479, %add3A_24 : vector<16xi32>
      %swap3A_481 = arith.index_cast %add3A_473 : i32 to index
      %swap3A_482 = tpu.vector_load %arg7[%swap3A_481] {strides = array<i32>} : memref<8192xi32, #tpu.memory_space<vmem>>, vector<16xi32>,
      %swap3A_483 = vector.shape_cast %swap3A_482 : vector<16xi32> to vector<16xi32>
      %swap3A_484 = vector.shape_cast %add3A_480 : vector<16xi32> to vector<16xi32>
      tpu.vector_store %arg7[%swap3A_481], %swap3A_484 {strides = array<i32>} : memref<8192xi32, #tpu.memory_space<vmem>>, vector<16xi32>,
    }
    %scan3A_119 = arith.constant 64 : i32
    %dma_start3A_120 = arith.constant 0 : i32
    %dma_start3A_121 = tpu.memref_slice %arg9[%dma_start3A_120] : memref<8192xf32, #tpu.memory_space<vmem>> -> memref<8192xf32, #tpu.memory_space<vmem>>
    %dma_start3A_122 = arith.constant 0 : i32
    %dma_start3A_123 = tpu.memref_slice %arg7[%dma_start3A_122] : memref<8192xi32, #tpu.memory_space<vmem>> -> memref<8192xi32, #tpu.memory_space<vmem>>
    %dma_start3A_124 = arith.constant 0 : i32
    %dma_start3A_125 = tpu.memref_slice %arg2[%dma_start3A_124] : memref<12800000xf32, #tpu.memory_space<hbm>> -> memref<12800000xf32, #tpu.memory_space<hbm>>
    tpu.enqueue_indirect_dma source(%dma_start3A_125 : memref<12800000xf32, #tpu.memory_space<hbm>>) target(%dma_start3A_121 : memref<8192xf32, #tpu.memory_space<vmem>>) offsets(%dma_start3A_123 : memref<8192xi32, #tpu.memory_space<vmem>>) semaphore(%arg13 : memref<!tpu.dma_semaphore, #tpu.memory_space<semaphore_mem>>)
    %add3A_126 = arith.constant 1024 : i32
    %add3A_127 = arith.addi %mul3A_26, %add3A_126 : i32
    %dma_wait3A_128 = arith.constant 0 : i32
    %dma_wait3A_129 = tpu.memref_slice %arg10[%dma_wait3A_128] : memref<8192xf32, #tpu.memory_space<vmem>> -> memref<8192xf32, #tpu.memory_space<vmem>>
    %dma_wait3A_130 = tpu.memref_slice %arg4[%add3A_127] : memref<2097152xf32, #tpu.memory_space<hbm>> -> memref<8192xf32, #tpu.memory_space<hbm>>
    %dma_wait3A_131 = arith.constant 0 : i32
    %dma_wait3A_132 = tpu.memref_slice %arg10[%dma_wait3A_131] : memref<8192xf32, #tpu.memory_space<vmem>> -> memref<8192xf32, #tpu.memory_space<vmem>>
    %dma_wait3A_133 = tpu.memref_slice %arg4[%add3A_127] : memref<2097152xf32, #tpu.memory_space<hbm>> -> memref<8192xf32, #tpu.memory_space<hbm>>
    tpu.wait_dma2 semaphore(%arg14 : memref<!tpu.dma_semaphore, #tpu.memory_space<semaphore_mem>>) src(%dma_wait3A_133 : memref<8192xf32, #tpu.memory_space<hbm>>) dst(%dma_wait3A_132 : memref<8192xf32, #tpu.memory_space<vmem>>)
    %add3A_134 = arith.constant 1024 : i32
    %add3A_135 = arith.addi %mul3A_26, %add3A_134 : i32
    "tpu.region"() ({
      %run_scoped3A = tpu.sem_alloc : memref<!tpu.dma_semaphore, #tpu.memory_space<semaphore_mem>>
      %dma_start3A_366 = arith.constant 0 : i32
      %dma_start3A_367 = tpu.memref_slice %arg10[%dma_start3A_366] : memref<8192xf32, #tpu.memory_space<vmem>> -> memref<8192xf32, #tpu.memory_space<vmem>>
      %dma_start3A_368 = tpu.memref_slice %arg4[%add3A_135] : memref<2097152xf32, #tpu.memory_space<hbm>> -> memref<8192xf32, #tpu.memory_space<hbm>>
      %dma_start3A_369 = tpu.memref_slice %arg4[%add3A_135] : memref<2097152xf32, #tpu.memory_space<hbm>> -> memref<8192xf32, #tpu.memory_space<hbm>>
      %dma_start3A_370 = arith.constant 0 : i32
      %dma_start3A_371 = tpu.memref_slice %arg10[%dma_start3A_370] : memref<8192xf32, #tpu.memory_space<vmem>> -> memref<8192xf32, #tpu.memory_space<vmem>>
      tpu.enqueue_dma source(%dma_start3A_371 : memref<8192xf32, #tpu.memory_space<vmem>>) target(%dma_start3A_369 : memref<8192xf32, #tpu.memory_space<hbm>>) target_semaphore(%run_scoped3A : memref<!tpu.dma_semaphore, #tpu.memory_space<semaphore_mem>>)
      %dma_wait3A_372 = arith.constant 0 : i32
      %dma_wait3A_373 = tpu.memref_slice %arg10[%dma_wait3A_372] : memref<8192xf32, #tpu.memory_space<vmem>> -> memref<8192xf32, #tpu.memory_space<vmem>>
      %dma_wait3A_374 = tpu.memref_slice %arg4[%add3A_135] : memref<2097152xf32, #tpu.memory_space<hbm>> -> memref<8192xf32, #tpu.memory_space<hbm>>
      %dma_wait3A_375 = tpu.memref_slice %arg4[%add3A_135] : memref<2097152xf32, #tpu.memory_space<hbm>> -> memref<8192xf32, #tpu.memory_space<hbm>>
      %dma_wait3A_376 = arith.constant 0 : i32
      %dma_wait3A_377 = tpu.memref_slice %arg10[%dma_wait3A_376] : memref<8192xf32, #tpu.memory_space<vmem>> -> memref<8192xf32, #tpu.memory_space<vmem>>
      tpu.wait_dma2 semaphore(%run_scoped3A : memref<!tpu.dma_semaphore, #tpu.memory_space<semaphore_mem>>) src(%dma_wait3A_377 : memref<8192xf32, #tpu.memory_space<vmem>>) dst(%dma_wait3A_375 : memref<8192xf32, #tpu.memory_space<hbm>>)
      tpu.yield
    }) : () -> ()
    %add3A_136 = arith.constant 17408 : i32
    %add3A_137 = arith.addi %mul3A_26, %add3A_136 : i32
    %dma_wait3A_138 = arith.constant 0 : i32
    %dma_wait3A_139 = tpu.memref_slice %arg6[%dma_wait3A_138] : memref<8192xi32, #tpu.memory_space<vmem>> -> memref<8192xi32, #tpu.memory_space<vmem>>
    %dma_wait3A_140 = tpu.memref_slice %arg3[%add3A_137] : memref<2097152xi32, #tpu.memory_space<hbm>> -> memref<8192xi32, #tpu.memory_space<hbm>>
    %dma_wait3A_141 = arith.constant 0 : i32
    %dma_wait3A_142 = tpu.memref_slice %arg6[%dma_wait3A_141] : memref<8192xi32, #tpu.memory_space<vmem>> -> memref<8192xi32, #tpu.memory_space<vmem>>
    %dma_wait3A_143 = tpu.memref_slice %arg3[%add3A_137] : memref<2097152xi32, #tpu.memory_space<hbm>> -> memref<8192xi32, #tpu.memory_space<hbm>>
    tpu.wait_dma2 semaphore(%arg12 : memref<!tpu.dma_semaphore, #tpu.memory_space<semaphore_mem>>) src(%dma_wait3A_143 : memref<8192xi32, #tpu.memory_space<hbm>>) dst(%dma_wait3A_142 : memref<8192xi32, #tpu.memory_space<vmem>>)
    %add3A_144 = arith.constant 25600 : i32
    %add3A_145 = arith.addi %mul3A_26, %add3A_144 : i32
    %dma_start3A_146 = arith.constant 0 : i32
    %dma_start3A_147 = tpu.memref_slice %arg5[%dma_start3A_146] : memref<8192xi32, #tpu.memory_space<vmem>> -> memref<8192xi32, #tpu.memory_space<vmem>>
    %dma_start3A_148 = tpu.memref_slice %arg3[%add3A_145] : memref<2097152xi32, #tpu.memory_space<hbm>> -> memref<8192xi32, #tpu.memory_space<hbm>>
    %dma_start3A_149 = arith.constant 0 : i32
    %dma_start3A_150 = tpu.memref_slice %arg5[%dma_start3A_149] : memref<8192xi32, #tpu.memory_space<vmem>> -> memref<8192xi32, #tpu.memory_space<vmem>>
    %dma_start3A_151 = tpu.memref_slice %arg3[%add3A_145] : memref<2097152xi32, #tpu.memory_space<hbm>> -> memref<8192xi32, #tpu.memory_space<hbm>>
    tpu.enqueue_dma source(%dma_start3A_151 : memref<8192xi32, #tpu.memory_space<hbm>>) target(%dma_start3A_150 : memref<8192xi32, #tpu.memory_space<vmem>>) target_semaphore(%arg11 : memref<!tpu.dma_semaphore, #tpu.memory_space<semaphore_mem>>)
    %scan3A_152 = arith.constant 0 : i32
    %scan3A_153 = arith.constant 0 : i32
    %scan3A_154 = arith.constant 64 : i32
    %scan3A_155 = arith.addi %scan3A_153, %scan3A_154 : i32
    %scan3A_156 = arith.constant 1 : i32
    scf.for %scan3A_366 = %scan3A_153 to %scan3A_155 step %scan3A_156  : i32 {
      %mul3A_367 = arith.constant 128 : i32
      %mul3A_368 = arith.muli %scan3A_366, %mul3A_367 : i32
      %add3A_369 = arith.constant 0 : i32
      %add3A_370 = arith.addi %mul3A_368, %add3A_369 : i32
      %get3A = arith.index_cast %add3A_370 : i32 to index
      %get3A_371 = tpu.vector_load %arg6[%get3A] {strides = array<i32>} : memref<8192xi32, #tpu.memory_space<vmem>>, vector<16xi32>,
      %get3A_372 = vector.shape_cast %get3A_371 : vector<16xi32> to vector<16xi32>
      %mul3A_373 = arith.constant 128 : i32
      %mul3A_374 = vector.broadcast %mul3A_373 : i32 to vector<16xi32>
      %mul3A_375 = arith.muli %get3A_372, %mul3A_374 : vector<16xi32>
      %add3A_376 = arith.addi %mul3A_375, %add3A_3 : vector<16xi32>
      %swap3A = arith.index_cast %add3A_370 : i32 to index
      %swap3A_377 = tpu.vector_load %arg8[%swap3A] {strides = array<i32>} : memref<8192xi32, #tpu.memory_space<vmem>>, vector<16xi32>,
      %swap3A_378 = vector.shape_cast %swap3A_377 : vector<16xi32> to vector<16xi32>
      %swap3A_379 = vector.shape_cast %add3A_376 : vector<16xi32> to vector<16xi32>
      tpu.vector_store %arg8[%swap3A], %swap3A_379 {strides = array<i32>} : memref<8192xi32, #tpu.memory_space<vmem>>, vector<16xi32>,
      %mul3A_380 = arith.constant 128 : i32
      %mul3A_381 = arith.muli %scan3A_366, %mul3A_380 : i32
      %add3A_382 = arith.constant 16 : i32
      %add3A_383 = arith.addi %mul3A_381, %add3A_382 : i32
      %get3A_384 = arith.index_cast %add3A_383 : i32 to index
      %get3A_385 = tpu.vector_load %arg6[%get3A_384] {strides = array<i32>} : memref<8192xi32, #tpu.memory_space<vmem>>, vector<16xi32>,
      %get3A_386 = vector.shape_cast %get3A_385 : vector<16xi32> to vector<16xi32>
      %mul3A_387 = arith.constant 128 : i32
      %mul3A_388 = vector.broadcast %mul3A_387 : i32 to vector<16xi32>
      %mul3A_389 = arith.muli %get3A_386, %mul3A_388 : vector<16xi32>
      %add3A_390 = arith.addi %mul3A_389, %add3A_6 : vector<16xi32>
      %swap3A_391 = arith.index_cast %add3A_383 : i32 to index
      %swap3A_392 = tpu.vector_load %arg8[%swap3A_391] {strides = array<i32>} : memref<8192xi32, #tpu.memory_space<vmem>>, vector<16xi32>,
      %swap3A_393 = vector.shape_cast %swap3A_392 : vector<16xi32> to vector<16xi32>
      %swap3A_394 = vector.shape_cast %add3A_390 : vector<16xi32> to vector<16xi32>
      tpu.vector_store %arg8[%swap3A_391], %swap3A_394 {strides = array<i32>} : memref<8192xi32, #tpu.memory_space<vmem>>, vector<16xi32>,
      %mul3A_395 = arith.constant 128 : i32
      %mul3A_396 = arith.muli %scan3A_366, %mul3A_395 : i32
      %add3A_397 = arith.constant 32 : i32
      %add3A_398 = arith.addi %mul3A_396, %add3A_397 : i32
      %get3A_399 = arith.index_cast %add3A_398 : i32 to index
      %get3A_400 = tpu.vector_load %arg6[%get3A_399] {strides = array<i32>} : memref<8192xi32, #tpu.memory_space<vmem>>, vector<16xi32>,
      %get3A_401 = vector.shape_cast %get3A_400 : vector<16xi32> to vector<16xi32>
      %mul3A_402 = arith.constant 128 : i32
      %mul3A_403 = vector.broadcast %mul3A_402 : i32 to vector<16xi32>
      %mul3A_404 = arith.muli %get3A_401, %mul3A_403 : vector<16xi32>
      %add3A_405 = arith.addi %mul3A_404, %add3A_9 : vector<16xi32>
      %swap3A_406 = arith.index_cast %add3A_398 : i32 to index
      %swap3A_407 = tpu.vector_load %arg8[%swap3A_406] {strides = array<i32>} : memref<8192xi32, #tpu.memory_space<vmem>>, vector<16xi32>,
      %swap3A_408 = vector.shape_cast %swap3A_407 : vector<16xi32> to vector<16xi32>
      %swap3A_409 = vector.shape_cast %add3A_405 : vector<16xi32> to vector<16xi32>
      tpu.vector_store %arg8[%swap3A_406], %swap3A_409 {strides = array<i32>} : memref<8192xi32, #tpu.memory_space<vmem>>, vector<16xi32>,
      %mul3A_410 = arith.constant 128 : i32
      %mul3A_411 = arith.muli %scan3A_366, %mul3A_410 : i32
      %add3A_412 = arith.constant 48 : i32
      %add3A_413 = arith.addi %mul3A_411, %add3A_412 : i32
      %get3A_414 = arith.index_cast %add3A_413 : i32 to index
      %get3A_415 = tpu.vector_load %arg6[%get3A_414] {strides = array<i32>} : memref<8192xi32, #tpu.memory_space<vmem>>, vector<16xi32>,
      %get3A_416 = vector.shape_cast %get3A_415 : vector<16xi32> to vector<16xi32>
      %mul3A_417 = arith.constant 128 : i32
      %mul3A_418 = vector.broadcast %mul3A_417 : i32 to vector<16xi32>
      %mul3A_419 = arith.muli %get3A_416, %mul3A_418 : vector<16xi32>
      %add3A_420 = arith.addi %mul3A_419, %add3A_12 : vector<16xi32>
      %swap3A_421 = arith.index_cast %add3A_413 : i32 to index
      %swap3A_422 = tpu.vector_load %arg8[%swap3A_421] {strides = array<i32>} : memref<8192xi32, #tpu.memory_space<vmem>>, vector<16xi32>,
      %swap3A_423 = vector.shape_cast %swap3A_422 : vector<16xi32> to vector<16xi32>
      %swap3A_424 = vector.shape_cast %add3A_420 : vector<16xi32> to vector<16xi32>
      tpu.vector_store %arg8[%swap3A_421], %swap3A_424 {strides = array<i32>} : memref<8192xi32, #tpu.memory_space<vmem>>, vector<16xi32>,
      %mul3A_425 = arith.constant 128 : i32
      %mul3A_426 = arith.muli %scan3A_366, %mul3A_425 : i32
      %add3A_427 = arith.constant 64 : i32
      %add3A_428 = arith.addi %mul3A_426, %add3A_427 : i32
      %get3A_429 = arith.index_cast %add3A_428 : i32 to index
      %get3A_430 = tpu.vector_load %arg6[%get3A_429] {strides = array<i32>} : memref<8192xi32, #tpu.memory_space<vmem>>, vector<16xi32>,
      %get3A_431 = vector.shape_cast %get3A_430 : vector<16xi32> to vector<16xi32>
      %mul3A_432 = arith.constant 128 : i32
      %mul3A_433 = vector.broadcast %mul3A_432 : i32 to vector<16xi32>
      %mul3A_434 = arith.muli %get3A_431, %mul3A_433 : vector<16xi32>
      %add3A_435 = arith.addi %mul3A_434, %add3A_15 : vector<16xi32>
      %swap3A_436 = arith.index_cast %add3A_428 : i32 to index
      %swap3A_437 = tpu.vector_load %arg8[%swap3A_436] {strides = array<i32>} : memref<8192xi32, #tpu.memory_space<vmem>>, vector<16xi32>,
      %swap3A_438 = vector.shape_cast %swap3A_437 : vector<16xi32> to vector<16xi32>
      %swap3A_439 = vector.shape_cast %add3A_435 : vector<16xi32> to vector<16xi32>
      tpu.vector_store %arg8[%swap3A_436], %swap3A_439 {strides = array<i32>} : memref<8192xi32, #tpu.memory_space<vmem>>, vector<16xi32>,
      %mul3A_440 = arith.constant 128 : i32
      %mul3A_441 = arith.muli %scan3A_366, %mul3A_440 : i32
      %add3A_442 = arith.constant 80 : i32
      %add3A_443 = arith.addi %mul3A_441, %add3A_442 : i32
      %get3A_444 = arith.index_cast %add3A_443 : i32 to index
      %get3A_445 = tpu.vector_load %arg6[%get3A_444] {strides = array<i32>} : memref<8192xi32, #tpu.memory_space<vmem>>, vector<16xi32>,
      %get3A_446 = vector.shape_cast %get3A_445 : vector<16xi32> to vector<16xi32>
      %mul3A_447 = arith.constant 128 : i32
      %mul3A_448 = vector.broadcast %mul3A_447 : i32 to vector<16xi32>
      %mul3A_449 = arith.muli %get3A_446, %mul3A_448 : vector<16xi32>
      %add3A_450 = arith.addi %mul3A_449, %add3A_18 : vector<16xi32>
      %swap3A_451 = arith.index_cast %add3A_443 : i32 to index
      %swap3A_452 = tpu.vector_load %arg8[%swap3A_451] {strides = array<i32>} : memref<8192xi32, #tpu.memory_space<vmem>>, vector<16xi32>,
      %swap3A_453 = vector.shape_cast %swap3A_452 : vector<16xi32> to vector<16xi32>
      %swap3A_454 = vector.shape_cast %add3A_450 : vector<16xi32> to vector<16xi32>
      tpu.vector_store %arg8[%swap3A_451], %swap3A_454 {strides = array<i32>} : memref<8192xi32, #tpu.memory_space<vmem>>, vector<16xi32>,
      %mul3A_455 = arith.constant 128 : i32
      %mul3A_456 = arith.muli %scan3A_366, %mul3A_455 : i32
      %add3A_457 = arith.constant 96 : i32
      %add3A_458 = arith.addi %mul3A_456, %add3A_457 : i32
      %get3A_459 = arith.index_cast %add3A_458 : i32 to index
      %get3A_460 = tpu.vector_load %arg6[%get3A_459] {strides = array<i32>} : memref<8192xi32, #tpu.memory_space<vmem>>, vector<16xi32>,
      %get3A_461 = vector.shape_cast %get3A_460 : vector<16xi32> to vector<16xi32>
      %mul3A_462 = arith.constant 128 : i32
      %mul3A_463 = vector.broadcast %mul3A_462 : i32 to vector<16xi32>
      %mul3A_464 = arith.muli %get3A_461, %mul3A_463 : vector<16xi32>
      %add3A_465 = arith.addi %mul3A_464, %add3A_21 : vector<16xi32>
      %swap3A_466 = arith.index_cast %add3A_458 : i32 to index
      %swap3A_467 = tpu.vector_load %arg8[%swap3A_466] {strides = array<i32>} : memref<8192xi32, #tpu.memory_space<vmem>>, vector<16xi32>,
      %swap3A_468 = vector.shape_cast %swap3A_467 : vector<16xi32> to vector<16xi32>
      %swap3A_469 = vector.shape_cast %add3A_465 : vector<16xi32> to vector<16xi32>
      tpu.vector_store %arg8[%swap3A_466], %swap3A_469 {strides = array<i32>} : memref<8192xi32, #tpu.memory_space<vmem>>, vector<16xi32>,
      %mul3A_470 = arith.constant 128 : i32
      %mul3A_471 = arith.muli %scan3A_366, %mul3A_470 : i32
      %add3A_472 = arith.constant 112 : i32
      %add3A_473 = arith.addi %mul3A_471, %add3A_472 : i32
      %get3A_474 = arith.index_cast %add3A_473 : i32 to index
      %get3A_475 = tpu.vector_load %arg6[%get3A_474] {strides = array<i32>} : memref<8192xi32, #tpu.memory_space<vmem>>, vector<16xi32>,
      %get3A_476 = vector.shape_cast %get3A_475 : vector<16xi32> to vector<16xi32>
      %mul3A_477 = arith.constant 128 : i32
      %mul3A_478 = vector.broadcast %mul3A_477 : i32 to vector<16xi32>
      %mul3A_479 = arith.muli %get3A_476, %mul3A_478 : vector<16xi32>
      %add3A_480 = arith.addi %mul3A_479, %add3A_24 : vector<16xi32>
      %swap3A_481 = arith.index_cast %add3A_473 : i32 to index
      %swap3A_482 = tpu.vector_load %arg8[%swap3A_481] {strides = array<i32>} : memref<8192xi32, #tpu.memory_space<vmem>>, vector<16xi32>,
      %swap3A_483 = vector.shape_cast %swap3A_482 : vector<16xi32> to vector<16xi32>
      %swap3A_484 = vector.shape_cast %add3A_480 : vector<16xi32> to vector<16xi32>
      tpu.vector_store %arg8[%swap3A_481], %swap3A_484 {strides = array<i32>} : memref<8192xi32, #tpu.memory_space<vmem>>, vector<16xi32>,
    }
    %scan3A_157 = arith.constant 64 : i32
    %dma_start3A_158 = arith.constant 0 : i32
    %dma_start3A_159 = tpu.memref_slice %arg10[%dma_start3A_158] : memref<8192xf32, #tpu.memory_space<vmem>> -> memref<8192xf32, #tpu.memory_space<vmem>>
    %dma_start3A_160 = arith.constant 0 : i32
    %dma_start3A_161 = tpu.memref_slice %arg8[%dma_start3A_160] : memref<8192xi32, #tpu.memory_space<vmem>> -> memref<8192xi32, #tpu.memory_space<vmem>>
    %dma_start3A_162 = arith.constant 0 : i32
    %dma_start3A_163 = tpu.memref_slice %arg2[%dma_start3A_162] : memref<12800000xf32, #tpu.memory_space<hbm>> -> memref<12800000xf32, #tpu.memory_space<hbm>>
    tpu.enqueue_indirect_dma source(%dma_start3A_163 : memref<12800000xf32, #tpu.memory_space<hbm>>) target(%dma_start3A_159 : memref<8192xf32, #tpu.memory_space<vmem>>) offsets(%dma_start3A_161 : memref<8192xi32, #tpu.memory_space<vmem>>) semaphore(%arg14 : memref<!tpu.dma_semaphore, #tpu.memory_space<semaphore_mem>>)
    %add3A_164 = arith.constant 9216 : i32
    %add3A_165 = arith.addi %mul3A_26, %add3A_164 : i32
    %dma_wait3A_166 = arith.constant 0 : i32
    %dma_wait3A_167 = tpu.memref_slice %arg9[%dma_wait3A_166] : memref<8192xf32, #tpu.memory_space<vmem>> -> memref<8192xf32, #tpu.memory_space<vmem>>
    %dma_wait3A_168 = tpu.memref_slice %arg4[%add3A_165] : memref<2097152xf32, #tpu.memory_space<hbm>> -> memref<8192xf32, #tpu.memory_space<hbm>>
    %dma_wait3A_169 = arith.constant 0 : i32
    %dma_wait3A_170 = tpu.memref_slice %arg9[%dma_wait3A_169] : memref<8192xf32, #tpu.memory_space<vmem>> -> memref<8192xf32, #tpu.memory_space<vmem>>
    %dma_wait3A_171 = tpu.memref_slice %arg4[%add3A_165] : memref<2097152xf32, #tpu.memory_space<hbm>> -> memref<8192xf32, #tpu.memory_space<hbm>>
    tpu.wait_dma2 semaphore(%arg13 : memref<!tpu.dma_semaphore, #tpu.memory_space<semaphore_mem>>) src(%dma_wait3A_171 : memref<8192xf32, #tpu.memory_space<hbm>>) dst(%dma_wait3A_170 : memref<8192xf32, #tpu.memory_space<vmem>>)
    %add3A_172 = arith.constant 9216 : i32
    %add3A_173 = arith.addi %mul3A_26, %add3A_172 : i32
    "tpu.region"() ({
      %run_scoped3A = tpu.sem_alloc : memref<!tpu.dma_semaphore, #tpu.memory_space<semaphore_mem>>
      %dma_start3A_366 = arith.constant 0 : i32
      %dma_start3A_367 = tpu.memref_slice %arg9[%dma_start3A_366] : memref<8192xf32, #tpu.memory_space<vmem>> -> memref<8192xf32, #tpu.memory_space<vmem>>
      %dma_start3A_368 = tpu.memref_slice %arg4[%add3A_173] : memref<2097152xf32, #tpu.memory_space<hbm>> -> memref<8192xf32, #tpu.memory_space<hbm>>
      %dma_start3A_369 = tpu.memref_slice %arg4[%add3A_173] : memref<2097152xf32, #tpu.memory_space<hbm>> -> memref<8192xf32, #tpu.memory_space<hbm>>
      %dma_start3A_370 = arith.constant 0 : i32
      %dma_start3A_371 = tpu.memref_slice %arg9[%dma_start3A_370] : memref<8192xf32, #tpu.memory_space<vmem>> -> memref<8192xf32, #tpu.memory_space<vmem>>
      tpu.enqueue_dma source(%dma_start3A_371 : memref<8192xf32, #tpu.memory_space<vmem>>) target(%dma_start3A_369 : memref<8192xf32, #tpu.memory_space<hbm>>) target_semaphore(%run_scoped3A : memref<!tpu.dma_semaphore, #tpu.memory_space<semaphore_mem>>)
      %dma_wait3A_372 = arith.constant 0 : i32
      %dma_wait3A_373 = tpu.memref_slice %arg9[%dma_wait3A_372] : memref<8192xf32, #tpu.memory_space<vmem>> -> memref<8192xf32, #tpu.memory_space<vmem>>
      %dma_wait3A_374 = tpu.memref_slice %arg4[%add3A_173] : memref<2097152xf32, #tpu.memory_space<hbm>> -> memref<8192xf32, #tpu.memory_space<hbm>>
      %dma_wait3A_375 = tpu.memref_slice %arg4[%add3A_173] : memref<2097152xf32, #tpu.memory_space<hbm>> -> memref<8192xf32, #tpu.memory_space<hbm>>
      %dma_wait3A_376 = arith.constant 0 : i32
      %dma_wait3A_377 = tpu.memref_slice %arg9[%dma_wait3A_376] : memref<8192xf32, #tpu.memory_space<vmem>> -> memref<8192xf32, #tpu.memory_space<vmem>>
      tpu.wait_dma2 semaphore(%run_scoped3A : memref<!tpu.dma_semaphore, #tpu.memory_space<semaphore_mem>>) src(%dma_wait3A_377 : memref<8192xf32, #tpu.memory_space<vmem>>) dst(%dma_wait3A_375 : memref<8192xf32, #tpu.memory_space<hbm>>)
      tpu.yield
    }) : () -> ()
    %add3A_174 = arith.constant 25600 : i32
    %add3A_175 = arith.addi %mul3A_26, %add3A_174 : i32
    %dma_wait3A_176 = arith.constant 0 : i32
    %dma_wait3A_177 = tpu.memref_slice %arg5[%dma_wait3A_176] : memref<8192xi32, #tpu.memory_space<vmem>> -> memref<8192xi32, #tpu.memory_space<vmem>>
    %dma_wait3A_178 = tpu.memref_slice %arg3[%add3A_175] : memref<2097152xi32, #tpu.memory_space<hbm>> -> memref<8192xi32, #tpu.memory_space<hbm>>
    %dma_wait3A_179 = arith.constant 0 : i32
    %dma_wait3A_180 = tpu.memref_slice %arg5[%dma_wait3A_179] : memref<8192xi32, #tpu.memory_space<vmem>> -> memref<8192xi32, #tpu.memory_space<vmem>>
    %dma_wait3A_181 = tpu.memref_slice %arg3[%add3A_175] : memref<2097152xi32, #tpu.memory_space<hbm>> -> memref<8192xi32, #tpu.memory_space<hbm>>
    tpu.wait_dma2 semaphore(%arg11 : memref<!tpu.dma_semaphore, #tpu.memory_space<semaphore_mem>>) src(%dma_wait3A_181 : memref<8192xi32, #tpu.memory_space<hbm>>) dst(%dma_wait3A_180 : memref<8192xi32, #tpu.memory_space<vmem>>)
    %add3A_182 = arith.constant 33792 : i32
    %add3A_183 = arith.addi %mul3A_26, %add3A_182 : i32
    %dma_start3A_184 = arith.constant 0 : i32
    %dma_start3A_185 = tpu.memref_slice %arg6[%dma_start3A_184] : memref<8192xi32, #tpu.memory_space<vmem>> -> memref<8192xi32, #tpu.memory_space<vmem>>
    %dma_start3A_186 = tpu.memref_slice %arg3[%add3A_183] : memref<2097152xi32, #tpu.memory_space<hbm>> -> memref<8192xi32, #tpu.memory_space<hbm>>
    %dma_start3A_187 = arith.constant 0 : i32
    %dma_start3A_188 = tpu.memref_slice %arg6[%dma_start3A_187] : memref<8192xi32, #tpu.memory_space<vmem>> -> memref<8192xi32, #tpu.memory_space<vmem>>
    %dma_start3A_189 = tpu.memref_slice %arg3[%add3A_183] : memref<2097152xi32, #tpu.memory_space<hbm>> -> memref<8192xi32, #tpu.memory_space<hbm>>
    tpu.enqueue_dma source(%dma_start3A_189 : memref<8192xi32, #tpu.memory_space<hbm>>) target(%dma_start3A_188 : memref<8192xi32, #tpu.memory_space<vmem>>) target_semaphore(%arg12 : memref<!tpu.dma_semaphore, #tpu.memory_space<semaphore_mem>>)
    %scan3A_190 = arith.constant 0 : i32
    %scan3A_191 = arith.constant 0 : i32
    %scan3A_192 = arith.constant 64 : i32
    %scan3A_193 = arith.addi %scan3A_191, %scan3A_192 : i32
    %scan3A_194 = arith.constant 1 : i32
    scf.for %scan3A_366 = %scan3A_191 to %scan3A_193 step %scan3A_194  : i32 {
      %mul3A_367 = arith.constant 128 : i32
      %mul3A_368 = arith.muli %scan3A_366, %mul3A_367 : i32
      %add3A_369 = arith.constant 0 : i32
      %add3A_370 = arith.addi %mul3A_368, %add3A_369 : i32
      %get3A = arith.index_cast %add3A_370 : i32 to index
      %get3A_371 = tpu.vector_load %arg5[%get3A] {strides = array<i32>} : memref<8192xi32, #tpu.memory_space<vmem>>, vector<16xi32>,
      %get3A_372 = vector.shape_cast %get3A_371 : vector<16xi32> to vector<16xi32>
      %mul3A_373 = arith.constant 128 : i32
      %mul3A_374 = vector.broadcast %mul3A_373 : i32 to vector<16xi32>
      %mul3A_375 = arith.muli %get3A_372, %mul3A_374 : vector<16xi32>
      %add3A_376 = arith.addi %mul3A_375, %add3A_3 : vector<16xi32>
      %swap3A = arith.index_cast %add3A_370 : i32 to index
      %swap3A_377 = tpu.vector_load %arg7[%swap3A] {strides = array<i32>} : memref<8192xi32, #tpu.memory_space<vmem>>, vector<16xi32>,
      %swap3A_378 = vector.shape_cast %swap3A_377 : vector<16xi32> to vector<16xi32>
      %swap3A_379 = vector.shape_cast %add3A_376 : vector<16xi32> to vector<16xi32>
      tpu.vector_store %arg7[%swap3A], %swap3A_379 {strides = array<i32>} : memref<8192xi32, #tpu.memory_space<vmem>>, vector<16xi32>,
      %mul3A_380 = arith.constant 128 : i32
      %mul3A_381 = arith.muli %scan3A_366, %mul3A_380 : i32
      %add3A_382 = arith.constant 16 : i32
      %add3A_383 = arith.addi %mul3A_381, %add3A_382 : i32
      %get3A_384 = arith.index_cast %add3A_383 : i32 to index
      %get3A_385 = tpu.vector_load %arg5[%get3A_384] {strides = array<i32>} : memref<8192xi32, #tpu.memory_space<vmem>>, vector<16xi32>,
      %get3A_386 = vector.shape_cast %get3A_385 : vector<16xi32> to vector<16xi32>
      %mul3A_387 = arith.constant 128 : i32
      %mul3A_388 = vector.broadcast %mul3A_387 : i32 to vector<16xi32>
      %mul3A_389 = arith.muli %get3A_386, %mul3A_388 : vector<16xi32>
      %add3A_390 = arith.addi %mul3A_389, %add3A_6 : vector<16xi32>
      %swap3A_391 = arith.index_cast %add3A_383 : i32 to index
      %swap3A_392 = tpu.vector_load %arg7[%swap3A_391] {strides = array<i32>} : memref<8192xi32, #tpu.memory_space<vmem>>, vector<16xi32>,
      %swap3A_393 = vector.shape_cast %swap3A_392 : vector<16xi32> to vector<16xi32>
      %swap3A_394 = vector.shape_cast %add3A_390 : vector<16xi32> to vector<16xi32>
      tpu.vector_store %arg7[%swap3A_391], %swap3A_394 {strides = array<i32>} : memref<8192xi32, #tpu.memory_space<vmem>>, vector<16xi32>,
      %mul3A_395 = arith.constant 128 : i32
      %mul3A_396 = arith.muli %scan3A_366, %mul3A_395 : i32
      %add3A_397 = arith.constant 32 : i32
      %add3A_398 = arith.addi %mul3A_396, %add3A_397 : i32
      %get3A_399 = arith.index_cast %add3A_398 : i32 to index
      %get3A_400 = tpu.vector_load %arg5[%get3A_399] {strides = array<i32>} : memref<8192xi32, #tpu.memory_space<vmem>>, vector<16xi32>,
      %get3A_401 = vector.shape_cast %get3A_400 : vector<16xi32> to vector<16xi32>
      %mul3A_402 = arith.constant 128 : i32
      %mul3A_403 = vector.broadcast %mul3A_402 : i32 to vector<16xi32>
      %mul3A_404 = arith.muli %get3A_401, %mul3A_403 : vector<16xi32>
      %add3A_405 = arith.addi %mul3A_404, %add3A_9 : vector<16xi32>
      %swap3A_406 = arith.index_cast %add3A_398 : i32 to index
      %swap3A_407 = tpu.vector_load %arg7[%swap3A_406] {strides = array<i32>} : memref<8192xi32, #tpu.memory_space<vmem>>, vector<16xi32>,
      %swap3A_408 = vector.shape_cast %swap3A_407 : vector<16xi32> to vector<16xi32>
      %swap3A_409 = vector.shape_cast %add3A_405 : vector<16xi32> to vector<16xi32>
      tpu.vector_store %arg7[%swap3A_406], %swap3A_409 {strides = array<i32>} : memref<8192xi32, #tpu.memory_space<vmem>>, vector<16xi32>,
      %mul3A_410 = arith.constant 128 : i32
      %mul3A_411 = arith.muli %scan3A_366, %mul3A_410 : i32
      %add3A_412 = arith.constant 48 : i32
      %add3A_413 = arith.addi %mul3A_411, %add3A_412 : i32
      %get3A_414 = arith.index_cast %add3A_413 : i32 to index
      %get3A_415 = tpu.vector_load %arg5[%get3A_414] {strides = array<i32>} : memref<8192xi32, #tpu.memory_space<vmem>>, vector<16xi32>,
      %get3A_416 = vector.shape_cast %get3A_415 : vector<16xi32> to vector<16xi32>
      %mul3A_417 = arith.constant 128 : i32
      %mul3A_418 = vector.broadcast %mul3A_417 : i32 to vector<16xi32>
      %mul3A_419 = arith.muli %get3A_416, %mul3A_418 : vector<16xi32>
      %add3A_420 = arith.addi %mul3A_419, %add3A_12 : vector<16xi32>
      %swap3A_421 = arith.index_cast %add3A_413 : i32 to index
      %swap3A_422 = tpu.vector_load %arg7[%swap3A_421] {strides = array<i32>} : memref<8192xi32, #tpu.memory_space<vmem>>, vector<16xi32>,
      %swap3A_423 = vector.shape_cast %swap3A_422 : vector<16xi32> to vector<16xi32>
      %swap3A_424 = vector.shape_cast %add3A_420 : vector<16xi32> to vector<16xi32>
      tpu.vector_store %arg7[%swap3A_421], %swap3A_424 {strides = array<i32>} : memref<8192xi32, #tpu.memory_space<vmem>>, vector<16xi32>,
      %mul3A_425 = arith.constant 128 : i32
      %mul3A_426 = arith.muli %scan3A_366, %mul3A_425 : i32
      %add3A_427 = arith.constant 64 : i32
      %add3A_428 = arith.addi %mul3A_426, %add3A_427 : i32
      %get3A_429 = arith.index_cast %add3A_428 : i32 to index
      %get3A_430 = tpu.vector_load %arg5[%get3A_429] {strides = array<i32>} : memref<8192xi32, #tpu.memory_space<vmem>>, vector<16xi32>,
      %get3A_431 = vector.shape_cast %get3A_430 : vector<16xi32> to vector<16xi32>
      %mul3A_432 = arith.constant 128 : i32
      %mul3A_433 = vector.broadcast %mul3A_432 : i32 to vector<16xi32>
      %mul3A_434 = arith.muli %get3A_431, %mul3A_433 : vector<16xi32>
      %add3A_435 = arith.addi %mul3A_434, %add3A_15 : vector<16xi32>
      %swap3A_436 = arith.index_cast %add3A_428 : i32 to index
      %swap3A_437 = tpu.vector_load %arg7[%swap3A_436] {strides = array<i32>} : memref<8192xi32, #tpu.memory_space<vmem>>, vector<16xi32>,
      %swap3A_438 = vector.shape_cast %swap3A_437 : vector<16xi32> to vector<16xi32>
      %swap3A_439 = vector.shape_cast %add3A_435 : vector<16xi32> to vector<16xi32>
      tpu.vector_store %arg7[%swap3A_436], %swap3A_439 {strides = array<i32>} : memref<8192xi32, #tpu.memory_space<vmem>>, vector<16xi32>,
      %mul3A_440 = arith.constant 128 : i32
      %mul3A_441 = arith.muli %scan3A_366, %mul3A_440 : i32
      %add3A_442 = arith.constant 80 : i32
      %add3A_443 = arith.addi %mul3A_441, %add3A_442 : i32
      %get3A_444 = arith.index_cast %add3A_443 : i32 to index
      %get3A_445 = tpu.vector_load %arg5[%get3A_444] {strides = array<i32>} : memref<8192xi32, #tpu.memory_space<vmem>>, vector<16xi32>,
      %get3A_446 = vector.shape_cast %get3A_445 : vector<16xi32> to vector<16xi32>
      %mul3A_447 = arith.constant 128 : i32
      %mul3A_448 = vector.broadcast %mul3A_447 : i32 to vector<16xi32>
      %mul3A_449 = arith.muli %get3A_446, %mul3A_448 : vector<16xi32>
      %add3A_450 = arith.addi %mul3A_449, %add3A_18 : vector<16xi32>
      %swap3A_451 = arith.index_cast %add3A_443 : i32 to index
      %swap3A_452 = tpu.vector_load %arg7[%swap3A_451] {strides = array<i32>} : memref<8192xi32, #tpu.memory_space<vmem>>, vector<16xi32>,
      %swap3A_453 = vector.shape_cast %swap3A_452 : vector<16xi32> to vector<16xi32>
      %swap3A_454 = vector.shape_cast %add3A_450 : vector<16xi32> to vector<16xi32>
      tpu.vector_store %arg7[%swap3A_451], %swap3A_454 {strides = array<i32>} : memref<8192xi32, #tpu.memory_space<vmem>>, vector<16xi32>,
      %mul3A_455 = arith.constant 128 : i32
      %mul3A_456 = arith.muli %scan3A_366, %mul3A_455 : i32
      %add3A_457 = arith.constant 96 : i32
      %add3A_458 = arith.addi %mul3A_456, %add3A_457 : i32
      %get3A_459 = arith.index_cast %add3A_458 : i32 to index
      %get3A_460 = tpu.vector_load %arg5[%get3A_459] {strides = array<i32>} : memref<8192xi32, #tpu.memory_space<vmem>>, vector<16xi32>,
      %get3A_461 = vector.shape_cast %get3A_460 : vector<16xi32> to vector<16xi32>
      %mul3A_462 = arith.constant 128 : i32
      %mul3A_463 = vector.broadcast %mul3A_462 : i32 to vector<16xi32>
      %mul3A_464 = arith.muli %get3A_461, %mul3A_463 : vector<16xi32>
      %add3A_465 = arith.addi %mul3A_464, %add3A_21 : vector<16xi32>
      %swap3A_466 = arith.index_cast %add3A_458 : i32 to index
      %swap3A_467 = tpu.vector_load %arg7[%swap3A_466] {strides = array<i32>} : memref<8192xi32, #tpu.memory_space<vmem>>, vector<16xi32>,
      %swap3A_468 = vector.shape_cast %swap3A_467 : vector<16xi32> to vector<16xi32>
      %swap3A_469 = vector.shape_cast %add3A_465 : vector<16xi32> to vector<16xi32>
      tpu.vector_store %arg7[%swap3A_466], %swap3A_469 {strides = array<i32>} : memref<8192xi32, #tpu.memory_space<vmem>>, vector<16xi32>,
      %mul3A_470 = arith.constant 128 : i32
      %mul3A_471 = arith.muli %scan3A_366, %mul3A_470 : i32
      %add3A_472 = arith.constant 112 : i32
      %add3A_473 = arith.addi %mul3A_471, %add3A_472 : i32
      %get3A_474 = arith.index_cast %add3A_473 : i32 to index
      %get3A_475 = tpu.vector_load %arg5[%get3A_474] {strides = array<i32>} : memref<8192xi32, #tpu.memory_space<vmem>>, vector<16xi32>,
      %get3A_476 = vector.shape_cast %get3A_475 : vector<16xi32> to vector<16xi32>
      %mul3A_477 = arith.constant 128 : i32
      %mul3A_478 = vector.broadcast %mul3A_477 : i32 to vector<16xi32>
      %mul3A_479 = arith.muli %get3A_476, %mul3A_478 : vector<16xi32>
      %add3A_480 = arith.addi %mul3A_479, %add3A_24 : vector<16xi32>
      %swap3A_481 = arith.index_cast %add3A_473 : i32 to index
      %swap3A_482 = tpu.vector_load %arg7[%swap3A_481] {strides = array<i32>} : memref<8192xi32, #tpu.memory_space<vmem>>, vector<16xi32>,
      %swap3A_483 = vector.shape_cast %swap3A_482 : vector<16xi32> to vector<16xi32>
      %swap3A_484 = vector.shape_cast %add3A_480 : vector<16xi32> to vector<16xi32>
      tpu.vector_store %arg7[%swap3A_481], %swap3A_484 {strides = array<i32>} : memref<8192xi32, #tpu.memory_space<vmem>>, vector<16xi32>,
    }
    %scan3A_195 = arith.constant 64 : i32
    %dma_start3A_196 = arith.constant 0 : i32
    %dma_start3A_197 = tpu.memref_slice %arg9[%dma_start3A_196] : memref<8192xf32, #tpu.memory_space<vmem>> -> memref<8192xf32, #tpu.memory_space<vmem>>
    %dma_start3A_198 = arith.constant 0 : i32
    %dma_start3A_199 = tpu.memref_slice %arg7[%dma_start3A_198] : memref<8192xi32, #tpu.memory_space<vmem>> -> memref<8192xi32, #tpu.memory_space<vmem>>
    %dma_start3A_200 = arith.constant 0 : i32
    %dma_start3A_201 = tpu.memref_slice %arg2[%dma_start3A_200] : memref<12800000xf32, #tpu.memory_space<hbm>> -> memref<12800000xf32, #tpu.memory_space<hbm>>
    tpu.enqueue_indirect_dma source(%dma_start3A_201 : memref<12800000xf32, #tpu.memory_space<hbm>>) target(%dma_start3A_197 : memref<8192xf32, #tpu.memory_space<vmem>>) offsets(%dma_start3A_199 : memref<8192xi32, #tpu.memory_space<vmem>>) semaphore(%arg13 : memref<!tpu.dma_semaphore, #tpu.memory_space<semaphore_mem>>)
    %add3A_202 = arith.constant 17408 : i32
    %add3A_203 = arith.addi %mul3A_26, %add3A_202 : i32
    %dma_wait3A_204 = arith.constant 0 : i32
    %dma_wait3A_205 = tpu.memref_slice %arg10[%dma_wait3A_204] : memref<8192xf32, #tpu.memory_space<vmem>> -> memref<8192xf32, #tpu.memory_space<vmem>>
    %dma_wait3A_206 = tpu.memref_slice %arg4[%add3A_203] : memref<2097152xf32, #tpu.memory_space<hbm>> -> memref<8192xf32, #tpu.memory_space<hbm>>
    %dma_wait3A_207 = arith.constant 0 : i32
    %dma_wait3A_208 = tpu.memref_slice %arg10[%dma_wait3A_207] : memref<8192xf32, #tpu.memory_space<vmem>> -> memref<8192xf32, #tpu.memory_space<vmem>>
    %dma_wait3A_209 = tpu.memref_slice %arg4[%add3A_203] : memref<2097152xf32, #tpu.memory_space<hbm>> -> memref<8192xf32, #tpu.memory_space<hbm>>
    tpu.wait_dma2 semaphore(%arg14 : memref<!tpu.dma_semaphore, #tpu.memory_space<semaphore_mem>>) src(%dma_wait3A_209 : memref<8192xf32, #tpu.memory_space<hbm>>) dst(%dma_wait3A_208 : memref<8192xf32, #tpu.memory_space<vmem>>)
    %add3A_210 = arith.constant 17408 : i32
    %add3A_211 = arith.addi %mul3A_26, %add3A_210 : i32
    "tpu.region"() ({
      %run_scoped3A = tpu.sem_alloc : memref<!tpu.dma_semaphore, #tpu.memory_space<semaphore_mem>>
      %dma_start3A_366 = arith.constant 0 : i32
      %dma_start3A_367 = tpu.memref_slice %arg10[%dma_start3A_366] : memref<8192xf32, #tpu.memory_space<vmem>> -> memref<8192xf32, #tpu.memory_space<vmem>>
      %dma_start3A_368 = tpu.memref_slice %arg4[%add3A_211] : memref<2097152xf32, #tpu.memory_space<hbm>> -> memref<8192xf32, #tpu.memory_space<hbm>>
      %dma_start3A_369 = tpu.memref_slice %arg4[%add3A_211] : memref<2097152xf32, #tpu.memory_space<hbm>> -> memref<8192xf32, #tpu.memory_space<hbm>>
      %dma_start3A_370 = arith.constant 0 : i32
      %dma_start3A_371 = tpu.memref_slice %arg10[%dma_start3A_370] : memref<8192xf32, #tpu.memory_space<vmem>> -> memref<8192xf32, #tpu.memory_space<vmem>>
      tpu.enqueue_dma source(%dma_start3A_371 : memref<8192xf32, #tpu.memory_space<vmem>>) target(%dma_start3A_369 : memref<8192xf32, #tpu.memory_space<hbm>>) target_semaphore(%run_scoped3A : memref<!tpu.dma_semaphore, #tpu.memory_space<semaphore_mem>>)
      %dma_wait3A_372 = arith.constant 0 : i32
      %dma_wait3A_373 = tpu.memref_slice %arg10[%dma_wait3A_372] : memref<8192xf32, #tpu.memory_space<vmem>> -> memref<8192xf32, #tpu.memory_space<vmem>>
      %dma_wait3A_374 = tpu.memref_slice %arg4[%add3A_211] : memref<2097152xf32, #tpu.memory_space<hbm>> -> memref<8192xf32, #tpu.memory_space<hbm>>
      %dma_wait3A_375 = tpu.memref_slice %arg4[%add3A_211] : memref<2097152xf32, #tpu.memory_space<hbm>> -> memref<8192xf32, #tpu.memory_space<hbm>>
      %dma_wait3A_376 = arith.constant 0 : i32
      %dma_wait3A_377 = tpu.memref_slice %arg10[%dma_wait3A_376] : memref<8192xf32, #tpu.memory_space<vmem>> -> memref<8192xf32, #tpu.memory_space<vmem>>
      tpu.wait_dma2 semaphore(%run_scoped3A : memref<!tpu.dma_semaphore, #tpu.memory_space<semaphore_mem>>) src(%dma_wait3A_377 : memref<8192xf32, #tpu.memory_space<vmem>>) dst(%dma_wait3A_375 : memref<8192xf32, #tpu.memory_space<hbm>>)
      tpu.yield
    }) : () -> ()
    %add3A_212 = arith.constant 33792 : i32
    %add3A_213 = arith.addi %mul3A_26, %add3A_212 : i32
    %dma_wait3A_214 = arith.constant 0 : i32
    %dma_wait3A_215 = tpu.memref_slice %arg6[%dma_wait3A_214] : memref<8192xi32, #tpu.memory_space<vmem>> -> memref<8192xi32, #tpu.memory_space<vmem>>
    %dma_wait3A_216 = tpu.memref_slice %arg3[%add3A_213] : memref<2097152xi32, #tpu.memory_space<hbm>> -> memref<8192xi32, #tpu.memory_space<hbm>>
    %dma_wait3A_217 = arith.constant 0 : i32
    %dma_wait3A_218 = tpu.memref_slice %arg6[%dma_wait3A_217] : memref<8192xi32, #tpu.memory_space<vmem>> -> memref<8192xi32, #tpu.memory_space<vmem>>
    %dma_wait3A_219 = tpu.memref_slice %arg3[%add3A_213] : memref<2097152xi32, #tpu.memory_space<hbm>> -> memref<8192xi32, #tpu.memory_space<hbm>>
    tpu.wait_dma2 semaphore(%arg12 : memref<!tpu.dma_semaphore, #tpu.memory_space<semaphore_mem>>) src(%dma_wait3A_219 : memref<8192xi32, #tpu.memory_space<hbm>>) dst(%dma_wait3A_218 : memref<8192xi32, #tpu.memory_space<vmem>>)
    %add3A_220 = arith.constant 41984 : i32
    %add3A_221 = arith.addi %mul3A_26, %add3A_220 : i32
    %dma_start3A_222 = arith.constant 0 : i32
    %dma_start3A_223 = tpu.memref_slice %arg5[%dma_start3A_222] : memref<8192xi32, #tpu.memory_space<vmem>> -> memref<8192xi32, #tpu.memory_space<vmem>>
    %dma_start3A_224 = tpu.memref_slice %arg3[%add3A_221] : memref<2097152xi32, #tpu.memory_space<hbm>> -> memref<8192xi32, #tpu.memory_space<hbm>>
    %dma_start3A_225 = arith.constant 0 : i32
    %dma_start3A_226 = tpu.memref_slice %arg5[%dma_start3A_225] : memref<8192xi32, #tpu.memory_space<vmem>> -> memref<8192xi32, #tpu.memory_space<vmem>>
    %dma_start3A_227 = tpu.memref_slice %arg3[%add3A_221] : memref<2097152xi32, #tpu.memory_space<hbm>> -> memref<8192xi32, #tpu.memory_space<hbm>>
    tpu.enqueue_dma source(%dma_start3A_227 : memref<8192xi32, #tpu.memory_space<hbm>>) target(%dma_start3A_226 : memref<8192xi32, #tpu.memory_space<vmem>>) target_semaphore(%arg11 : memref<!tpu.dma_semaphore, #tpu.memory_space<semaphore_mem>>)
    %scan3A_228 = arith.constant 0 : i32
    %scan3A_229 = arith.constant 0 : i32
    %scan3A_230 = arith.constant 64 : i32
    %scan3A_231 = arith.addi %scan3A_229, %scan3A_230 : i32
    %scan3A_232 = arith.constant 1 : i32
    scf.for %scan3A_366 = %scan3A_229 to %scan3A_231 step %scan3A_232  : i32 {
      %mul3A_367 = arith.constant 128 : i32
      %mul3A_368 = arith.muli %scan3A_366, %mul3A_367 : i32
      %add3A_369 = arith.constant 0 : i32
      %add3A_370 = arith.addi %mul3A_368, %add3A_369 : i32
      %get3A = arith.index_cast %add3A_370 : i32 to index
      %get3A_371 = tpu.vector_load %arg6[%get3A] {strides = array<i32>} : memref<8192xi32, #tpu.memory_space<vmem>>, vector<16xi32>,
      %get3A_372 = vector.shape_cast %get3A_371 : vector<16xi32> to vector<16xi32>
      %mul3A_373 = arith.constant 128 : i32
      %mul3A_374 = vector.broadcast %mul3A_373 : i32 to vector<16xi32>
      %mul3A_375 = arith.muli %get3A_372, %mul3A_374 : vector<16xi32>
      %add3A_376 = arith.addi %mul3A_375, %add3A_3 : vector<16xi32>
      %swap3A = arith.index_cast %add3A_370 : i32 to index
      %swap3A_377 = tpu.vector_load %arg8[%swap3A] {strides = array<i32>} : memref<8192xi32, #tpu.memory_space<vmem>>, vector<16xi32>,
      %swap3A_378 = vector.shape_cast %swap3A_377 : vector<16xi32> to vector<16xi32>
      %swap3A_379 = vector.shape_cast %add3A_376 : vector<16xi32> to vector<16xi32>
      tpu.vector_store %arg8[%swap3A], %swap3A_379 {strides = array<i32>} : memref<8192xi32, #tpu.memory_space<vmem>>, vector<16xi32>,
      %mul3A_380 = arith.constant 128 : i32
      %mul3A_381 = arith.muli %scan3A_366, %mul3A_380 : i32
      %add3A_382 = arith.constant 16 : i32
      %add3A_383 = arith.addi %mul3A_381, %add3A_382 : i32
      %get3A_384 = arith.index_cast %add3A_383 : i32 to index
      %get3A_385 = tpu.vector_load %arg6[%get3A_384] {strides = array<i32>} : memref<8192xi32, #tpu.memory_space<vmem>>, vector<16xi32>,
      %get3A_386 = vector.shape_cast %get3A_385 : vector<16xi32> to vector<16xi32>
      %mul3A_387 = arith.constant 128 : i32
      %mul3A_388 = vector.broadcast %mul3A_387 : i32 to vector<16xi32>
      %mul3A_389 = arith.muli %get3A_386, %mul3A_388 : vector<16xi32>
      %add3A_390 = arith.addi %mul3A_389, %add3A_6 : vector<16xi32>
      %swap3A_391 = arith.index_cast %add3A_383 : i32 to index
      %swap3A_392 = tpu.vector_load %arg8[%swap3A_391] {strides = array<i32>} : memref<8192xi32, #tpu.memory_space<vmem>>, vector<16xi32>,
      %swap3A_393 = vector.shape_cast %swap3A_392 : vector<16xi32> to vector<16xi32>
      %swap3A_394 = vector.shape_cast %add3A_390 : vector<16xi32> to vector<16xi32>
      tpu.vector_store %arg8[%swap3A_391], %swap3A_394 {strides = array<i32>} : memref<8192xi32, #tpu.memory_space<vmem>>, vector<16xi32>,
      %mul3A_395 = arith.constant 128 : i32
      %mul3A_396 = arith.muli %scan3A_366, %mul3A_395 : i32
      %add3A_397 = arith.constant 32 : i32
      %add3A_398 = arith.addi %mul3A_396, %add3A_397 : i32
      %get3A_399 = arith.index_cast %add3A_398 : i32 to index
      %get3A_400 = tpu.vector_load %arg6[%get3A_399] {strides = array<i32>} : memref<8192xi32, #tpu.memory_space<vmem>>, vector<16xi32>,
      %get3A_401 = vector.shape_cast %get3A_400 : vector<16xi32> to vector<16xi32>
      %mul3A_402 = arith.constant 128 : i32
      %mul3A_403 = vector.broadcast %mul3A_402 : i32 to vector<16xi32>
      %mul3A_404 = arith.muli %get3A_401, %mul3A_403 : vector<16xi32>
      %add3A_405 = arith.addi %mul3A_404, %add3A_9 : vector<16xi32>
      %swap3A_406 = arith.index_cast %add3A_398 : i32 to index
      %swap3A_407 = tpu.vector_load %arg8[%swap3A_406] {strides = array<i32>} : memref<8192xi32, #tpu.memory_space<vmem>>, vector<16xi32>,
      %swap3A_408 = vector.shape_cast %swap3A_407 : vector<16xi32> to vector<16xi32>
      %swap3A_409 = vector.shape_cast %add3A_405 : vector<16xi32> to vector<16xi32>
      tpu.vector_store %arg8[%swap3A_406], %swap3A_409 {strides = array<i32>} : memref<8192xi32, #tpu.memory_space<vmem>>, vector<16xi32>,
      %mul3A_410 = arith.constant 128 : i32
      %mul3A_411 = arith.muli %scan3A_366, %mul3A_410 : i32
      %add3A_412 = arith.constant 48 : i32
      %add3A_413 = arith.addi %mul3A_411, %add3A_412 : i32
      %get3A_414 = arith.index_cast %add3A_413 : i32 to index
      %get3A_415 = tpu.vector_load %arg6[%get3A_414] {strides = array<i32>} : memref<8192xi32, #tpu.memory_space<vmem>>, vector<16xi32>,
      %get3A_416 = vector.shape_cast %get3A_415 : vector<16xi32> to vector<16xi32>
      %mul3A_417 = arith.constant 128 : i32
      %mul3A_418 = vector.broadcast %mul3A_417 : i32 to vector<16xi32>
      %mul3A_419 = arith.muli %get3A_416, %mul3A_418 : vector<16xi32>
      %add3A_420 = arith.addi %mul3A_419, %add3A_12 : vector<16xi32>
      %swap3A_421 = arith.index_cast %add3A_413 : i32 to index
      %swap3A_422 = tpu.vector_load %arg8[%swap3A_421] {strides = array<i32>} : memref<8192xi32, #tpu.memory_space<vmem>>, vector<16xi32>,
      %swap3A_423 = vector.shape_cast %swap3A_422 : vector<16xi32> to vector<16xi32>
      %swap3A_424 = vector.shape_cast %add3A_420 : vector<16xi32> to vector<16xi32>
      tpu.vector_store %arg8[%swap3A_421], %swap3A_424 {strides = array<i32>} : memref<8192xi32, #tpu.memory_space<vmem>>, vector<16xi32>,
      %mul3A_425 = arith.constant 128 : i32
      %mul3A_426 = arith.muli %scan3A_366, %mul3A_425 : i32
      %add3A_427 = arith.constant 64 : i32
      %add3A_428 = arith.addi %mul3A_426, %add3A_427 : i32
      %get3A_429 = arith.index_cast %add3A_428 : i32 to index
      %get3A_430 = tpu.vector_load %arg6[%get3A_429] {strides = array<i32>} : memref<8192xi32, #tpu.memory_space<vmem>>, vector<16xi32>,
      %get3A_431 = vector.shape_cast %get3A_430 : vector<16xi32> to vector<16xi32>
      %mul3A_432 = arith.constant 128 : i32
      %mul3A_433 = vector.broadcast %mul3A_432 : i32 to vector<16xi32>
      %mul3A_434 = arith.muli %get3A_431, %mul3A_433 : vector<16xi32>
      %add3A_435 = arith.addi %mul3A_434, %add3A_15 : vector<16xi32>
      %swap3A_436 = arith.index_cast %add3A_428 : i32 to index
      %swap3A_437 = tpu.vector_load %arg8[%swap3A_436] {strides = array<i32>} : memref<8192xi32, #tpu.memory_space<vmem>>, vector<16xi32>,
      %swap3A_438 = vector.shape_cast %swap3A_437 : vector<16xi32> to vector<16xi32>
      %swap3A_439 = vector.shape_cast %add3A_435 : vector<16xi32> to vector<16xi32>
      tpu.vector_store %arg8[%swap3A_436], %swap3A_439 {strides = array<i32>} : memref<8192xi32, #tpu.memory_space<vmem>>, vector<16xi32>,
      %mul3A_440 = arith.constant 128 : i32
      %mul3A_441 = arith.muli %scan3A_366, %mul3A_440 : i32
      %add3A_442 = arith.constant 80 : i32
      %add3A_443 = arith.addi %mul3A_441, %add3A_442 : i32
      %get3A_444 = arith.index_cast %add3A_443 : i32 to index
      %get3A_445 = tpu.vector_load %arg6[%get3A_444] {strides = array<i32>} : memref<8192xi32, #tpu.memory_space<vmem>>, vector<16xi32>,
      %get3A_446 = vector.shape_cast %get3A_445 : vector<16xi32> to vector<16xi32>
      %mul3A_447 = arith.constant 128 : i32
      %mul3A_448 = vector.broadcast %mul3A_447 : i32 to vector<16xi32>
      %mul3A_449 = arith.muli %get3A_446, %mul3A_448 : vector<16xi32>
      %add3A_450 = arith.addi %mul3A_449, %add3A_18 : vector<16xi32>
      %swap3A_451 = arith.index_cast %add3A_443 : i32 to index
      %swap3A_452 = tpu.vector_load %arg8[%swap3A_451] {strides = array<i32>} : memref<8192xi32, #tpu.memory_space<vmem>>, vector<16xi32>,
      %swap3A_453 = vector.shape_cast %swap3A_452 : vector<16xi32> to vector<16xi32>
      %swap3A_454 = vector.shape_cast %add3A_450 : vector<16xi32> to vector<16xi32>
      tpu.vector_store %arg8[%swap3A_451], %swap3A_454 {strides = array<i32>} : memref<8192xi32, #tpu.memory_space<vmem>>, vector<16xi32>,
      %mul3A_455 = arith.constant 128 : i32
      %mul3A_456 = arith.muli %scan3A_366, %mul3A_455 : i32
      %add3A_457 = arith.constant 96 : i32
      %add3A_458 = arith.addi %mul3A_456, %add3A_457 : i32
      %get3A_459 = arith.index_cast %add3A_458 : i32 to index
      %get3A_460 = tpu.vector_load %arg6[%get3A_459] {strides = array<i32>} : memref<8192xi32, #tpu.memory_space<vmem>>, vector<16xi32>,
      %get3A_461 = vector.shape_cast %get3A_460 : vector<16xi32> to vector<16xi32>
      %mul3A_462 = arith.constant 128 : i32
      %mul3A_463 = vector.broadcast %mul3A_462 : i32 to vector<16xi32>
      %mul3A_464 = arith.muli %get3A_461, %mul3A_463 : vector<16xi32>
      %add3A_465 = arith.addi %mul3A_464, %add3A_21 : vector<16xi32>
      %swap3A_466 = arith.index_cast %add3A_458 : i32 to index
      %swap3A_467 = tpu.vector_load %arg8[%swap3A_466] {strides = array<i32>} : memref<8192xi32, #tpu.memory_space<vmem>>, vector<16xi32>,
      %swap3A_468 = vector.shape_cast %swap3A_467 : vector<16xi32> to vector<16xi32>
      %swap3A_469 = vector.shape_cast %add3A_465 : vector<16xi32> to vector<16xi32>
      tpu.vector_store %arg8[%swap3A_466], %swap3A_469 {strides = array<i32>} : memref<8192xi32, #tpu.memory_space<vmem>>, vector<16xi32>,
      %mul3A_470 = arith.constant 128 : i32
      %mul3A_471 = arith.muli %scan3A_366, %mul3A_470 : i32
      %add3A_472 = arith.constant 112 : i32
      %add3A_473 = arith.addi %mul3A_471, %add3A_472 : i32
      %get3A_474 = arith.index_cast %add3A_473 : i32 to index
      %get3A_475 = tpu.vector_load %arg6[%get3A_474] {strides = array<i32>} : memref<8192xi32, #tpu.memory_space<vmem>>, vector<16xi32>,
      %get3A_476 = vector.shape_cast %get3A_475 : vector<16xi32> to vector<16xi32>
      %mul3A_477 = arith.constant 128 : i32
      %mul3A_478 = vector.broadcast %mul3A_477 : i32 to vector<16xi32>
      %mul3A_479 = arith.muli %get3A_476, %mul3A_478 : vector<16xi32>
      %add3A_480 = arith.addi %mul3A_479, %add3A_24 : vector<16xi32>
      %swap3A_481 = arith.index_cast %add3A_473 : i32 to index
      %swap3A_482 = tpu.vector_load %arg8[%swap3A_481] {strides = array<i32>} : memref<8192xi32, #tpu.memory_space<vmem>>, vector<16xi32>,
      %swap3A_483 = vector.shape_cast %swap3A_482 : vector<16xi32> to vector<16xi32>
      %swap3A_484 = vector.shape_cast %add3A_480 : vector<16xi32> to vector<16xi32>
      tpu.vector_store %arg8[%swap3A_481], %swap3A_484 {strides = array<i32>} : memref<8192xi32, #tpu.memory_space<vmem>>, vector<16xi32>,
    }
    %scan3A_233 = arith.constant 64 : i32
    %dma_start3A_234 = arith.constant 0 : i32
    %dma_start3A_235 = tpu.memref_slice %arg10[%dma_start3A_234] : memref<8192xf32, #tpu.memory_space<vmem>> -> memref<8192xf32, #tpu.memory_space<vmem>>
    %dma_start3A_236 = arith.constant 0 : i32
    %dma_start3A_237 = tpu.memref_slice %arg8[%dma_start3A_236] : memref<8192xi32, #tpu.memory_space<vmem>> -> memref<8192xi32, #tpu.memory_space<vmem>>
    %dma_start3A_238 = arith.constant 0 : i32
    %dma_start3A_239 = tpu.memref_slice %arg2[%dma_start3A_238] : memref<12800000xf32, #tpu.memory_space<hbm>> -> memref<12800000xf32, #tpu.memory_space<hbm>>
    tpu.enqueue_indirect_dma source(%dma_start3A_239 : memref<12800000xf32, #tpu.memory_space<hbm>>) target(%dma_start3A_235 : memref<8192xf32, #tpu.memory_space<vmem>>) offsets(%dma_start3A_237 : memref<8192xi32, #tpu.memory_space<vmem>>) semaphore(%arg14 : memref<!tpu.dma_semaphore, #tpu.memory_space<semaphore_mem>>)
    %add3A_240 = arith.constant 25600 : i32
    %add3A_241 = arith.addi %mul3A_26, %add3A_240 : i32
    %dma_wait3A_242 = arith.constant 0 : i32
    %dma_wait3A_243 = tpu.memref_slice %arg9[%dma_wait3A_242] : memref<8192xf32, #tpu.memory_space<vmem>> -> memref<8192xf32, #tpu.memory_space<vmem>>
    %dma_wait3A_244 = tpu.memref_slice %arg4[%add3A_241] : memref<2097152xf32, #tpu.memory_space<hbm>> -> memref<8192xf32, #tpu.memory_space<hbm>>
    %dma_wait3A_245 = arith.constant 0 : i32
    %dma_wait3A_246 = tpu.memref_slice %arg9[%dma_wait3A_245] : memref<8192xf32, #tpu.memory_space<vmem>> -> memref<8192xf32, #tpu.memory_space<vmem>>
    %dma_wait3A_247 = tpu.memref_slice %arg4[%add3A_241] : memref<2097152xf32, #tpu.memory_space<hbm>> -> memref<8192xf32, #tpu.memory_space<hbm>>
    tpu.wait_dma2 semaphore(%arg13 : memref<!tpu.dma_semaphore, #tpu.memory_space<semaphore_mem>>) src(%dma_wait3A_247 : memref<8192xf32, #tpu.memory_space<hbm>>) dst(%dma_wait3A_246 : memref<8192xf32, #tpu.memory_space<vmem>>)
    %add3A_248 = arith.constant 25600 : i32
    %add3A_249 = arith.addi %mul3A_26, %add3A_248 : i32
    "tpu.region"() ({
      %run_scoped3A = tpu.sem_alloc : memref<!tpu.dma_semaphore, #tpu.memory_space<semaphore_mem>>
      %dma_start3A_366 = arith.constant 0 : i32
      %dma_start3A_367 = tpu.memref_slice %arg9[%dma_start3A_366] : memref<8192xf32, #tpu.memory_space<vmem>> -> memref<8192xf32, #tpu.memory_space<vmem>>
      %dma_start3A_368 = tpu.memref_slice %arg4[%add3A_249] : memref<2097152xf32, #tpu.memory_space<hbm>> -> memref<8192xf32, #tpu.memory_space<hbm>>
      %dma_start3A_369 = tpu.memref_slice %arg4[%add3A_249] : memref<2097152xf32, #tpu.memory_space<hbm>> -> memref<8192xf32, #tpu.memory_space<hbm>>
      %dma_start3A_370 = arith.constant 0 : i32
      %dma_start3A_371 = tpu.memref_slice %arg9[%dma_start3A_370] : memref<8192xf32, #tpu.memory_space<vmem>> -> memref<8192xf32, #tpu.memory_space<vmem>>
      tpu.enqueue_dma source(%dma_start3A_371 : memref<8192xf32, #tpu.memory_space<vmem>>) target(%dma_start3A_369 : memref<8192xf32, #tpu.memory_space<hbm>>) target_semaphore(%run_scoped3A : memref<!tpu.dma_semaphore, #tpu.memory_space<semaphore_mem>>)
      %dma_wait3A_372 = arith.constant 0 : i32
      %dma_wait3A_373 = tpu.memref_slice %arg9[%dma_wait3A_372] : memref<8192xf32, #tpu.memory_space<vmem>> -> memref<8192xf32, #tpu.memory_space<vmem>>
      %dma_wait3A_374 = tpu.memref_slice %arg4[%add3A_249] : memref<2097152xf32, #tpu.memory_space<hbm>> -> memref<8192xf32, #tpu.memory_space<hbm>>
      %dma_wait3A_375 = tpu.memref_slice %arg4[%add3A_249] : memref<2097152xf32, #tpu.memory_space<hbm>> -> memref<8192xf32, #tpu.memory_space<hbm>>
      %dma_wait3A_376 = arith.constant 0 : i32
      %dma_wait3A_377 = tpu.memref_slice %arg9[%dma_wait3A_376] : memref<8192xf32, #tpu.memory_space<vmem>> -> memref<8192xf32, #tpu.memory_space<vmem>>
      tpu.wait_dma2 semaphore(%run_scoped3A : memref<!tpu.dma_semaphore, #tpu.memory_space<semaphore_mem>>) src(%dma_wait3A_377 : memref<8192xf32, #tpu.memory_space<vmem>>) dst(%dma_wait3A_375 : memref<8192xf32, #tpu.memory_space<hbm>>)
      tpu.yield
    }) : () -> ()
    %add3A_250 = arith.constant 41984 : i32
    %add3A_251 = arith.addi %mul3A_26, %add3A_250 : i32
    %dma_wait3A_252 = arith.constant 0 : i32
    %dma_wait3A_253 = tpu.memref_slice %arg5[%dma_wait3A_252] : memref<8192xi32, #tpu.memory_space<vmem>> -> memref<8192xi32, #tpu.memory_space<vmem>>
    %dma_wait3A_254 = tpu.memref_slice %arg3[%add3A_251] : memref<2097152xi32, #tpu.memory_space<hbm>> -> memref<8192xi32, #tpu.memory_space<hbm>>
    %dma_wait3A_255 = arith.constant 0 : i32
    %dma_wait3A_256 = tpu.memref_slice %arg5[%dma_wait3A_255] : memref<8192xi32, #tpu.memory_space<vmem>> -> memref<8192xi32, #tpu.memory_space<vmem>>
    %dma_wait3A_257 = tpu.memref_slice %arg3[%add3A_251] : memref<2097152xi32, #tpu.memory_space<hbm>> -> memref<8192xi32, #tpu.memory_space<hbm>>
    tpu.wait_dma2 semaphore(%arg11 : memref<!tpu.dma_semaphore, #tpu.memory_space<semaphore_mem>>) src(%dma_wait3A_257 : memref<8192xi32, #tpu.memory_space<hbm>>) dst(%dma_wait3A_256 : memref<8192xi32, #tpu.memory_space<vmem>>)
    %add3A_258 = arith.constant 50176 : i32
    %add3A_259 = arith.addi %mul3A_26, %add3A_258 : i32
    %dma_start3A_260 = arith.constant 0 : i32
    %dma_start3A_261 = tpu.memref_slice %arg6[%dma_start3A_260] : memref<8192xi32, #tpu.memory_space<vmem>> -> memref<8192xi32, #tpu.memory_space<vmem>>
    %dma_start3A_262 = tpu.memref_slice %arg3[%add3A_259] : memref<2097152xi32, #tpu.memory_space<hbm>> -> memref<8192xi32, #tpu.memory_space<hbm>>
    %dma_start3A_263 = arith.constant 0 : i32
    %dma_start3A_264 = tpu.memref_slice %arg6[%dma_start3A_263] : memref<8192xi32, #tpu.memory_space<vmem>> -> memref<8192xi32, #tpu.memory_space<vmem>>
    %dma_start3A_265 = tpu.memref_slice %arg3[%add3A_259] : memref<2097152xi32, #tpu.memory_space<hbm>> -> memref<8192xi32, #tpu.memory_space<hbm>>
    tpu.enqueue_dma source(%dma_start3A_265 : memref<8192xi32, #tpu.memory_space<hbm>>) target(%dma_start3A_264 : memref<8192xi32, #tpu.memory_space<vmem>>) target_semaphore(%arg12 : memref<!tpu.dma_semaphore, #tpu.memory_space<semaphore_mem>>)
    %scan3A_266 = arith.constant 0 : i32
    %scan3A_267 = arith.constant 0 : i32
    %scan3A_268 = arith.constant 64 : i32
    %scan3A_269 = arith.addi %scan3A_267, %scan3A_268 : i32
    %scan3A_270 = arith.constant 1 : i32
    scf.for %scan3A_366 = %scan3A_267 to %scan3A_269 step %scan3A_270  : i32 {
      %mul3A_367 = arith.constant 128 : i32
      %mul3A_368 = arith.muli %scan3A_366, %mul3A_367 : i32
      %add3A_369 = arith.constant 0 : i32
      %add3A_370 = arith.addi %mul3A_368, %add3A_369 : i32
      %get3A = arith.index_cast %add3A_370 : i32 to index
      %get3A_371 = tpu.vector_load %arg5[%get3A] {strides = array<i32>} : memref<8192xi32, #tpu.memory_space<vmem>>, vector<16xi32>,
      %get3A_372 = vector.shape_cast %get3A_371 : vector<16xi32> to vector<16xi32>
      %mul3A_373 = arith.constant 128 : i32
      %mul3A_374 = vector.broadcast %mul3A_373 : i32 to vector<16xi32>
      %mul3A_375 = arith.muli %get3A_372, %mul3A_374 : vector<16xi32>
      %add3A_376 = arith.addi %mul3A_375, %add3A_3 : vector<16xi32>
      %swap3A = arith.index_cast %add3A_370 : i32 to index
      %swap3A_377 = tpu.vector_load %arg7[%swap3A] {strides = array<i32>} : memref<8192xi32, #tpu.memory_space<vmem>>, vector<16xi32>,
      %swap3A_378 = vector.shape_cast %swap3A_377 : vector<16xi32> to vector<16xi32>
      %swap3A_379 = vector.shape_cast %add3A_376 : vector<16xi32> to vector<16xi32>
      tpu.vector_store %arg7[%swap3A], %swap3A_379 {strides = array<i32>} : memref<8192xi32, #tpu.memory_space<vmem>>, vector<16xi32>,
      %mul3A_380 = arith.constant 128 : i32
      %mul3A_381 = arith.muli %scan3A_366, %mul3A_380 : i32
      %add3A_382 = arith.constant 16 : i32
      %add3A_383 = arith.addi %mul3A_381, %add3A_382 : i32
      %get3A_384 = arith.index_cast %add3A_383 : i32 to index
      %get3A_385 = tpu.vector_load %arg5[%get3A_384] {strides = array<i32>} : memref<8192xi32, #tpu.memory_space<vmem>>, vector<16xi32>,
      %get3A_386 = vector.shape_cast %get3A_385 : vector<16xi32> to vector<16xi32>
      %mul3A_387 = arith.constant 128 : i32
      %mul3A_388 = vector.broadcast %mul3A_387 : i32 to vector<16xi32>
      %mul3A_389 = arith.muli %get3A_386, %mul3A_388 : vector<16xi32>
      %add3A_390 = arith.addi %mul3A_389, %add3A_6 : vector<16xi32>
      %swap3A_391 = arith.index_cast %add3A_383 : i32 to index
      %swap3A_392 = tpu.vector_load %arg7[%swap3A_391] {strides = array<i32>} : memref<8192xi32, #tpu.memory_space<vmem>>, vector<16xi32>,
      %swap3A_393 = vector.shape_cast %swap3A_392 : vector<16xi32> to vector<16xi32>
      %swap3A_394 = vector.shape_cast %add3A_390 : vector<16xi32> to vector<16xi32>
      tpu.vector_store %arg7[%swap3A_391], %swap3A_394 {strides = array<i32>} : memref<8192xi32, #tpu.memory_space<vmem>>, vector<16xi32>,
      %mul3A_395 = arith.constant 128 : i32
      %mul3A_396 = arith.muli %scan3A_366, %mul3A_395 : i32
      %add3A_397 = arith.constant 32 : i32
      %add3A_398 = arith.addi %mul3A_396, %add3A_397 : i32
      %get3A_399 = arith.index_cast %add3A_398 : i32 to index
      %get3A_400 = tpu.vector_load %arg5[%get3A_399] {strides = array<i32>} : memref<8192xi32, #tpu.memory_space<vmem>>, vector<16xi32>,
      %get3A_401 = vector.shape_cast %get3A_400 : vector<16xi32> to vector<16xi32>
      %mul3A_402 = arith.constant 128 : i32
      %mul3A_403 = vector.broadcast %mul3A_402 : i32 to vector<16xi32>
      %mul3A_404 = arith.muli %get3A_401, %mul3A_403 : vector<16xi32>
      %add3A_405 = arith.addi %mul3A_404, %add3A_9 : vector<16xi32>
      %swap3A_406 = arith.index_cast %add3A_398 : i32 to index
      %swap3A_407 = tpu.vector_load %arg7[%swap3A_406] {strides = array<i32>} : memref<8192xi32, #tpu.memory_space<vmem>>, vector<16xi32>,
      %swap3A_408 = vector.shape_cast %swap3A_407 : vector<16xi32> to vector<16xi32>
      %swap3A_409 = vector.shape_cast %add3A_405 : vector<16xi32> to vector<16xi32>
      tpu.vector_store %arg7[%swap3A_406], %swap3A_409 {strides = array<i32>} : memref<8192xi32, #tpu.memory_space<vmem>>, vector<16xi32>,
      %mul3A_410 = arith.constant 128 : i32
      %mul3A_411 = arith.muli %scan3A_366, %mul3A_410 : i32
      %add3A_412 = arith.constant 48 : i32
      %add3A_413 = arith.addi %mul3A_411, %add3A_412 : i32
      %get3A_414 = arith.index_cast %add3A_413 : i32 to index
      %get3A_415 = tpu.vector_load %arg5[%get3A_414] {strides = array<i32>} : memref<8192xi32, #tpu.memory_space<vmem>>, vector<16xi32>,
      %get3A_416 = vector.shape_cast %get3A_415 : vector<16xi32> to vector<16xi32>
      %mul3A_417 = arith.constant 128 : i32
      %mul3A_418 = vector.broadcast %mul3A_417 : i32 to vector<16xi32>
      %mul3A_419 = arith.muli %get3A_416, %mul3A_418 : vector<16xi32>
      %add3A_420 = arith.addi %mul3A_419, %add3A_12 : vector<16xi32>
      %swap3A_421 = arith.index_cast %add3A_413 : i32 to index
      %swap3A_422 = tpu.vector_load %arg7[%swap3A_421] {strides = array<i32>} : memref<8192xi32, #tpu.memory_space<vmem>>, vector<16xi32>,
      %swap3A_423 = vector.shape_cast %swap3A_422 : vector<16xi32> to vector<16xi32>
      %swap3A_424 = vector.shape_cast %add3A_420 : vector<16xi32> to vector<16xi32>
      tpu.vector_store %arg7[%swap3A_421], %swap3A_424 {strides = array<i32>} : memref<8192xi32, #tpu.memory_space<vmem>>, vector<16xi32>,
      %mul3A_425 = arith.constant 128 : i32
      %mul3A_426 = arith.muli %scan3A_366, %mul3A_425 : i32
      %add3A_427 = arith.constant 64 : i32
      %add3A_428 = arith.addi %mul3A_426, %add3A_427 : i32
      %get3A_429 = arith.index_cast %add3A_428 : i32 to index
      %get3A_430 = tpu.vector_load %arg5[%get3A_429] {strides = array<i32>} : memref<8192xi32, #tpu.memory_space<vmem>>, vector<16xi32>,
      %get3A_431 = vector.shape_cast %get3A_430 : vector<16xi32> to vector<16xi32>
      %mul3A_432 = arith.constant 128 : i32
      %mul3A_433 = vector.broadcast %mul3A_432 : i32 to vector<16xi32>
      %mul3A_434 = arith.muli %get3A_431, %mul3A_433 : vector<16xi32>
      %add3A_435 = arith.addi %mul3A_434, %add3A_15 : vector<16xi32>
      %swap3A_436 = arith.index_cast %add3A_428 : i32 to index
      %swap3A_437 = tpu.vector_load %arg7[%swap3A_436] {strides = array<i32>} : memref<8192xi32, #tpu.memory_space<vmem>>, vector<16xi32>,
      %swap3A_438 = vector.shape_cast %swap3A_437 : vector<16xi32> to vector<16xi32>
      %swap3A_439 = vector.shape_cast %add3A_435 : vector<16xi32> to vector<16xi32>
      tpu.vector_store %arg7[%swap3A_436], %swap3A_439 {strides = array<i32>} : memref<8192xi32, #tpu.memory_space<vmem>>, vector<16xi32>,
      %mul3A_440 = arith.constant 128 : i32
      %mul3A_441 = arith.muli %scan3A_366, %mul3A_440 : i32
      %add3A_442 = arith.constant 80 : i32
      %add3A_443 = arith.addi %mul3A_441, %add3A_442 : i32
      %get3A_444 = arith.index_cast %add3A_443 : i32 to index
      %get3A_445 = tpu.vector_load %arg5[%get3A_444] {strides = array<i32>} : memref<8192xi32, #tpu.memory_space<vmem>>, vector<16xi32>,
      %get3A_446 = vector.shape_cast %get3A_445 : vector<16xi32> to vector<16xi32>
      %mul3A_447 = arith.constant 128 : i32
      %mul3A_448 = vector.broadcast %mul3A_447 : i32 to vector<16xi32>
      %mul3A_449 = arith.muli %get3A_446, %mul3A_448 : vector<16xi32>
      %add3A_450 = arith.addi %mul3A_449, %add3A_18 : vector<16xi32>
      %swap3A_451 = arith.index_cast %add3A_443 : i32 to index
      %swap3A_452 = tpu.vector_load %arg7[%swap3A_451] {strides = array<i32>} : memref<8192xi32, #tpu.memory_space<vmem>>, vector<16xi32>,
      %swap3A_453 = vector.shape_cast %swap3A_452 : vector<16xi32> to vector<16xi32>
      %swap3A_454 = vector.shape_cast %add3A_450 : vector<16xi32> to vector<16xi32>
      tpu.vector_store %arg7[%swap3A_451], %swap3A_454 {strides = array<i32>} : memref<8192xi32, #tpu.memory_space<vmem>>, vector<16xi32>,
      %mul3A_455 = arith.constant 128 : i32
      %mul3A_456 = arith.muli %scan3A_366, %mul3A_455 : i32
      %add3A_457 = arith.constant 96 : i32
      %add3A_458 = arith.addi %mul3A_456, %add3A_457 : i32
      %get3A_459 = arith.index_cast %add3A_458 : i32 to index
      %get3A_460 = tpu.vector_load %arg5[%get3A_459] {strides = array<i32>} : memref<8192xi32, #tpu.memory_space<vmem>>, vector<16xi32>,
      %get3A_461 = vector.shape_cast %get3A_460 : vector<16xi32> to vector<16xi32>
      %mul3A_462 = arith.constant 128 : i32
      %mul3A_463 = vector.broadcast %mul3A_462 : i32 to vector<16xi32>
      %mul3A_464 = arith.muli %get3A_461, %mul3A_463 : vector<16xi32>
      %add3A_465 = arith.addi %mul3A_464, %add3A_21 : vector<16xi32>
      %swap3A_466 = arith.index_cast %add3A_458 : i32 to index
      %swap3A_467 = tpu.vector_load %arg7[%swap3A_466] {strides = array<i32>} : memref<8192xi32, #tpu.memory_space<vmem>>, vector<16xi32>,
      %swap3A_468 = vector.shape_cast %swap3A_467 : vector<16xi32> to vector<16xi32>
      %swap3A_469 = vector.shape_cast %add3A_465 : vector<16xi32> to vector<16xi32>
      tpu.vector_store %arg7[%swap3A_466], %swap3A_469 {strides = array<i32>} : memref<8192xi32, #tpu.memory_space<vmem>>, vector<16xi32>,
      %mul3A_470 = arith.constant 128 : i32
      %mul3A_471 = arith.muli %scan3A_366, %mul3A_470 : i32
      %add3A_472 = arith.constant 112 : i32
      %add3A_473 = arith.addi %mul3A_471, %add3A_472 : i32
      %get3A_474 = arith.index_cast %add3A_473 : i32 to index
      %get3A_475 = tpu.vector_load %arg5[%get3A_474] {strides = array<i32>} : memref<8192xi32, #tpu.memory_space<vmem>>, vector<16xi32>,
      %get3A_476 = vector.shape_cast %get3A_475 : vector<16xi32> to vector<16xi32>
      %mul3A_477 = arith.constant 128 : i32
      %mul3A_478 = vector.broadcast %mul3A_477 : i32 to vector<16xi32>
      %mul3A_479 = arith.muli %get3A_476, %mul3A_478 : vector<16xi32>
      %add3A_480 = arith.addi %mul3A_479, %add3A_24 : vector<16xi32>
      %swap3A_481 = arith.index_cast %add3A_473 : i32 to index
      %swap3A_482 = tpu.vector_load %arg7[%swap3A_481] {strides = array<i32>} : memref<8192xi32, #tpu.memory_space<vmem>>, vector<16xi32>,
      %swap3A_483 = vector.shape_cast %swap3A_482 : vector<16xi32> to vector<16xi32>
      %swap3A_484 = vector.shape_cast %add3A_480 : vector<16xi32> to vector<16xi32>
      tpu.vector_store %arg7[%swap3A_481], %swap3A_484 {strides = array<i32>} : memref<8192xi32, #tpu.memory_space<vmem>>, vector<16xi32>,
    }
    %scan3A_271 = arith.constant 64 : i32
    %dma_start3A_272 = arith.constant 0 : i32
    %dma_start3A_273 = tpu.memref_slice %arg9[%dma_start3A_272] : memref<8192xf32, #tpu.memory_space<vmem>> -> memref<8192xf32, #tpu.memory_space<vmem>>
    %dma_start3A_274 = arith.constant 0 : i32
    %dma_start3A_275 = tpu.memref_slice %arg7[%dma_start3A_274] : memref<8192xi32, #tpu.memory_space<vmem>> -> memref<8192xi32, #tpu.memory_space<vmem>>
    %dma_start3A_276 = arith.constant 0 : i32
    %dma_start3A_277 = tpu.memref_slice %arg2[%dma_start3A_276] : memref<12800000xf32, #tpu.memory_space<hbm>> -> memref<12800000xf32, #tpu.memory_space<hbm>>
    tpu.enqueue_indirect_dma source(%dma_start3A_277 : memref<12800000xf32, #tpu.memory_space<hbm>>) target(%dma_start3A_273 : memref<8192xf32, #tpu.memory_space<vmem>>) offsets(%dma_start3A_275 : memref<8192xi32, #tpu.memory_space<vmem>>) semaphore(%arg13 : memref<!tpu.dma_semaphore, #tpu.memory_space<semaphore_mem>>)
    %add3A_278 = arith.constant 33792 : i32
    %add3A_279 = arith.addi %mul3A_26, %add3A_278 : i32
    %dma_wait3A_280 = arith.constant 0 : i32
    %dma_wait3A_281 = tpu.memref_slice %arg10[%dma_wait3A_280] : memref<8192xf32, #tpu.memory_space<vmem>> -> memref<8192xf32, #tpu.memory_space<vmem>>
    %dma_wait3A_282 = tpu.memref_slice %arg4[%add3A_279] : memref<2097152xf32, #tpu.memory_space<hbm>> -> memref<8192xf32, #tpu.memory_space<hbm>>
    %dma_wait3A_283 = arith.constant 0 : i32
    %dma_wait3A_284 = tpu.memref_slice %arg10[%dma_wait3A_283] : memref<8192xf32, #tpu.memory_space<vmem>> -> memref<8192xf32, #tpu.memory_space<vmem>>
    %dma_wait3A_285 = tpu.memref_slice %arg4[%add3A_279] : memref<2097152xf32, #tpu.memory_space<hbm>> -> memref<8192xf32, #tpu.memory_space<hbm>>
    tpu.wait_dma2 semaphore(%arg14 : memref<!tpu.dma_semaphore, #tpu.memory_space<semaphore_mem>>) src(%dma_wait3A_285 : memref<8192xf32, #tpu.memory_space<hbm>>) dst(%dma_wait3A_284 : memref<8192xf32, #tpu.memory_space<vmem>>)
    %add3A_286 = arith.constant 33792 : i32
    %add3A_287 = arith.addi %mul3A_26, %add3A_286 : i32
    "tpu.region"() ({
      %run_scoped3A = tpu.sem_alloc : memref<!tpu.dma_semaphore, #tpu.memory_space<semaphore_mem>>
      %dma_start3A_366 = arith.constant 0 : i32
      %dma_start3A_367 = tpu.memref_slice %arg10[%dma_start3A_366] : memref<8192xf32, #tpu.memory_space<vmem>> -> memref<8192xf32, #tpu.memory_space<vmem>>
      %dma_start3A_368 = tpu.memref_slice %arg4[%add3A_287] : memref<2097152xf32, #tpu.memory_space<hbm>> -> memref<8192xf32, #tpu.memory_space<hbm>>
      %dma_start3A_369 = tpu.memref_slice %arg4[%add3A_287] : memref<2097152xf32, #tpu.memory_space<hbm>> -> memref<8192xf32, #tpu.memory_space<hbm>>
      %dma_start3A_370 = arith.constant 0 : i32
      %dma_start3A_371 = tpu.memref_slice %arg10[%dma_start3A_370] : memref<8192xf32, #tpu.memory_space<vmem>> -> memref<8192xf32, #tpu.memory_space<vmem>>
      tpu.enqueue_dma source(%dma_start3A_371 : memref<8192xf32, #tpu.memory_space<vmem>>) target(%dma_start3A_369 : memref<8192xf32, #tpu.memory_space<hbm>>) target_semaphore(%run_scoped3A : memref<!tpu.dma_semaphore, #tpu.memory_space<semaphore_mem>>)
      %dma_wait3A_372 = arith.constant 0 : i32
      %dma_wait3A_373 = tpu.memref_slice %arg10[%dma_wait3A_372] : memref<8192xf32, #tpu.memory_space<vmem>> -> memref<8192xf32, #tpu.memory_space<vmem>>
      %dma_wait3A_374 = tpu.memref_slice %arg4[%add3A_287] : memref<2097152xf32, #tpu.memory_space<hbm>> -> memref<8192xf32, #tpu.memory_space<hbm>>
      %dma_wait3A_375 = tpu.memref_slice %arg4[%add3A_287] : memref<2097152xf32, #tpu.memory_space<hbm>> -> memref<8192xf32, #tpu.memory_space<hbm>>
      %dma_wait3A_376 = arith.constant 0 : i32
      %dma_wait3A_377 = tpu.memref_slice %arg10[%dma_wait3A_376] : memref<8192xf32, #tpu.memory_space<vmem>> -> memref<8192xf32, #tpu.memory_space<vmem>>
      tpu.wait_dma2 semaphore(%run_scoped3A : memref<!tpu.dma_semaphore, #tpu.memory_space<semaphore_mem>>) src(%dma_wait3A_377 : memref<8192xf32, #tpu.memory_space<vmem>>) dst(%dma_wait3A_375 : memref<8192xf32, #tpu.memory_space<hbm>>)
      tpu.yield
    }) : () -> ()
    %add3A_288 = arith.constant 50176 : i32
    %add3A_289 = arith.addi %mul3A_26, %add3A_288 : i32
    %dma_wait3A_290 = arith.constant 0 : i32
    %dma_wait3A_291 = tpu.memref_slice %arg6[%dma_wait3A_290] : memref<8192xi32, #tpu.memory_space<vmem>> -> memref<8192xi32, #tpu.memory_space<vmem>>
    %dma_wait3A_292 = tpu.memref_slice %arg3[%add3A_289] : memref<2097152xi32, #tpu.memory_space<hbm>> -> memref<8192xi32, #tpu.memory_space<hbm>>
    %dma_wait3A_293 = arith.constant 0 : i32
    %dma_wait3A_294 = tpu.memref_slice %arg6[%dma_wait3A_293] : memref<8192xi32, #tpu.memory_space<vmem>> -> memref<8192xi32, #tpu.memory_space<vmem>>
    %dma_wait3A_295 = tpu.memref_slice %arg3[%add3A_289] : memref<2097152xi32, #tpu.memory_space<hbm>> -> memref<8192xi32, #tpu.memory_space<hbm>>
    tpu.wait_dma2 semaphore(%arg12 : memref<!tpu.dma_semaphore, #tpu.memory_space<semaphore_mem>>) src(%dma_wait3A_295 : memref<8192xi32, #tpu.memory_space<hbm>>) dst(%dma_wait3A_294 : memref<8192xi32, #tpu.memory_space<vmem>>)
    %add3A_296 = arith.constant 58368 : i32
    %add3A_297 = arith.addi %mul3A_26, %add3A_296 : i32
    %dma_start3A_298 = arith.constant 0 : i32
    %dma_start3A_299 = tpu.memref_slice %arg5[%dma_start3A_298] : memref<8192xi32, #tpu.memory_space<vmem>> -> memref<7168xi32, #tpu.memory_space<vmem>>
    %dma_start3A_300 = tpu.memref_slice %arg3[%add3A_297] : memref<2097152xi32, #tpu.memory_space<hbm>> -> memref<7168xi32, #tpu.memory_space<hbm>>
    %dma_start3A_301 = arith.constant 0 : i32
    %dma_start3A_302 = tpu.memref_slice %arg5[%dma_start3A_301] : memref<8192xi32, #tpu.memory_space<vmem>> -> memref<7168xi32, #tpu.memory_space<vmem>>
    %dma_start3A_303 = tpu.memref_slice %arg3[%add3A_297] : memref<2097152xi32, #tpu.memory_space<hbm>> -> memref<7168xi32, #tpu.memory_space<hbm>>
    tpu.enqueue_dma source(%dma_start3A_303 : memref<7168xi32, #tpu.memory_space<hbm>>) target(%dma_start3A_302 : memref<7168xi32, #tpu.memory_space<vmem>>) target_semaphore(%arg11 : memref<!tpu.dma_semaphore, #tpu.memory_space<semaphore_mem>>)
    %scan3A_304 = arith.constant 0 : i32
    %scan3A_305 = arith.constant 0 : i32
    %scan3A_306 = arith.constant 64 : i32
    %scan3A_307 = arith.addi %scan3A_305, %scan3A_306 : i32
    %scan3A_308 = arith.constant 1 : i32
    scf.for %scan3A_366 = %scan3A_305 to %scan3A_307 step %scan3A_308  : i32 {
      %mul3A_367 = arith.constant 128 : i32
      %mul3A_368 = arith.muli %scan3A_366, %mul3A_367 : i32
      %add3A_369 = arith.constant 0 : i32
      %add3A_370 = arith.addi %mul3A_368, %add3A_369 : i32
      %get3A = arith.index_cast %add3A_370 : i32 to index
      %get3A_371 = tpu.vector_load %arg6[%get3A] {strides = array<i32>} : memref<8192xi32, #tpu.memory_space<vmem>>, vector<16xi32>,
      %get3A_372 = vector.shape_cast %get3A_371 : vector<16xi32> to vector<16xi32>
      %mul3A_373 = arith.constant 128 : i32
      %mul3A_374 = vector.broadcast %mul3A_373 : i32 to vector<16xi32>
      %mul3A_375 = arith.muli %get3A_372, %mul3A_374 : vector<16xi32>
      %add3A_376 = arith.addi %mul3A_375, %add3A_3 : vector<16xi32>
      %swap3A = arith.index_cast %add3A_370 : i32 to index
      %swap3A_377 = tpu.vector_load %arg8[%swap3A] {strides = array<i32>} : memref<8192xi32, #tpu.memory_space<vmem>>, vector<16xi32>,
      %swap3A_378 = vector.shape_cast %swap3A_377 : vector<16xi32> to vector<16xi32>
      %swap3A_379 = vector.shape_cast %add3A_376 : vector<16xi32> to vector<16xi32>
      tpu.vector_store %arg8[%swap3A], %swap3A_379 {strides = array<i32>} : memref<8192xi32, #tpu.memory_space<vmem>>, vector<16xi32>,
      %mul3A_380 = arith.constant 128 : i32
      %mul3A_381 = arith.muli %scan3A_366, %mul3A_380 : i32
      %add3A_382 = arith.constant 16 : i32
      %add3A_383 = arith.addi %mul3A_381, %add3A_382 : i32
      %get3A_384 = arith.index_cast %add3A_383 : i32 to index
      %get3A_385 = tpu.vector_load %arg6[%get3A_384] {strides = array<i32>} : memref<8192xi32, #tpu.memory_space<vmem>>, vector<16xi32>,
      %get3A_386 = vector.shape_cast %get3A_385 : vector<16xi32> to vector<16xi32>
      %mul3A_387 = arith.constant 128 : i32
      %mul3A_388 = vector.broadcast %mul3A_387 : i32 to vector<16xi32>
      %mul3A_389 = arith.muli %get3A_386, %mul3A_388 : vector<16xi32>
      %add3A_390 = arith.addi %mul3A_389, %add3A_6 : vector<16xi32>
      %swap3A_391 = arith.index_cast %add3A_383 : i32 to index
      %swap3A_392 = tpu.vector_load %arg8[%swap3A_391] {strides = array<i32>} : memref<8192xi32, #tpu.memory_space<vmem>>, vector<16xi32>,
      %swap3A_393 = vector.shape_cast %swap3A_392 : vector<16xi32> to vector<16xi32>
      %swap3A_394 = vector.shape_cast %add3A_390 : vector<16xi32> to vector<16xi32>
      tpu.vector_store %arg8[%swap3A_391], %swap3A_394 {strides = array<i32>} : memref<8192xi32, #tpu.memory_space<vmem>>, vector<16xi32>,
      %mul3A_395 = arith.constant 128 : i32
      %mul3A_396 = arith.muli %scan3A_366, %mul3A_395 : i32
      %add3A_397 = arith.constant 32 : i32
      %add3A_398 = arith.addi %mul3A_396, %add3A_397 : i32
      %get3A_399 = arith.index_cast %add3A_398 : i32 to index
      %get3A_400 = tpu.vector_load %arg6[%get3A_399] {strides = array<i32>} : memref<8192xi32, #tpu.memory_space<vmem>>, vector<16xi32>,
      %get3A_401 = vector.shape_cast %get3A_400 : vector<16xi32> to vector<16xi32>
      %mul3A_402 = arith.constant 128 : i32
      %mul3A_403 = vector.broadcast %mul3A_402 : i32 to vector<16xi32>
      %mul3A_404 = arith.muli %get3A_401, %mul3A_403 : vector<16xi32>
      %add3A_405 = arith.addi %mul3A_404, %add3A_9 : vector<16xi32>
      %swap3A_406 = arith.index_cast %add3A_398 : i32 to index
      %swap3A_407 = tpu.vector_load %arg8[%swap3A_406] {strides = array<i32>} : memref<8192xi32, #tpu.memory_space<vmem>>, vector<16xi32>,
      %swap3A_408 = vector.shape_cast %swap3A_407 : vector<16xi32> to vector<16xi32>
      %swap3A_409 = vector.shape_cast %add3A_405 : vector<16xi32> to vector<16xi32>
      tpu.vector_store %arg8[%swap3A_406], %swap3A_409 {strides = array<i32>} : memref<8192xi32, #tpu.memory_space<vmem>>, vector<16xi32>,
      %mul3A_410 = arith.constant 128 : i32
      %mul3A_411 = arith.muli %scan3A_366, %mul3A_410 : i32
      %add3A_412 = arith.constant 48 : i32
      %add3A_413 = arith.addi %mul3A_411, %add3A_412 : i32
      %get3A_414 = arith.index_cast %add3A_413 : i32 to index
      %get3A_415 = tpu.vector_load %arg6[%get3A_414] {strides = array<i32>} : memref<8192xi32, #tpu.memory_space<vmem>>, vector<16xi32>,
      %get3A_416 = vector.shape_cast %get3A_415 : vector<16xi32> to vector<16xi32>
      %mul3A_417 = arith.constant 128 : i32
      %mul3A_418 = vector.broadcast %mul3A_417 : i32 to vector<16xi32>
      %mul3A_419 = arith.muli %get3A_416, %mul3A_418 : vector<16xi32>
      %add3A_420 = arith.addi %mul3A_419, %add3A_12 : vector<16xi32>
      %swap3A_421 = arith.index_cast %add3A_413 : i32 to index
      %swap3A_422 = tpu.vector_load %arg8[%swap3A_421] {strides = array<i32>} : memref<8192xi32, #tpu.memory_space<vmem>>, vector<16xi32>,
      %swap3A_423 = vector.shape_cast %swap3A_422 : vector<16xi32> to vector<16xi32>
      %swap3A_424 = vector.shape_cast %add3A_420 : vector<16xi32> to vector<16xi32>
      tpu.vector_store %arg8[%swap3A_421], %swap3A_424 {strides = array<i32>} : memref<8192xi32, #tpu.memory_space<vmem>>, vector<16xi32>,
      %mul3A_425 = arith.constant 128 : i32
      %mul3A_426 = arith.muli %scan3A_366, %mul3A_425 : i32
      %add3A_427 = arith.constant 64 : i32
      %add3A_428 = arith.addi %mul3A_426, %add3A_427 : i32
      %get3A_429 = arith.index_cast %add3A_428 : i32 to index
      %get3A_430 = tpu.vector_load %arg6[%get3A_429] {strides = array<i32>} : memref<8192xi32, #tpu.memory_space<vmem>>, vector<16xi32>,
      %get3A_431 = vector.shape_cast %get3A_430 : vector<16xi32> to vector<16xi32>
      %mul3A_432 = arith.constant 128 : i32
      %mul3A_433 = vector.broadcast %mul3A_432 : i32 to vector<16xi32>
      %mul3A_434 = arith.muli %get3A_431, %mul3A_433 : vector<16xi32>
      %add3A_435 = arith.addi %mul3A_434, %add3A_15 : vector<16xi32>
      %swap3A_436 = arith.index_cast %add3A_428 : i32 to index
      %swap3A_437 = tpu.vector_load %arg8[%swap3A_436] {strides = array<i32>} : memref<8192xi32, #tpu.memory_space<vmem>>, vector<16xi32>,
      %swap3A_438 = vector.shape_cast %swap3A_437 : vector<16xi32> to vector<16xi32>
      %swap3A_439 = vector.shape_cast %add3A_435 : vector<16xi32> to vector<16xi32>
      tpu.vector_store %arg8[%swap3A_436], %swap3A_439 {strides = array<i32>} : memref<8192xi32, #tpu.memory_space<vmem>>, vector<16xi32>,
      %mul3A_440 = arith.constant 128 : i32
      %mul3A_441 = arith.muli %scan3A_366, %mul3A_440 : i32
      %add3A_442 = arith.constant 80 : i32
      %add3A_443 = arith.addi %mul3A_441, %add3A_442 : i32
      %get3A_444 = arith.index_cast %add3A_443 : i32 to index
      %get3A_445 = tpu.vector_load %arg6[%get3A_444] {strides = array<i32>} : memref<8192xi32, #tpu.memory_space<vmem>>, vector<16xi32>,
      %get3A_446 = vector.shape_cast %get3A_445 : vector<16xi32> to vector<16xi32>
      %mul3A_447 = arith.constant 128 : i32
      %mul3A_448 = vector.broadcast %mul3A_447 : i32 to vector<16xi32>
      %mul3A_449 = arith.muli %get3A_446, %mul3A_448 : vector<16xi32>
      %add3A_450 = arith.addi %mul3A_449, %add3A_18 : vector<16xi32>
      %swap3A_451 = arith.index_cast %add3A_443 : i32 to index
      %swap3A_452 = tpu.vector_load %arg8[%swap3A_451] {strides = array<i32>} : memref<8192xi32, #tpu.memory_space<vmem>>, vector<16xi32>,
      %swap3A_453 = vector.shape_cast %swap3A_452 : vector<16xi32> to vector<16xi32>
      %swap3A_454 = vector.shape_cast %add3A_450 : vector<16xi32> to vector<16xi32>
      tpu.vector_store %arg8[%swap3A_451], %swap3A_454 {strides = array<i32>} : memref<8192xi32, #tpu.memory_space<vmem>>, vector<16xi32>,
      %mul3A_455 = arith.constant 128 : i32
      %mul3A_456 = arith.muli %scan3A_366, %mul3A_455 : i32
      %add3A_457 = arith.constant 96 : i32
      %add3A_458 = arith.addi %mul3A_456, %add3A_457 : i32
      %get3A_459 = arith.index_cast %add3A_458 : i32 to index
      %get3A_460 = tpu.vector_load %arg6[%get3A_459] {strides = array<i32>} : memref<8192xi32, #tpu.memory_space<vmem>>, vector<16xi32>,
      %get3A_461 = vector.shape_cast %get3A_460 : vector<16xi32> to vector<16xi32>
      %mul3A_462 = arith.constant 128 : i32
      %mul3A_463 = vector.broadcast %mul3A_462 : i32 to vector<16xi32>
      %mul3A_464 = arith.muli %get3A_461, %mul3A_463 : vector<16xi32>
      %add3A_465 = arith.addi %mul3A_464, %add3A_21 : vector<16xi32>
      %swap3A_466 = arith.index_cast %add3A_458 : i32 to index
      %swap3A_467 = tpu.vector_load %arg8[%swap3A_466] {strides = array<i32>} : memref<8192xi32, #tpu.memory_space<vmem>>, vector<16xi32>,
      %swap3A_468 = vector.shape_cast %swap3A_467 : vector<16xi32> to vector<16xi32>
      %swap3A_469 = vector.shape_cast %add3A_465 : vector<16xi32> to vector<16xi32>
      tpu.vector_store %arg8[%swap3A_466], %swap3A_469 {strides = array<i32>} : memref<8192xi32, #tpu.memory_space<vmem>>, vector<16xi32>,
      %mul3A_470 = arith.constant 128 : i32
      %mul3A_471 = arith.muli %scan3A_366, %mul3A_470 : i32
      %add3A_472 = arith.constant 112 : i32
      %add3A_473 = arith.addi %mul3A_471, %add3A_472 : i32
      %get3A_474 = arith.index_cast %add3A_473 : i32 to index
      %get3A_475 = tpu.vector_load %arg6[%get3A_474] {strides = array<i32>} : memref<8192xi32, #tpu.memory_space<vmem>>, vector<16xi32>,
      %get3A_476 = vector.shape_cast %get3A_475 : vector<16xi32> to vector<16xi32>
      %mul3A_477 = arith.constant 128 : i32
      %mul3A_478 = vector.broadcast %mul3A_477 : i32 to vector<16xi32>
      %mul3A_479 = arith.muli %get3A_476, %mul3A_478 : vector<16xi32>
      %add3A_480 = arith.addi %mul3A_479, %add3A_24 : vector<16xi32>
      %swap3A_481 = arith.index_cast %add3A_473 : i32 to index
      %swap3A_482 = tpu.vector_load %arg8[%swap3A_481] {strides = array<i32>} : memref<8192xi32, #tpu.memory_space<vmem>>, vector<16xi32>,
      %swap3A_483 = vector.shape_cast %swap3A_482 : vector<16xi32> to vector<16xi32>
      %swap3A_484 = vector.shape_cast %add3A_480 : vector<16xi32> to vector<16xi32>
      tpu.vector_store %arg8[%swap3A_481], %swap3A_484 {strides = array<i32>} : memref<8192xi32, #tpu.memory_space<vmem>>, vector<16xi32>,
    }
    %scan3A_309 = arith.constant 64 : i32
    %dma_start3A_310 = arith.constant 0 : i32
    %dma_start3A_311 = tpu.memref_slice %arg10[%dma_start3A_310] : memref<8192xf32, #tpu.memory_space<vmem>> -> memref<8192xf32, #tpu.memory_space<vmem>>
    %dma_start3A_312 = arith.constant 0 : i32
    %dma_start3A_313 = tpu.memref_slice %arg8[%dma_start3A_312] : memref<8192xi32, #tpu.memory_space<vmem>> -> memref<8192xi32, #tpu.memory_space<vmem>>
    %dma_start3A_314 = arith.constant 0 : i32
    %dma_start3A_315 = tpu.memref_slice %arg2[%dma_start3A_314] : memref<12800000xf32, #tpu.memory_space<hbm>> -> memref<12800000xf32, #tpu.memory_space<hbm>>
    tpu.enqueue_indirect_dma source(%dma_start3A_315 : memref<12800000xf32, #tpu.memory_space<hbm>>) target(%dma_start3A_311 : memref<8192xf32, #tpu.memory_space<vmem>>) offsets(%dma_start3A_313 : memref<8192xi32, #tpu.memory_space<vmem>>) semaphore(%arg14 : memref<!tpu.dma_semaphore, #tpu.memory_space<semaphore_mem>>)
    %add3A_316 = arith.constant 41984 : i32
    %add3A_317 = arith.addi %mul3A_26, %add3A_316 : i32
    %dma_wait3A_318 = arith.constant 0 : i32
    %dma_wait3A_319 = tpu.memref_slice %arg9[%dma_wait3A_318] : memref<8192xf32, #tpu.memory_space<vmem>> -> memref<8192xf32, #tpu.memory_space<vmem>>
    %dma_wait3A_320 = tpu.memref_slice %arg4[%add3A_317] : memref<2097152xf32, #tpu.memory_space<hbm>> -> memref<8192xf32, #tpu.memory_space<hbm>>
    %dma_wait3A_321 = arith.constant 0 : i32
    %dma_wait3A_322 = tpu.memref_slice %arg9[%dma_wait3A_321] : memref<8192xf32, #tpu.memory_space<vmem>> -> memref<8192xf32, #tpu.memory_space<vmem>>
    %dma_wait3A_323 = tpu.memref_slice %arg4[%add3A_317] : memref<2097152xf32, #tpu.memory_space<hbm>> -> memref<8192xf32, #tpu.memory_space<hbm>>
    tpu.wait_dma2 semaphore(%arg13 : memref<!tpu.dma_semaphore, #tpu.memory_space<semaphore_mem>>) src(%dma_wait3A_323 : memref<8192xf32, #tpu.memory_space<hbm>>) dst(%dma_wait3A_322 : memref<8192xf32, #tpu.memory_space<vmem>>)
    %add3A_324 = arith.constant 41984 : i32
    %add3A_325 = arith.addi %mul3A_26, %add3A_324 : i32
    "tpu.region"() ({
      %run_scoped3A = tpu.sem_alloc : memref<!tpu.dma_semaphore, #tpu.memory_space<semaphore_mem>>
      %dma_start3A_366 = arith.constant 0 : i32
      %dma_start3A_367 = tpu.memref_slice %arg9[%dma_start3A_366] : memref<8192xf32, #tpu.memory_space<vmem>> -> memref<8192xf32, #tpu.memory_space<vmem>>
      %dma_start3A_368 = tpu.memref_slice %arg4[%add3A_325] : memref<2097152xf32, #tpu.memory_space<hbm>> -> memref<8192xf32, #tpu.memory_space<hbm>>
      %dma_start3A_369 = tpu.memref_slice %arg4[%add3A_325] : memref<2097152xf32, #tpu.memory_space<hbm>> -> memref<8192xf32, #tpu.memory_space<hbm>>
      %dma_start3A_370 = arith.constant 0 : i32
      %dma_start3A_371 = tpu.memref_slice %arg9[%dma_start3A_370] : memref<8192xf32, #tpu.memory_space<vmem>> -> memref<8192xf32, #tpu.memory_space<vmem>>
      tpu.enqueue_dma source(%dma_start3A_371 : memref<8192xf32, #tpu.memory_space<vmem>>) target(%dma_start3A_369 : memref<8192xf32, #tpu.memory_space<hbm>>) target_semaphore(%run_scoped3A : memref<!tpu.dma_semaphore, #tpu.memory_space<semaphore_mem>>)
      %dma_wait3A_372 = arith.constant 0 : i32
      %dma_wait3A_373 = tpu.memref_slice %arg9[%dma_wait3A_372] : memref<8192xf32, #tpu.memory_space<vmem>> -> memref<8192xf32, #tpu.memory_space<vmem>>
      %dma_wait3A_374 = tpu.memref_slice %arg4[%add3A_325] : memref<2097152xf32, #tpu.memory_space<hbm>> -> memref<8192xf32, #tpu.memory_space<hbm>>
      %dma_wait3A_375 = tpu.memref_slice %arg4[%add3A_325] : memref<2097152xf32, #tpu.memory_space<hbm>> -> memref<8192xf32, #tpu.memory_space<hbm>>
      %dma_wait3A_376 = arith.constant 0 : i32
      %dma_wait3A_377 = tpu.memref_slice %arg9[%dma_wait3A_376] : memref<8192xf32, #tpu.memory_space<vmem>> -> memref<8192xf32, #tpu.memory_space<vmem>>
      tpu.wait_dma2 semaphore(%run_scoped3A : memref<!tpu.dma_semaphore, #tpu.memory_space<semaphore_mem>>) src(%dma_wait3A_377 : memref<8192xf32, #tpu.memory_space<vmem>>) dst(%dma_wait3A_375 : memref<8192xf32, #tpu.memory_space<hbm>>)
      tpu.yield
    }) : () -> ()
    %add3A_326 = arith.constant 58368 : i32
    %add3A_327 = arith.addi %mul3A_26, %add3A_326 : i32
    %dma_wait3A_328 = arith.constant 0 : i32
    %dma_wait3A_329 = tpu.memref_slice %arg5[%dma_wait3A_328] : memref<8192xi32, #tpu.memory_space<vmem>> -> memref<7168xi32, #tpu.memory_space<vmem>>
    %dma_wait3A_330 = tpu.memref_slice %arg3[%add3A_327] : memref<2097152xi32, #tpu.memory_space<hbm>> -> memref<7168xi32, #tpu.memory_space<hbm>>
    %dma_wait3A_331 = arith.constant 0 : i32
    %dma_wait3A_332 = tpu.memref_slice %arg5[%dma_wait3A_331] : memref<8192xi32, #tpu.memory_space<vmem>> -> memref<7168xi32, #tpu.memory_space<vmem>>
    %dma_wait3A_333 = tpu.memref_slice %arg3[%add3A_327] : memref<2097152xi32, #tpu.memory_space<hbm>> -> memref<7168xi32, #tpu.memory_space<hbm>>
    tpu.wait_dma2 semaphore(%arg11 : memref<!tpu.dma_semaphore, #tpu.memory_space<semaphore_mem>>) src(%dma_wait3A_333 : memref<7168xi32, #tpu.memory_space<hbm>>) dst(%dma_wait3A_332 : memref<7168xi32, #tpu.memory_space<vmem>>)
    %scan3A_334 = arith.constant 0 : i32
    %scan3A_335 = arith.constant 0 : i32
    %scan3A_336 = arith.constant 56 : i32
    %scan3A_337 = arith.addi %scan3A_335, %scan3A_336 : i32
    %scan3A_338 = arith.constant 1 : i32
    scf.for %scan3A_366 = %scan3A_335 to %scan3A_337 step %scan3A_338  : i32 {
      %mul3A_367 = arith.constant 128 : i32
      %mul3A_368 = arith.muli %scan3A_366, %mul3A_367 : i32
      %add3A_369 = arith.constant 0 : i32
      %add3A_370 = arith.addi %mul3A_368, %add3A_369 : i32
      %get3A = arith.index_cast %add3A_370 : i32 to index
      %get3A_371 = tpu.vector_load %arg5[%get3A] {strides = array<i32>} : memref<8192xi32, #tpu.memory_space<vmem>>, vector<16xi32>,
      %get3A_372 = vector.shape_cast %get3A_371 : vector<16xi32> to vector<16xi32>
      %mul3A_373 = arith.constant 128 : i32
      %mul3A_374 = vector.broadcast %mul3A_373 : i32 to vector<16xi32>
      %mul3A_375 = arith.muli %get3A_372, %mul3A_374 : vector<16xi32>
      %add3A_376 = arith.addi %mul3A_375, %add3A_3 : vector<16xi32>
      %swap3A = arith.index_cast %add3A_370 : i32 to index
      %swap3A_377 = tpu.vector_load %arg7[%swap3A] {strides = array<i32>} : memref<8192xi32, #tpu.memory_space<vmem>>, vector<16xi32>,
      %swap3A_378 = vector.shape_cast %swap3A_377 : vector<16xi32> to vector<16xi32>
      %swap3A_379 = vector.shape_cast %add3A_376 : vector<16xi32> to vector<16xi32>
      tpu.vector_store %arg7[%swap3A], %swap3A_379 {strides = array<i32>} : memref<8192xi32, #tpu.memory_space<vmem>>, vector<16xi32>,
      %mul3A_380 = arith.constant 128 : i32
      %mul3A_381 = arith.muli %scan3A_366, %mul3A_380 : i32
      %add3A_382 = arith.constant 16 : i32
      %add3A_383 = arith.addi %mul3A_381, %add3A_382 : i32
      %get3A_384 = arith.index_cast %add3A_383 : i32 to index
      %get3A_385 = tpu.vector_load %arg5[%get3A_384] {strides = array<i32>} : memref<8192xi32, #tpu.memory_space<vmem>>, vector<16xi32>,
      %get3A_386 = vector.shape_cast %get3A_385 : vector<16xi32> to vector<16xi32>
      %mul3A_387 = arith.constant 128 : i32
      %mul3A_388 = vector.broadcast %mul3A_387 : i32 to vector<16xi32>
      %mul3A_389 = arith.muli %get3A_386, %mul3A_388 : vector<16xi32>
      %add3A_390 = arith.addi %mul3A_389, %add3A_6 : vector<16xi32>
      %swap3A_391 = arith.index_cast %add3A_383 : i32 to index
      %swap3A_392 = tpu.vector_load %arg7[%swap3A_391] {strides = array<i32>} : memref<8192xi32, #tpu.memory_space<vmem>>, vector<16xi32>,
      %swap3A_393 = vector.shape_cast %swap3A_392 : vector<16xi32> to vector<16xi32>
      %swap3A_394 = vector.shape_cast %add3A_390 : vector<16xi32> to vector<16xi32>
      tpu.vector_store %arg7[%swap3A_391], %swap3A_394 {strides = array<i32>} : memref<8192xi32, #tpu.memory_space<vmem>>, vector<16xi32>,
      %mul3A_395 = arith.constant 128 : i32
      %mul3A_396 = arith.muli %scan3A_366, %mul3A_395 : i32
      %add3A_397 = arith.constant 32 : i32
      %add3A_398 = arith.addi %mul3A_396, %add3A_397 : i32
      %get3A_399 = arith.index_cast %add3A_398 : i32 to index
      %get3A_400 = tpu.vector_load %arg5[%get3A_399] {strides = array<i32>} : memref<8192xi32, #tpu.memory_space<vmem>>, vector<16xi32>,
      %get3A_401 = vector.shape_cast %get3A_400 : vector<16xi32> to vector<16xi32>
      %mul3A_402 = arith.constant 128 : i32
      %mul3A_403 = vector.broadcast %mul3A_402 : i32 to vector<16xi32>
      %mul3A_404 = arith.muli %get3A_401, %mul3A_403 : vector<16xi32>
      %add3A_405 = arith.addi %mul3A_404, %add3A_9 : vector<16xi32>
      %swap3A_406 = arith.index_cast %add3A_398 : i32 to index
      %swap3A_407 = tpu.vector_load %arg7[%swap3A_406] {strides = array<i32>} : memref<8192xi32, #tpu.memory_space<vmem>>, vector<16xi32>,
      %swap3A_408 = vector.shape_cast %swap3A_407 : vector<16xi32> to vector<16xi32>
      %swap3A_409 = vector.shape_cast %add3A_405 : vector<16xi32> to vector<16xi32>
      tpu.vector_store %arg7[%swap3A_406], %swap3A_409 {strides = array<i32>} : memref<8192xi32, #tpu.memory_space<vmem>>, vector<16xi32>,
      %mul3A_410 = arith.constant 128 : i32
      %mul3A_411 = arith.muli %scan3A_366, %mul3A_410 : i32
      %add3A_412 = arith.constant 48 : i32
      %add3A_413 = arith.addi %mul3A_411, %add3A_412 : i32
      %get3A_414 = arith.index_cast %add3A_413 : i32 to index
      %get3A_415 = tpu.vector_load %arg5[%get3A_414] {strides = array<i32>} : memref<8192xi32, #tpu.memory_space<vmem>>, vector<16xi32>,
      %get3A_416 = vector.shape_cast %get3A_415 : vector<16xi32> to vector<16xi32>
      %mul3A_417 = arith.constant 128 : i32
      %mul3A_418 = vector.broadcast %mul3A_417 : i32 to vector<16xi32>
      %mul3A_419 = arith.muli %get3A_416, %mul3A_418 : vector<16xi32>
      %add3A_420 = arith.addi %mul3A_419, %add3A_12 : vector<16xi32>
      %swap3A_421 = arith.index_cast %add3A_413 : i32 to index
      %swap3A_422 = tpu.vector_load %arg7[%swap3A_421] {strides = array<i32>} : memref<8192xi32, #tpu.memory_space<vmem>>, vector<16xi32>,
      %swap3A_423 = vector.shape_cast %swap3A_422 : vector<16xi32> to vector<16xi32>
      %swap3A_424 = vector.shape_cast %add3A_420 : vector<16xi32> to vector<16xi32>
      tpu.vector_store %arg7[%swap3A_421], %swap3A_424 {strides = array<i32>} : memref<8192xi32, #tpu.memory_space<vmem>>, vector<16xi32>,
      %mul3A_425 = arith.constant 128 : i32
      %mul3A_426 = arith.muli %scan3A_366, %mul3A_425 : i32
      %add3A_427 = arith.constant 64 : i32
      %add3A_428 = arith.addi %mul3A_426, %add3A_427 : i32
      %get3A_429 = arith.index_cast %add3A_428 : i32 to index
      %get3A_430 = tpu.vector_load %arg5[%get3A_429] {strides = array<i32>} : memref<8192xi32, #tpu.memory_space<vmem>>, vector<16xi32>,
      %get3A_431 = vector.shape_cast %get3A_430 : vector<16xi32> to vector<16xi32>
      %mul3A_432 = arith.constant 128 : i32
      %mul3A_433 = vector.broadcast %mul3A_432 : i32 to vector<16xi32>
      %mul3A_434 = arith.muli %get3A_431, %mul3A_433 : vector<16xi32>
      %add3A_435 = arith.addi %mul3A_434, %add3A_15 : vector<16xi32>
      %swap3A_436 = arith.index_cast %add3A_428 : i32 to index
      %swap3A_437 = tpu.vector_load %arg7[%swap3A_436] {strides = array<i32>} : memref<8192xi32, #tpu.memory_space<vmem>>, vector<16xi32>,
      %swap3A_438 = vector.shape_cast %swap3A_437 : vector<16xi32> to vector<16xi32>
      %swap3A_439 = vector.shape_cast %add3A_435 : vector<16xi32> to vector<16xi32>
      tpu.vector_store %arg7[%swap3A_436], %swap3A_439 {strides = array<i32>} : memref<8192xi32, #tpu.memory_space<vmem>>, vector<16xi32>,
      %mul3A_440 = arith.constant 128 : i32
      %mul3A_441 = arith.muli %scan3A_366, %mul3A_440 : i32
      %add3A_442 = arith.constant 80 : i32
      %add3A_443 = arith.addi %mul3A_441, %add3A_442 : i32
      %get3A_444 = arith.index_cast %add3A_443 : i32 to index
      %get3A_445 = tpu.vector_load %arg5[%get3A_444] {strides = array<i32>} : memref<8192xi32, #tpu.memory_space<vmem>>, vector<16xi32>,
      %get3A_446 = vector.shape_cast %get3A_445 : vector<16xi32> to vector<16xi32>
      %mul3A_447 = arith.constant 128 : i32
      %mul3A_448 = vector.broadcast %mul3A_447 : i32 to vector<16xi32>
      %mul3A_449 = arith.muli %get3A_446, %mul3A_448 : vector<16xi32>
      %add3A_450 = arith.addi %mul3A_449, %add3A_18 : vector<16xi32>
      %swap3A_451 = arith.index_cast %add3A_443 : i32 to index
      %swap3A_452 = tpu.vector_load %arg7[%swap3A_451] {strides = array<i32>} : memref<8192xi32, #tpu.memory_space<vmem>>, vector<16xi32>,
      %swap3A_453 = vector.shape_cast %swap3A_452 : vector<16xi32> to vector<16xi32>
      %swap3A_454 = vector.shape_cast %add3A_450 : vector<16xi32> to vector<16xi32>
      tpu.vector_store %arg7[%swap3A_451], %swap3A_454 {strides = array<i32>} : memref<8192xi32, #tpu.memory_space<vmem>>, vector<16xi32>,
      %mul3A_455 = arith.constant 128 : i32
      %mul3A_456 = arith.muli %scan3A_366, %mul3A_455 : i32
      %add3A_457 = arith.constant 96 : i32
      %add3A_458 = arith.addi %mul3A_456, %add3A_457 : i32
      %get3A_459 = arith.index_cast %add3A_458 : i32 to index
      %get3A_460 = tpu.vector_load %arg5[%get3A_459] {strides = array<i32>} : memref<8192xi32, #tpu.memory_space<vmem>>, vector<16xi32>,
      %get3A_461 = vector.shape_cast %get3A_460 : vector<16xi32> to vector<16xi32>
      %mul3A_462 = arith.constant 128 : i32
      %mul3A_463 = vector.broadcast %mul3A_462 : i32 to vector<16xi32>
      %mul3A_464 = arith.muli %get3A_461, %mul3A_463 : vector<16xi32>
      %add3A_465 = arith.addi %mul3A_464, %add3A_21 : vector<16xi32>
      %swap3A_466 = arith.index_cast %add3A_458 : i32 to index
      %swap3A_467 = tpu.vector_load %arg7[%swap3A_466] {strides = array<i32>} : memref<8192xi32, #tpu.memory_space<vmem>>, vector<16xi32>,
      %swap3A_468 = vector.shape_cast %swap3A_467 : vector<16xi32> to vector<16xi32>
      %swap3A_469 = vector.shape_cast %add3A_465 : vector<16xi32> to vector<16xi32>
      tpu.vector_store %arg7[%swap3A_466], %swap3A_469 {strides = array<i32>} : memref<8192xi32, #tpu.memory_space<vmem>>, vector<16xi32>,
      %mul3A_470 = arith.constant 128 : i32
      %mul3A_471 = arith.muli %scan3A_366, %mul3A_470 : i32
      %add3A_472 = arith.constant 112 : i32
      %add3A_473 = arith.addi %mul3A_471, %add3A_472 : i32
      %get3A_474 = arith.index_cast %add3A_473 : i32 to index
      %get3A_475 = tpu.vector_load %arg5[%get3A_474] {strides = array<i32>} : memref<8192xi32, #tpu.memory_space<vmem>>, vector<16xi32>,
      %get3A_476 = vector.shape_cast %get3A_475 : vector<16xi32> to vector<16xi32>
      %mul3A_477 = arith.constant 128 : i32
      %mul3A_478 = vector.broadcast %mul3A_477 : i32 to vector<16xi32>
      %mul3A_479 = arith.muli %get3A_476, %mul3A_478 : vector<16xi32>
      %add3A_480 = arith.addi %mul3A_479, %add3A_24 : vector<16xi32>
      %swap3A_481 = arith.index_cast %add3A_473 : i32 to index
      %swap3A_482 = tpu.vector_load %arg7[%swap3A_481] {strides = array<i32>} : memref<8192xi32, #tpu.memory_space<vmem>>, vector<16xi32>,
      %swap3A_483 = vector.shape_cast %swap3A_482 : vector<16xi32> to vector<16xi32>
      %swap3A_484 = vector.shape_cast %add3A_480 : vector<16xi32> to vector<16xi32>
      tpu.vector_store %arg7[%swap3A_481], %swap3A_484 {strides = array<i32>} : memref<8192xi32, #tpu.memory_space<vmem>>, vector<16xi32>,
    }
    %scan3A_339 = arith.constant 56 : i32
    %dma_start3A_340 = arith.constant 0 : i32
    %dma_start3A_341 = tpu.memref_slice %arg9[%dma_start3A_340] : memref<8192xf32, #tpu.memory_space<vmem>> -> memref<7168xf32, #tpu.memory_space<vmem>>
    %dma_start3A_342 = arith.constant 0 : i32
    %dma_start3A_343 = tpu.memref_slice %arg7[%dma_start3A_342] : memref<8192xi32, #tpu.memory_space<vmem>> -> memref<7168xi32, #tpu.memory_space<vmem>>
    %dma_start3A_344 = arith.constant 0 : i32
    %dma_start3A_345 = tpu.memref_slice %arg2[%dma_start3A_344] : memref<12800000xf32, #tpu.memory_space<hbm>> -> memref<12800000xf32, #tpu.memory_space<hbm>>
    tpu.enqueue_indirect_dma source(%dma_start3A_345 : memref<12800000xf32, #tpu.memory_space<hbm>>) target(%dma_start3A_341 : memref<7168xf32, #tpu.memory_space<vmem>>) offsets(%dma_start3A_343 : memref<7168xi32, #tpu.memory_space<vmem>>) semaphore(%arg13 : memref<!tpu.dma_semaphore, #tpu.memory_space<semaphore_mem>>)
    %add3A_346 = arith.constant 50176 : i32
    %add3A_347 = arith.addi %mul3A_26, %add3A_346 : i32
    %dma_wait3A_348 = arith.constant 0 : i32
    %dma_wait3A_349 = tpu.memref_slice %arg10[%dma_wait3A_348] : memref<8192xf32, #tpu.memory_space<vmem>> -> memref<8192xf32, #tpu.memory_space<vmem>>
    %dma_wait3A_350 = tpu.memref_slice %arg4[%add3A_347] : memref<2097152xf32, #tpu.memory_space<hbm>> -> memref<8192xf32, #tpu.memory_space<hbm>>
    %dma_wait3A_351 = arith.constant 0 : i32
    %dma_wait3A_352 = tpu.memref_slice %arg10[%dma_wait3A_351] : memref<8192xf32, #tpu.memory_space<vmem>> -> memref<8192xf32, #tpu.memory_space<vmem>>
    %dma_wait3A_353 = tpu.memref_slice %arg4[%add3A_347] : memref<2097152xf32, #tpu.memory_space<hbm>> -> memref<8192xf32, #tpu.memory_space<hbm>>
    tpu.wait_dma2 semaphore(%arg14 : memref<!tpu.dma_semaphore, #tpu.memory_space<semaphore_mem>>) src(%dma_wait3A_353 : memref<8192xf32, #tpu.memory_space<hbm>>) dst(%dma_wait3A_352 : memref<8192xf32, #tpu.memory_space<vmem>>)
    %add3A_354 = arith.constant 50176 : i32
    %add3A_355 = arith.addi %mul3A_26, %add3A_354 : i32
    "tpu.region"() ({
      %run_scoped3A = tpu.sem_alloc : memref<!tpu.dma_semaphore, #tpu.memory_space<semaphore_mem>>
      %dma_start3A_366 = arith.constant 0 : i32
      %dma_start3A_367 = tpu.memref_slice %arg10[%dma_start3A_366] : memref<8192xf32, #tpu.memory_space<vmem>> -> memref<8192xf32, #tpu.memory_space<vmem>>
      %dma_start3A_368 = tpu.memref_slice %arg4[%add3A_355] : memref<2097152xf32, #tpu.memory_space<hbm>> -> memref<8192xf32, #tpu.memory_space<hbm>>
      %dma_start3A_369 = tpu.memref_slice %arg4[%add3A_355] : memref<2097152xf32, #tpu.memory_space<hbm>> -> memref<8192xf32, #tpu.memory_space<hbm>>
      %dma_start3A_370 = arith.constant 0 : i32
      %dma_start3A_371 = tpu.memref_slice %arg10[%dma_start3A_370] : memref<8192xf32, #tpu.memory_space<vmem>> -> memref<8192xf32, #tpu.memory_space<vmem>>
      tpu.enqueue_dma source(%dma_start3A_371 : memref<8192xf32, #tpu.memory_space<vmem>>) target(%dma_start3A_369 : memref<8192xf32, #tpu.memory_space<hbm>>) target_semaphore(%run_scoped3A : memref<!tpu.dma_semaphore, #tpu.memory_space<semaphore_mem>>)
      %dma_wait3A_372 = arith.constant 0 : i32
      %dma_wait3A_373 = tpu.memref_slice %arg10[%dma_wait3A_372] : memref<8192xf32, #tpu.memory_space<vmem>> -> memref<8192xf32, #tpu.memory_space<vmem>>
      %dma_wait3A_374 = tpu.memref_slice %arg4[%add3A_355] : memref<2097152xf32, #tpu.memory_space<hbm>> -> memref<8192xf32, #tpu.memory_space<hbm>>
      %dma_wait3A_375 = tpu.memref_slice %arg4[%add3A_355] : memref<2097152xf32, #tpu.memory_space<hbm>> -> memref<8192xf32, #tpu.memory_space<hbm>>
      %dma_wait3A_376 = arith.constant 0 : i32
      %dma_wait3A_377 = tpu.memref_slice %arg10[%dma_wait3A_376] : memref<8192xf32, #tpu.memory_space<vmem>> -> memref<8192xf32, #tpu.memory_space<vmem>>
      tpu.wait_dma2 semaphore(%run_scoped3A : memref<!tpu.dma_semaphore, #tpu.memory_space<semaphore_mem>>) src(%dma_wait3A_377 : memref<8192xf32, #tpu.memory_space<vmem>>) dst(%dma_wait3A_375 : memref<8192xf32, #tpu.memory_space<hbm>>)
      tpu.yield
    }) : () -> ()
    %add3A_356 = arith.constant 58368 : i32
    %add3A_357 = arith.addi %mul3A_26, %add3A_356 : i32
    %dma_wait3A_358 = arith.constant 0 : i32
    %dma_wait3A_359 = tpu.memref_slice %arg9[%dma_wait3A_358] : memref<8192xf32, #tpu.memory_space<vmem>> -> memref<7168xf32, #tpu.memory_space<vmem>>
    %dma_wait3A_360 = tpu.memref_slice %arg4[%add3A_357] : memref<2097152xf32, #tpu.memory_space<hbm>> -> memref<7168xf32, #tpu.memory_space<hbm>>
    %dma_wait3A_361 = arith.constant 0 : i32
    %dma_wait3A_362 = tpu.memref_slice %arg9[%dma_wait3A_361] : memref<8192xf32, #tpu.memory_space<vmem>> -> memref<7168xf32, #tpu.memory_space<vmem>>
    %dma_wait3A_363 = tpu.memref_slice %arg4[%add3A_357] : memref<2097152xf32, #tpu.memory_space<hbm>> -> memref<7168xf32, #tpu.memory_space<hbm>>
    tpu.wait_dma2 semaphore(%arg13 : memref<!tpu.dma_semaphore, #tpu.memory_space<semaphore_mem>>) src(%dma_wait3A_363 : memref<7168xf32, #tpu.memory_space<hbm>>) dst(%dma_wait3A_362 : memref<7168xf32, #tpu.memory_space<vmem>>)
    %add3A_364 = arith.constant 58368 : i32
    %add3A_365 = arith.addi %mul3A_26, %add3A_364 : i32
    "tpu.region"() ({
      %run_scoped3A = tpu.sem_alloc : memref<!tpu.dma_semaphore, #tpu.memory_space<semaphore_mem>>
      %dma_start3A_366 = arith.constant 0 : i32
      %dma_start3A_367 = tpu.memref_slice %arg9[%dma_start3A_366] : memref<8192xf32, #tpu.memory_space<vmem>> -> memref<7168xf32, #tpu.memory_space<vmem>>
      %dma_start3A_368 = tpu.memref_slice %arg4[%add3A_365] : memref<2097152xf32, #tpu.memory_space<hbm>> -> memref<7168xf32, #tpu.memory_space<hbm>>
      %dma_start3A_369 = tpu.memref_slice %arg4[%add3A_365] : memref<2097152xf32, #tpu.memory_space<hbm>> -> memref<7168xf32, #tpu.memory_space<hbm>>
      %dma_start3A_370 = arith.constant 0 : i32
      %dma_start3A_371 = tpu.memref_slice %arg9[%dma_start3A_370] : memref<8192xf32, #tpu.memory_space<vmem>> -> memref<7168xf32, #tpu.memory_space<vmem>>
      tpu.enqueue_dma source(%dma_start3A_371 : memref<7168xf32, #tpu.memory_space<vmem>>) target(%dma_start3A_369 : memref<7168xf32, #tpu.memory_space<hbm>>) target_semaphore(%run_scoped3A : memref<!tpu.dma_semaphore, #tpu.memory_space<semaphore_mem>>)
      %dma_wait3A_372 = arith.constant 0 : i32
      %dma_wait3A_373 = tpu.memref_slice %arg9[%dma_wait3A_372] : memref<8192xf32, #tpu.memory_space<vmem>> -> memref<7168xf32, #tpu.memory_space<vmem>>
      %dma_wait3A_374 = tpu.memref_slice %arg4[%add3A_365] : memref<2097152xf32, #tpu.memory_space<hbm>> -> memref<7168xf32, #tpu.memory_space<hbm>>
      %dma_wait3A_375 = tpu.memref_slice %arg4[%add3A_365] : memref<2097152xf32, #tpu.memory_space<hbm>> -> memref<7168xf32, #tpu.memory_space<hbm>>
      %dma_wait3A_376 = arith.constant 0 : i32
      %dma_wait3A_377 = tpu.memref_slice %arg9[%dma_wait3A_376] : memref<8192xf32, #tpu.memory_space<vmem>> -> memref<7168xf32, #tpu.memory_space<vmem>>
      tpu.wait_dma2 semaphore(%run_scoped3A : memref<!tpu.dma_semaphore, #tpu.memory_space<semaphore_mem>>) src(%dma_wait3A_377 : memref<7168xf32, #tpu.memory_space<vmem>>) dst(%dma_wait3A_375 : memref<7168xf32, #tpu.memory_space<hbm>>)
      tpu.yield
    }) : () -> ()
    return
  }
}

</mosaic_0001>

<sc_bundles>
// kernel: kernel.3.cloned.1.call-start
scs
__scs_entry_jumppad:
0x0: {  	(pc) =	sbr.rel $0x88, $3  }
0x1: {  	(tag) =	ssettag $0x0;
	lr =	simm.s32 $0x1  }
0x2: {  	[smem:$0x3F9F] =	sst lr;
	_ =	strace $0xD0000000  }
0x3: {  	_ = 	snop  }
0x4: {  	_ = 	snop  }
0x5: {  	_ = 	snop  }
0x6: {  	_ = 	snop  }
0x7: {  	_ = 	snop  }
__scs_overlays_trampoline_lowered:
0x8: {  	[smem:$0x3FAE] =	sst s0  }
0x9: {  	[smem:$0x3FAF] =	sst s1  }
0xa: {  	[smem:$0x3FB0] =	sst s2  }
0xb: {  	[smem:$0x3FB1] =	sst s3  }
0xc: {  	[smem:$0x3FB2] =	sst s4  }
0xd: {  	[smem:$0x3FB3] =	sst s5  }
0xe: {  	[smem:$0x3FB4] =	sst s6  }
0xf: {  	[smem:$0x3FB5] =	sst s7  }
0x10: {  	[smem:$0x3FB6] =	sst s8  }
0x11: {  	[smem:$0x3FB7] =	sst s9;
	s0 =	simm.s32 @!p0 $0x0  }
0x12: {  	s1 =	sld [smem:$0x3F9D];
	s0 =	simm.s32 @p0 $0x1  }
0x13: {  	[smem:$0x3FB8] =	sst s0;
	s0 =	simm.s32 @!p1 $0x0  }
0x14: {  	s2 =	sld [smem:$0x3F9C];
	s0 =	simm.s32 @p1 $0x1  }
0x15: {  	[smem:$0x3FB9] =	sst s0;
	s0 =	simm.s32 @!p2 $0x0  }
0x16: {  	s3 =	sld [smem:$0x3FDB];
	s0 =	simm.s32 @p2 $0x1  }
0x17: {  	s4 =	simm.s32 $0x1BF5;
	[smem:$0x3FBB] =	sst s0  }
0x18: {  	s0 =	sld [smem:$0x3F9E];
	_ =	swait.ge [sflag:s4], $0x0  }
0x19: {  	s7 =	sld [smem:$0x3F9F]  }
0x1a: {  	s8 =	sadd.s32 $0xFFFFE003, lr  }
0x1b: {  	s9 =	sadd.s32 $0xFFFFFEF7, lr;
	s5 =	simm.s32 $0xFFFFFFFF;
	p2 =	slt.u32 s8, $0xFFFFF086  }
0x1c: {  	p1 =	slt.u32 s9, $0xF7A;
	s5 =	simm.s32 @!p2 $0x0  }
0x1d: {  	s5 =	simm.s32 @p1 $0x1;
	p0 =	seq.s32 s7, s2  }
0x1e: {  	s7 =	smul.u32 @!p0 $0xF7A, s2;
	p2 =	seq.s32 @!p0 s5, $0x0  }
0x1f: {  	s9 =	smul.u32 $0xF7A, s1;
	s8 =	simm.s32 @!p0 $0x1BF5;
	p2 =	por !p2, p0  }
0x20: {  	[sflag:s8] =	ssyncset.s32 @!p0 $0xFFFFF086;
	s6 =	sadd.s32 @!p0 s3, s7;
	s7 =	simm.s32 @!p0 $0x108  }
0x21: {  	s3 =	sadd.s32 s3, s9;
	s6 =	sadd.s32 @!p0 $0x88, s6;
	s7 =	simm.s32 @p2 $0x1082  }
0x22: {  	[simem:s7], [sflag:s8] =	dma.local @!p0 [hbm:s6], $0xF7A  }
0x23: {  	s9 =	sor.u32 $0xD0000000, s2;
	s6 =	simm.s32 $0x108;
	_ =	swait.ge @!p0 [sflag:s8], $0x0  }
0x24: {  	s3 =	sadd.s32 $0x88, s3;
	s6 =	simm.s32 @!p1 $0x1082;
	[sflag:s4] =	ssyncset.s32 $0xFFFFF086  }
0x25: {  	[simem:s6], [sflag:s4] =	dma.local [hbm:s3], $0xF7A  }
0x26: {  	[smem:$0x3F9F] =	sst s1;
	(tag) =	ssettag s2;
	_ =	strace s9  }
0x27: {  	s1 =	sld [smem:$0x3FAF]  }
0x28: {  	s2 =	sld [smem:$0x3FB0]  }
0x29: {  	s4 =	sld [smem:$0x3FB2]  }
0x2a: {  	p0 =	seq.s32 s5, $0x0;
	s5 =	sld [smem:$0x3FB3]  }
0x2b: {  	s6 =	sld [smem:$0x3FB4]  }
0x2c: {  	s7 =	sld [smem:$0x3FB5]  }
0x2d: {  	s3 =	simm.s32 $0x108;
	s8 =	sld [smem:$0x3FB6]  }
0x2e: {  	s3 =	simm.s32 @!p0 $0x1082;
	s9 =	sld [smem:$0x3FB7]  }
0x2f: {  	lr =	sadd.s32 s0, s3;
	s0 =	sld [smem:$0x3FAE]  }
0x30: {  	s3 =	sld [smem:$0x3FB1]  }
0x31: {  	[smem:$0x3FBA] =	sst s10  }
0x32: {  	s10 =	sld [smem:$0x3FB8];
	_ =	sdelay $0x3  }
0x33: {  	p0 =	seq.s32 s10, $0x1;
	s10 =	sld [smem:$0x3FBA];
	_ =	sdelay $0x3  }
0x34: {  	[smem:$0x3FBA] =	sst s10  }
0x35: {  	s10 =	sld [smem:$0x3FB9];
	_ =	sdelay $0x3  }
0x36: {  	p1 =	seq.s32 s10, $0x1;
	s10 =	sld [smem:$0x3FBA];
	_ =	sdelay $0x3  }
0x37: {  	[smem:$0x3FBA] =	sst s10  }
0x38: {  	s10 =	sld [smem:$0x3FBB]  }
0x39: {  	_ = 	snop;
	(pc) =	sbr.ind lr, $3  }
0x3a: {  	_ = 	snop  }
0x3b: {  	_ = 	snop  }
0x3c: {  	p2 =	seq.s32 s10, $0x1;
	s10 =	sld [smem:$0x3FBA]  }
0x3d: {  	_ =	shalt  }
0x3e: {  	_ =	shalt  }
0x3f: {  	_ =	shalt  }
0x40: {  	_ =	shalt  }
0x41: {  	_ =	shalt  }
0x42: {  	_ =	shalt  }
0x43: {  	_ =	shalt  }
0x44: {  	_ =	shalt  }
0x45: {  	_ =	shalt  }
0x46: {  	_ =	shalt  }
0x47: {  	_ =	shalt  }
0x48: {  	_ =	shalt  }
0x49: {  	_ =	shalt  }
0x4a: {  	_ =	shalt  }
0x4b: {  	_ =	shalt  }
0x4c: {  	_ =	shalt  }
0x4d: {  	_ =	shalt  }
0x4e: {  	_ =	shalt  }
0x4f: {  	_ =	shalt  }
0x50: {  	_ =	shalt  }
0x51: {  	_ =	shalt  }
0x52: {  	_ =	shalt  }
0x53: {  	_ =	shalt  }
0x54: {  	_ =	shalt  }
0x55: {  	_ =	shalt  }
0x56: {  	_ =	shalt  }
0x57: {  	_ =	shalt  }
0x58: {  	_ =	shalt  }
0x59: {  	_ =	shalt  }
0x5a: {  	_ =	shalt  }
0x5b: {  	_ =	shalt  }
0x5c: {  	_ =	shalt  }
0x5d: {  	_ =	shalt  }
0x5e: {  	_ =	shalt  }
0x5f: {  	_ =	shalt  }
0x60: {  	_ =	shalt  }
0x61: {  	_ =	shalt  }
0x62: {  	_ =	shalt  }
0x63: {  	_ =	shalt  }
0x64: {  	_ =	shalt  }
0x65: {  	_ =	shalt  }
0x66: {  	_ =	shalt  }
0x67: {  	_ =	shalt  }
0x68: {  	_ =	shalt  }
0x69: {  	_ =	shalt  }
0x6a: {  	_ =	shalt  }
0x6b: {  	_ =	shalt  }
0x6c: {  	_ =	shalt  }
0x6d: {  	_ =	shalt  }
0x6e: {  	_ =	shalt  }
0x6f: {  	_ =	shalt  }
0x70: {  	_ =	shalt  }
0x71: {  	_ =	shalt  }
0x72: {  	_ =	shalt  }
0x73: {  	_ =	shalt  }
0x74: {  	_ =	shalt  }
0x75: {  	_ =	shalt  }
0x76: {  	_ =	shalt  }
0x77: {  	_ =	shalt  }
0x78: {  	_ =	shalt  }
0x79: {  	_ =	shalt  }
0x7a: {  	_ =	shalt  }
0x7b: {  	_ =	shalt  }
0x7c: {  	_ =	shalt  }
0x7d: {  	_ =	shalt  }
0x7e: {  	_ =	shalt  }
0x7f: {  	_ =	shalt  }
0x80: {  	_ =	shalt  }
0x81: {  	_ =	shalt  }
0x82: {  	_ =	shalt  }
0x83: {  	_ =	shalt  }
0x84: {  	_ =	shalt  }
0x85: {  	_ =	shalt  }
0x86: {  	_ =	shalt  }
0x87: {  	_ =	shalt  }
.Lfunc_end0:
.L_simem_size_0:
called_computation_lowered:
.L_overlay_start_0:
0x88: {  	s2 =	sld [smem:$0x3FD9]  }
0x89: {  	s3 =	sld [smem:$0x3FFE];
	_ =	sdelay $0x1  }
0x8a: {  	s1 =	srdreg.scid  }
0x8b: {  	s0 =	sand.u32 $0x1, s1  }
0x8c: {  	s18 =	sshll.u32 s0, $0xA;
	s2 =	sadd.s32 s3, s2  }
0x8d: {  	s2 =	sadd.s32 s2, s18  }
0x8e: {  	[smem:$0x3FC6] =	sst s2  }
0x8f: {  	_ = 	snop  }
0x90: {  	s2 =	sld [smem:$0x3FC9]  }
0x91: {  	s19 =	sld [smem:$0x3FC8]  }
0x92: {  	s4 =	sld [smem:$0x3FD0];
	(tm) =	ssettm $0x1  }
0x93: {  	s5 =	sld [smem:$0x3FFB];
	_ =	sdelay $0x3  }
0x94: {  	_ =	strace s5  }
0x95: {  	s5 =	sld [smem:$0x3FFC];
	_ =	sdelay $0x3  }
0x96: {  	_ =	strace s5  }
0x97: {  	s5 =	sld [smem:$0x3FFD];
	_ =	sdelay $0x3  }
0x98: {  	_ =	strace s5  }
0x99: {  	_ =	strace $0x8FFFFFFF  }
0x9a: {  	s20 =	sld [smem:$0x3FDB];
	_ =	sdelay $0x1  }
0x9b: {  	s6 =	simm.s32 $_scs_section_size  }
0x9c: {  	s7 =	simm.s32 $_size__tile_overlayer_lowered;
	s8 =	simm.s32 $_tile_overlayer_lowered  }
0x9d: {  	s23 =	simm.s32 $0x1BFF;
	s22 =	sshll.u32 s8, $0x1;
	s5 =	sadd.s32 s6, s20  }
0x9e: {  	s9 =	simm.s32 $0x0;
	s21 =	sshll.u32 s7, $0x1;
	s7 =	sadd.s32 s22, s5  }
0x9f: {  	[timem:s9], [sflag:s23] =	dma.local [hbm:s7], s21  }
0xa0: {  	_ =	swait.ge [sflag:s23], s21  }
0xa1: {  	s6 =	ssub.s32 $0x0, s21;
	[sflag:s23] =	ssyncset.done $0x0  }
0xa2: {  	[sflag:s23] =	ssyncadd.s32 s6;
	_ =	sdelay $0x1  }
0xa3: {  	s24 =	simm.s32 $0x1B8B  }
0xa4: {  	_ =	swait.ge [sflag:s24], $0x1  }
0xa5: {  	[sflag:s24] =	ssyncset.done $0x0  }
0xa6: {  	s25 =	simm.s32 $0x1B8E;
	[sflag:s24] =	ssyncadd.s32 $0xFFFFFFFF  }
0xa7: {  	s26 =	simm.s32 $execute0_lowered;
	[smem:$0x3FD2] =	sst s25  }
0xa8: {  	s6 =	sshll.u32 s26, $0x1;
	_ =	strace $0x80000046;
	[dreg:$0x1] =	wrdreg $0xFFFFFFFF  }
0xa9: {  	s28 =	simm.s32 $_size_execute0_lowered;
	s5 =	sadd.s32 s5, s6;
	[dreg:$0x0] =	wrdreg $0x0  }
0xaa: {  	s6 =	sshll.u32 s28, $0x1;
	[dreg:$0x2] =	wrdreg s5  }
0xab: {  	[dreg:$0x3] =	wrdreg s6  }
0xac: {  	[dreg:$0x4] =	wrdreg $0xC0  }
0xad: {  	_ =	task [dreg:s9], $0x5FFFF  }
0xae: {  	[dreg:$0x1] =	wrdreg $0xFFFFFFFF  }
0xaf: {  	[dreg:$0x0] =	wrdreg $0x60  }
0xb0: {  	[dreg:$0x2] =	wrdreg s2  }
0xb1: {  	[dreg:$0x3] =	wrdreg s19  }
0xb2: {  	[dreg:$0x4] =	wrdreg s4  }
0xb3: {  	[dreg:$0x5] =	wrdreg $0x9  }
0xb4: {  	_ =	task.clear_ibuf [dreg:s9], $0x6FFFF;
	_ =	strace $0x90000046  }
0xb5: {  	s29 =	simm.s32 $0x9;
	_ =	strace $0x80000048  }
0xb6: {  	_ =	swait.ge [sflag:s29], $0x1  }
0xb7: {  	[sflag:s29] =	ssyncadd.s32 $0xFFFFFFFF  }
0xb8: {  	_ =	strace $0x90000048  }
0xb9: {  	_ =	sfence  }
0xba: {  	s30 =	sld [smem:$0x0];
	_ =	sdelay $0x2  }
0xbb: {  	s31 =	sshll.u32 s1, $0xD;
	s1 =	sshrl.u32 s1, $0x2  }
0xbc: {  	s3 =	sand.u32 $0x4000, s31;
	s1 =	sadd.s32 s1, s30  }
0xbd: {  	s0 =	sor.u32 s3, s0;
	s1 =	sshll.u32 s1, $0x11  }
0xbe: {  	s0 =	sor.u32 s1, s0  }
0xbf: {  	s0 =	sadd.s32 $0x8F2B, s0  }
0xc0: {  	[sflag:s0] =	ssyncadd.remote.s32 $0x1  }
0xc1: {  	_ =	sfence.sel $0xFFFF  }
0xc2: {  	[dreg:$0x0] =	wrdreg $0xFFFFFFFF;
	(pc) =	sbr.abs _section_cstart, $3  }
0xc3: {  	[dreg:$0x1] =	wrdreg $0xFFFFFFFF  }
0xc4: {  	_ =	task.clear_ibuf [dreg:s9], $0x2FFFF;
	_ =	strace $0x9FFFFFFF  }
0xc5: {  	(tm) =	ssettm $0x7FFFFFFF  }
tec
execute0_lowered:
.L_overlay_start_1:
0x0: {  	(tag) =	ssettag $0x1  }
0x1: {  	s1 =	rddreg [dreg:$0x0]  }
0x2: {  	s0 =	rddreg [dreg:$0x1]  }
0x3: {  	s2 =	rddreg [dreg:$0x2]  }
0x4: {  	s4 =	srdreg.scid;
	s3 =	simm.s32 $0x0;
	s6 =	stileid.u32  }
0x5: {  	s28 =	simm.s32 $0x8000;
	s29 =	simm.s32 $0x2;
	s30 =	simm.s32 $0x6000  }
0x6: {  	s31 =	simm.s32 $0xA000;
	s4 =	sand.u32 $0x1, s4;
	s6 =	sshll.u32 s6, $0xE  }
0x7: {  	[smem:$0x7FF] =	sst s3;
	s5 =	ssub.s32 $0x2, s4;
	s4 =	sshll.u32 s4, $0xD  }
0x8: {  	_ =	strace $0x80000047;
	s7 =	sshrl.u32 s5, $0x1;
	s4 =	sor.u32 s4, s6  }
0x9: {  	s5 =	ssub.s32 s5, s7;
	s6 =	sor.u32 $0x80, s4;
	s20 =	sadd.s32 s0, s4  }
0xa: {  	s22 =	sor.u32 $0x480, s4;
	s23 =	sadd.s32 s2, s4;
	s13 =	sor.u32 $0x880, s4  }
0xb: {  	s24 =	sor.u32 $0xC80, s4;
	s25 =	sor.u32 $0x1080, s4;
	s19 =	sor.u32 $0x1480, s4  }
0xc: {  	s26 =	sor.u32 $0x1880, s4;
	s4 =	sor.u32 $0x1C80, s4;
	[dreg:$0x4] =	wrdreg s20  }
0xd: {  	s21 =	sadd.s32 s0, s6;
	s8 =	sadd.s32 s0, s22;
	[dreg:$0x7] =	wrdreg s23  }
0xe: {  	s9 =	sadd.s32 s2, s6;
	s10 =	sadd.s32 s0, s24;
	s11 =	sadd.s32 s2, s22  }
0xf: {  	s12 =	sadd.s32 s0, s25;
	s14 =	sadd.s32 s0, s19;
	s15 =	sadd.s32 s2, s24  }
0x10: {  	s16 =	sadd.s32 s0, s26;
	s17 =	sadd.s32 s2, s25;
	s18 =	sadd.s32 s0, s4  }
0x11: {  	s19 =	sadd.s32 s2, s19;
	s20 =	sadd.s32 s2, s26;
	s22 =	smax.u32 s5, $0x1  }
0x12: {  	v0 =	vlaneseq.u32;
	s23 =	simm.s32 $0x1;
	s24 =	simm.s32 $0x2000;
	[dreg:$0x5] =	wrdreg s21  }
0x13: {  	v1 =	vor.u32 $0x10, v0;
	s26 =	simm.s32 $0x4000;
	s25 =	simm.s32 $0x4;
	[dreg:$0x6] =	wrdreg s8  }
0x14: {  	v2 =	vor.u32 $0x20, v0;
	v3 =	vor.u32 $0x30, v0;
	v4 =	vor.u32 $0x40, v0;
	s8 =	sadd.s32 s0, s13;
	s13 =	sadd.s32 s2, s13;
	s21 =	sadd.s32 s2, s4  }
0x15: {  	v5 =	vor.u32 $0x50, v0;
	v6 =	vor.u32 $0x60, v0;
	v7 =	vor.u32 $0x70, v0;
	s0 =	simm.s32 $0x3;
	s2 =	simm.s32 $0x5;
	s4 =	simm.s32 $0x0  }
.LBB2_1:
0x16: {  	s5 =	rddreg [dreg:$0x4]  }
0x17: {  	[tilespmem:s3], [sflag:$0x1] =	stream.linear.gather [hbm4b:s5+s3], $0x400, $0x38;
	[tilespmem:$0xC000] =	vst v63  }
0x18: {  	_ =	swait.ge [sflag:s23], $0x400  }
0x19: {  	[sflag:s23] =	ssyncset.done $0x0  }
0x1a: {  	s7 =	rddreg [dreg:$0x5];
	[sflag:s23] =	ssyncadd.s32 $0xFFFFFC00  }
0x1b: {  	[tilespmem:s24], [sflag:$0x2] =	stream.linear.gather [hbm4b:s7+s3], $0x2000, $0x38;
	[tilespmem:$0xC000] =	vst v63  }
0x1c: {  	v8 =	vld [tilespmem:$0x0]  }
0x1d: {  	v9 =	vld [tilespmem:$0x10]  }
0x1e: {  	v10 =	vld [tilespmem:$0x20]  }
0x1f: {  	v11 =	vld [tilespmem:$0x30]  }
0x20: {  	v12 =	vld [tilespmem:$0x40]  }
0x21: {  	v13 =	vld [tilespmem:$0x50];
	v8 =	vshll.u32 v8, $0x7  }
0x22: {  	v14 =	vld [tilespmem:$0x60];
	v9 =	vshll.u32 v9, $0x7;
	v8 =	vor.u32 v0, v8  }
0x23: {  	[tilespmem:$0x4000] =	vst v8;
	v8 =	vor.u32 v1, v9;
	v9 =	vshll.u32 v10, $0x7;
	v10 =	vld [tilespmem:$0x70]  }
0x24: {  	[tilespmem:$0x4010] =	vst v8;
	v8 =	vor.u32 v2, v9;
	v9 =	vshll.u32 v11, $0x7;
	v11 =	vld [tilespmem:$0x80]  }
0x25: {  	[tilespmem:$0x4020] =	vst v8;
	v8 =	vor.u32 v3, v9;
	v9 =	vshll.u32 v12, $0x7;
	v12 =	vld [tilespmem:$0x90]  }
0x26: {  	[tilespmem:$0x4030] =	vst v8;
	v8 =	vor.u32 v4, v9;
	v9 =	vshll.u32 v13, $0x7;
	v13 =	vld [tilespmem:$0xA0]  }
0x27: {  	[tilespmem:$0x4040] =	vst v8;
	v8 =	vor.u32 v5, v9;
	v9 =	vshll.u32 v14, $0x7;
	v14 =	vld [tilespmem:$0xB0]  }
0x28: {  	[tilespmem:$0x4050] =	vst v8;
	v8 =	vor.u32 v6, v9;
	v9 =	vshll.u32 v10, $0x7;
	v10 =	vld [tilespmem:$0xC0]  }
0x29: {  	[tilespmem:$0x4060] =	vst v8;
	v8 =	vor.u32 v7, v9;
	v9 =	vshll.u32 v11, $0x7;
	v11 =	vld [tilespmem:$0xD0]  }
0x2a: {  	[tilespmem:$0x4070] =	vst v8;
	v8 =	vor.u32 v0, v9;
	v9 =	vshll.u32 v12, $0x7;
	v12 =	vld [tilespmem:$0xE0]  }
0x2b: {  	[tilespmem:$0x4080] =	vst v8;
	v8 =	vor.u32 v1, v9;
	v9 =	vshll.u32 v13, $0x7;
	v13 =	vld [tilespmem:$0xF0]  }
0x2c: {  	[tilespmem:$0x4090] =	vst v8;
	v8 =	vor.u32 v2, v9;
	v9 =	vshll.u32 v14, $0x7;
	v14 =	vld [tilespmem:$0x100]  }
0x2d: {  	[tilespmem:$0x40A0] =	vst v8;
	v8 =	vor.u32 v3, v9;
	v9 =	vshll.u32 v10, $0x7;
	v10 =	vld [tilespmem:$0x110]  }
0x2e: {  	[tilespmem:$0x40B0] =	vst v8;
	v8 =	vor.u32 v4, v9;
	v9 =	vshll.u32 v11, $0x7;
	v11 =	vld [tilespmem:$0x120]  }
0x2f: {  	[tilespmem:$0x40C0] =	vst v8;
	v8 =	vor.u32 v5, v9;
	v9 =	vshll.u32 v12, $0x7;
	v12 =	vld [tilespmem:$0x130]  }
0x30: {  	[tilespmem:$0x40D0] =	vst v8;
	v8 =	vor.u32 v6, v9;
	v9 =	vshll.u32 v13, $0x7;
	v13 =	vld [tilespmem:$0x140]  }
0x31: {  	[tilespmem:$0x40E0] =	vst v8;
	v8 =	vor.u32 v7, v9;
	v9 =	vshll.u32 v14, $0x7;
	v14 =	vld [tilespmem:$0x150]  }
0x32: {  	[tilespmem:$0x40F0] =	vst v8;
	v8 =	vor.u32 v0, v9;
	v9 =	vshll.u32 v10, $0x7;
	v10 =	vld [tilespmem:$0x160]  }
0x33: {  	[tilespmem:$0x4100] =	vst v8;
	v8 =	vor.u32 v1, v9;
	v9 =	vshll.u32 v11, $0x7;
	v11 =	vld [tilespmem:$0x170]  }
0x34: {  	[tilespmem:$0x4110] =	vst v8;
	v8 =	vor.u32 v2, v9;
	v9 =	vshll.u32 v12, $0x7;
	v12 =	vld [tilespmem:$0x180]  }
0x35: {  	[tilespmem:$0x4120] =	vst v8;
	v8 =	vor.u32 v3, v9;
	v9 =	vshll.u32 v13, $0x7;
	v13 =	vld [tilespmem:$0x190]  }
0x36: {  	[tilespmem:$0x4130] =	vst v8;
	v8 =	vor.u32 v4, v9;
	v9 =	vshll.u32 v14, $0x7;
	v14 =	vld [tilespmem:$0x1A0]  }
0x37: {  	[tilespmem:$0x4140] =	vst v8;
	v8 =	vor.u32 v5, v9;
	v9 =	vshll.u32 v10, $0x7;
	v10 =	vld [tilespmem:$0x1B0]  }
0x38: {  	[tilespmem:$0x4150] =	vst v8;
	v8 =	vor.u32 v6, v9;
	v9 =	vshll.u32 v11, $0x7;
	v11 =	vld [tilespmem:$0x1C0]  }
0x39: {  	[tilespmem:$0x4160] =	vst v8;
	v8 =	vor.u32 v7, v9;
	v9 =	vshll.u32 v12, $0x7;
	v12 =	vld [tilespmem:$0x1D0]  }
0x3a: {  	[tilespmem:$0x4170] =	vst v8;
	v8 =	vor.u32 v0, v9;
	v9 =	vshll.u32 v13, $0x7;
	v13 =	vld [tilespmem:$0x1E0]  }
0x3b: {  	[tilespmem:$0x4180] =	vst v8;
	v8 =	vor.u32 v1, v9;
	v9 =	vshll.u32 v14, $0x7;
	v14 =	vld [tilespmem:$0x1F0]  }
0x3c: {  	[tilespmem:$0x4190] =	vst v8;
	v8 =	vor.u32 v2, v9;
	v9 =	vshll.u32 v10, $0x7;
	v10 =	vld [tilespmem:$0x200]  }
0x3d: {  	[tilespmem:$0x41A0] =	vst v8;
	v8 =	vor.u32 v3, v9;
	v9 =	vshll.u32 v11, $0x7;
	v11 =	vld [tilespmem:$0x210]  }
0x3e: {  	[tilespmem:$0x41B0] =	vst v8;
	v8 =	vor.u32 v4, v9;
	v9 =	vshll.u32 v12, $0x7;
	v12 =	vld [tilespmem:$0x220]  }
0x3f: {  	[tilespmem:$0x41C0] =	vst v8;
	v8 =	vor.u32 v5, v9;
	v9 =	vshll.u32 v13, $0x7;
	v13 =	vld [tilespmem:$0x230]  }
0x40: {  	[tilespmem:$0x41D0] =	vst v8;
	v8 =	vor.u32 v6, v9;
	v9 =	vshll.u32 v14, $0x7;
	v14 =	vld [tilespmem:$0x240]  }
0x41: {  	[tilespmem:$0x41E0] =	vst v8;
	v8 =	vor.u32 v7, v9;
	v9 =	vshll.u32 v10, $0x7;
	v10 =	vld [tilespmem:$0x250]  }
0x42: {  	[tilespmem:$0x41F0] =	vst v8;
	v8 =	vor.u32 v0, v9;
	v9 =	vshll.u32 v11, $0x7;
	v11 =	vld [tilespmem:$0x260]  }
0x43: {  	[tilespmem:$0x4200] =	vst v8;
	v8 =	vor.u32 v1, v9;
	v9 =	vshll.u32 v12, $0x7;
	v12 =	vld [tilespmem:$0x270]  }
0x44: {  	[tilespmem:$0x4210] =	vst v8;
	v8 =	vor.u32 v2, v9;
	v9 =	vshll.u32 v13, $0x7;
	v13 =	vld [tilespmem:$0x280]  }
0x45: {  	[tilespmem:$0x4220] =	vst v8;
	v8 =	vor.u32 v3, v9;
	v9 =	vshll.u32 v14, $0x7;
	v14 =	vld [tilespmem:$0x290]  }
0x46: {  	[tilespmem:$0x4230] =	vst v8;
	v8 =	vor.u32 v4, v9;
	v9 =	vshll.u32 v10, $0x7;
	v10 =	vld [tilespmem:$0x2A0]  }
0x47: {  	[tilespmem:$0x4240] =	vst v8;
	v8 =	vor.u32 v5, v9;
	v9 =	vshll.u32 v11, $0x7;
	v11 =	vld [tilespmem:$0x2B0]  }
0x48: {  	[tilespmem:$0x4250] =	vst v8;
	v8 =	vor.u32 v6, v9;
	v9 =	vshll.u32 v12, $0x7;
	v12 =	vld [tilespmem:$0x2C0]  }
0x49: {  	[tilespmem:$0x4260] =	vst v8;
	v8 =	vor.u32 v7, v9;
	v9 =	vshll.u32 v13, $0x7;
	v13 =	vld [tilespmem:$0x2D0]  }
0x4a: {  	[tilespmem:$0x4270] =	vst v8;
	v8 =	vor.u32 v0, v9;
	v9 =	vshll.u32 v14, $0x7;
	v14 =	vld [tilespmem:$0x2E0]  }
0x4b: {  	[tilespmem:$0x4280] =	vst v8;
	v8 =	vor.u32 v1, v9;
	v9 =	vshll.u32 v10, $0x7;
	v10 =	vld [tilespmem:$0x2F0]  }
0x4c: {  	[tilespmem:$0x4290] =	vst v8;
	v8 =	vor.u32 v2, v9;
	v9 =	vshll.u32 v11, $0x7;
	v11 =	vld [tilespmem:$0x300]  }
0x4d: {  	[tilespmem:$0x42A0] =	vst v8;
	v8 =	vor.u32 v3, v9;
	v9 =	vshll.u32 v12, $0x7;
	v12 =	vld [tilespmem:$0x310]  }
0x4e: {  	[tilespmem:$0x42B0] =	vst v8;
	v8 =	vor.u32 v4, v9;
	v9 =	vshll.u32 v13, $0x7;
	v13 =	vld [tilespmem:$0x320]  }
0x4f: {  	[tilespmem:$0x42C0] =	vst v8;
	v8 =	vor.u32 v5, v9;
	v9 =	vshll.u32 v14, $0x7;
	v14 =	vld [tilespmem:$0x330]  }
0x50: {  	[tilespmem:$0x42D0] =	vst v8;
	v8 =	vor.u32 v6, v9;
	v9 =	vshll.u32 v10, $0x7;
	v10 =	vld [tilespmem:$0x340]  }
0x51: {  	[tilespmem:$0x42E0] =	vst v8;
	v8 =	vor.u32 v7, v9;
	v9 =	vshll.u32 v11, $0x7;
	v11 =	vld [tilespmem:$0x350]  }
0x52: {  	[tilespmem:$0x42F0] =	vst v8;
	v8 =	vor.u32 v0, v9;
	v9 =	vshll.u32 v12, $0x7;
	v12 =	vld [tilespmem:$0x360]  }
0x53: {  	[tilespmem:$0x4300] =	vst v8;
	v8 =	vor.u32 v1, v9;
	v9 =	vshll.u32 v13, $0x7;
	v13 =	vld [tilespmem:$0x370]  }
0x54: {  	[tilespmem:$0x4310] =	vst v8;
	v8 =	vor.u32 v2, v9;
	v9 =	vshll.u32 v14, $0x7;
	v14 =	vld [tilespmem:$0x380]  }
0x55: {  	[tilespmem:$0x4320] =	vst v8;
	v8 =	vor.u32 v3, v9;
	v9 =	vshll.u32 v10, $0x7;
	v10 =	vld [tilespmem:$0x390]  }
0x56: {  	[tilespmem:$0x4330] =	vst v8;
	v8 =	vor.u32 v4, v9;
	v9 =	vshll.u32 v11, $0x7;
	v11 =	vld [tilespmem:$0x3A0]  }
0x57: {  	[tilespmem:$0x4340] =	vst v8;
	v8 =	vor.u32 v5, v9;
	v9 =	vshll.u32 v12, $0x7;
	v12 =	vld [tilespmem:$0x3B0]  }
0x58: {  	[tilespmem:$0x4350] =	vst v8;
	v8 =	vor.u32 v6, v9;
	v9 =	vshll.u32 v13, $0x7;
	v13 =	vld [tilespmem:$0x3C0]  }
0x59: {  	[tilespmem:$0x4360] =	vst v8;
	v8 =	vor.u32 v7, v9;
	v9 =	vshll.u32 v14, $0x7;
	v14 =	vld [tilespmem:$0x3D0]  }
0x5a: {  	[tilespmem:$0x4370] =	vst v8;
	v8 =	vor.u32 v0, v9;
	v9 =	vshll.u32 v10, $0x7;
	v10 =	vld [tilespmem:$0x3E0]  }
0x5b: {  	[tilespmem:$0x4380] =	vst v8;
	v8 =	vor.u32 v1, v9;
	v9 =	vshll.u32 v11, $0x7;
	v11 =	vld [tilespmem:$0x3F0]  }
0x5c: {  	[tilespmem:$0x4390] =	vst v8;
	v8 =	vor.u32 v2, v9;
	v9 =	vshll.u32 v12, $0x7  }
0x5d: {  	[tilespmem:$0x43A0] =	vst v8;
	v8 =	vor.u32 v3, v9;
	v9 =	vshll.u32 v13, $0x7  }
0x5e: {  	[tilespmem:$0x43B0] =	vst v8;
	v8 =	vor.u32 v4, v9;
	v9 =	vshll.u32 v14, $0x7  }
0x5f: {  	[tilespmem:$0x43C0] =	vst v8;
	v8 =	vor.u32 v5, v9;
	v9 =	vshll.u32 v10, $0x7  }
0x60: {  	[tilespmem:$0x43D0] =	vst v8;
	v8 =	vor.u32 v6, v9;
	v9 =	vshll.u32 v11, $0x7  }
0x61: {  	[tilespmem:$0x43E0] =	vst v8;
	v8 =	vor.u32 v7, v9  }
0x62: {  	s6 =	simm.s32 $0x400;
	[tilespmem:$0x43F0] =	vst v8  }
0x63: {  	[tilespmem:s28], [sflag:$0x3] =	stream.indirect.gather [hbm4b:s1+s6], $0x1, s26, s6, $0xb8;
	[tilespmem:$0xC000] =	vst v63  }
0x64: {  	_ =	swait.ge [sflag:s29], $0x2000  }
0x65: {  	[sflag:s29] =	ssyncset.done $0x0  }
0x66: {  	s6 =	simm.s32 $0x0;
	s7 =	rddreg [dreg:$0x6];
	[sflag:s29] =	ssyncadd.s32 $0xFFFFE000  }
0x67: {  	[tilespmem:s3], [sflag:$0x1] =	stream.linear.gather [hbm4b:s7+s3], $0x2000, $0x38;
	[tilespmem:$0xC000] =	vst v63  }
0x68: {  	v8 =	vld [tilespmem:s6+$0x2070]  }
0x69: {  	v10 =	vld [tilespmem:s6+$0x2000]  }
0x6a: {  	v14 =	vld [tilespmem:s6+$0x2010]  }
0x6b: {  	v12 =	vld [tilespmem:s6+$0x2020]  }
0x6c: {  	v11 =	vld [tilespmem:s6+$0x2030]  }
0x6d: {  	v9 =	vld [tilespmem:s6+$0x2040];
	v13 =	vshll.u32 v8, $0x7  }
0x6e: {  	v8 =	vld [tilespmem:s6+$0x2050];
	v15 =	vshll.u32 v10, $0x7;
	v16 =	vor.u32 v7, v13  }
0x6f: {  	s5 =	simm.s32 $0x80;
	s7 =	simm.s32 $0x400;
	v10 =	vld [tilespmem:s6+$0x2060];
	v14 =	vshll.u32 v14, $0x7;
	v13 =	vor.u32 v0, v15;
	[tilespmem:s6+$0x6070] =	vst v16  }
.LBB2_2:
0x70: {  	p0 =	sne.s32 s7, $0x7E00;
	v15 =	vld [tilespmem:s5+$0x2070];
	[tilespmem:s6+$0x6000] =	vst v13;
	v13 =	vor.u32 v1, v14;
	v12 =	vshll.u32 v12, $0x7  }
0x71: {  	v14 =	vld [tilespmem:s5+$0x2000];
	[tilespmem:s6+$0x6010] =	vst v13;
	v12 =	vor.u32 v2, v12;
	v11 =	vshll.u32 v11, $0x7  }
0x72: {  	v16 =	vld [tilespmem:s5+$0x2010];
	[tilespmem:s6+$0x6020] =	vst v12;
	v11 =	vor.u32 v3, v11;
	v9 =	vshll.u32 v9, $0x7  }
.Ltmp0:
0x73: {  	v12 =	vld [tilespmem:s5+$0x2020];
	[tilespmem:s6+$0x6030] =	vst v11;
	v9 =	vor.u32 v4, v9;
	v8 =	vshll.u32 v8, $0x7;
	(pc) =	sbr.rel @p0 .LBB2_2-.Ltmp0, $4  }
0x74: {  	v11 =	vld [tilespmem:s5+$0x2030];
	[tilespmem:s6+$0x6040] =	vst v9;
	v8 =	vor.u32 v5, v8;
	v10 =	vshll.u32 v10, $0x7  }
0x75: {  	v9 =	vld [tilespmem:s5+$0x2040];
	v13 =	vshll.u32 v15, $0x7;
	[tilespmem:s6+$0x6050] =	vst v8;
	v10 =	vor.u32 v6, v10  }
0x76: {  	v14 =	vshll.u32 v14, $0x7;
	v8 =	vld [tilespmem:s5+$0x2050];
	v15 =	vor.u32 v7, v13;
	[tilespmem:s6+$0x6060] =	vst v10;
	s6 =	smov.u32 s5  }
0x77: {  	s5 =	sshra.s32 s7, $0x2;
	s7 =	sadd.s32 $0x200, s7;
	v13 =	vor.u32 v0, v14;
	v14 =	vshll.u32 v16, $0x7;
	v10 =	vld [tilespmem:s6+$0x2060];
	[tilespmem:s6+$0x6070] =	vst v15  }
0x78: {  	v15 =	vld [tilespmem:s5+$0x2070];
	[tilespmem:s6+$0x6000] =	vst v13;
	v13 =	vor.u32 v1, v14;
	v12 =	vshll.u32 v12, $0x7  }
0x79: {  	v14 =	vld [tilespmem:s5+$0x2000];
	[tilespmem:s6+$0x6010] =	vst v13;
	v12 =	vor.u32 v2, v12;
	v11 =	vshll.u32 v11, $0x7  }
0x7a: {  	v13 =	vld [tilespmem:s5+$0x2010];
	[tilespmem:s6+$0x6020] =	vst v12;
	v11 =	vor.u32 v3, v11;
	v9 =	vshll.u32 v9, $0x7  }
0x7b: {  	v12 =	vld [tilespmem:s5+$0x2020];
	[tilespmem:s6+$0x6030] =	vst v11;
	v9 =	vor.u32 v4, v9;
	v8 =	vshll.u32 v8, $0x7  }
0x7c: {  	v11 =	vld [tilespmem:s5+$0x2030];
	[tilespmem:s6+$0x6040] =	vst v9;
	v8 =	vor.u32 v5, v8;
	v10 =	vshll.u32 v10, $0x7  }
0x7d: {  	v9 =	vld [tilespmem:s5+$0x2040];
	[tilespmem:s6+$0x6050] =	vst v8;
	v8 =	vor.u32 v6, v10;
	v15 =	vshll.u32 v15, $0x7  }
0x7e: {  	v10 =	vld [tilespmem:s5+$0x2050];
	[tilespmem:s6+$0x6060] =	vst v8;
	v8 =	vshll.u32 v14, $0x7;
	v14 =	vor.u32 v7, v15  }
0x7f: {  	v15 =	vld [tilespmem:s5+$0x2060];
	v8 =	vor.u32 v0, v8;
	v13 =	vshll.u32 v13, $0x7;
	[tilespmem:s5+$0x6070] =	vst v14  }
0x80: {  	[tilespmem:s5+$0x6000] =	vst v8;
	v8 =	vor.u32 v1, v13;
	v12 =	vshll.u32 v12, $0x7  }
0x81: {  	[tilespmem:s5+$0x6010] =	vst v8;
	v8 =	vor.u32 v2, v12;
	v11 =	vshll.u32 v11, $0x7  }
0x82: {  	[tilespmem:s5+$0x6020] =	vst v8;
	v8 =	vor.u32 v3, v11;
	v9 =	vshll.u32 v9, $0x7  }
0x83: {  	[tilespmem:s5+$0x6030] =	vst v8;
	v8 =	vor.u32 v4, v9;
	v9 =	vshll.u32 v10, $0x7  }
0x84: {  	[tilespmem:s5+$0x6040] =	vst v8;
	v8 =	vor.u32 v5, v9;
	v9 =	vshll.u32 v15, $0x7  }
0x85: {  	[tilespmem:s5+$0x6050] =	vst v8;
	v8 =	vor.u32 v6, v9  }
0x86: {  	[tilespmem:s5+$0x6060] =	vst v8  }
0x87: {  	[tilespmem:s31], [sflag:$0x4] =	stream.indirect.gather [hbm4b:s1+s24], $0x1, s30, s24, $0xb8;
	[tilespmem:$0xC000] =	vst v63  }
0x88: {  	_ =	swait.ge [sflag:s0], $0x400  }
0x89: {  	[sflag:s0] =	ssyncset.done $0x0  }
0x8a: {  	s5 =	simm.s32 $0x0;
	s7 =	rddreg [dreg:$0x7];
	[sflag:s0] =	ssyncadd.s32 $0xFFFFFC00  }
0x8b: {  	[hbm4b:s7+s5] =	stream.linear.scatter [tilespmem:s28], [sflag:$0x5], $0x400, $0x38;
	[tilespmem:$0xC000] =	vst v63  }
0x8c: {  	_ =	swait.ge [sflag:s2], $0x400  }
0x8d: {  	[sflag:s2] =	ssyncset.done $0x0  }
0x8e: {  	[sflag:s2] =	ssyncadd.s32 $0xFFFFFC00  }
0x8f: {  	_ =	swait.ge [sflag:s23], $0x2000  }
0x90: {  	[sflag:s23] =	ssyncset.done $0x0  }
0x91: {  	s6 =	simm.s32 $0x0;
	[sflag:s23] =	ssyncadd.s32 $0xFFFFE000  }
0x92: {  	[tilespmem:s24], [sflag:$0x2] =	stream.linear.gather [hbm4b:s8+s5], $0x2000, $0x38;
	[tilespmem:$0xC000] =	vst v63  }
0x93: {  	v8 =	vld [tilespmem:s6+$0x70]  }
0x94: {  	v10 =	vld [tilespmem:s6+$0x0]  }
0x95: {  	v14 =	vld [tilespmem:s6+$0x10]  }
0x96: {  	v12 =	vld [tilespmem:s6+$0x20]  }
0x97: {  	v11 =	vld [tilespmem:s6+$0x30]  }
0x98: {  	v9 =	vld [tilespmem:s6+$0x40];
	v13 =	vshll.u32 v8, $0x7  }
0x99: {  	v8 =	vld [tilespmem:s6+$0x50];
	v15 =	vshll.u32 v10, $0x7;
	v16 =	vor.u32 v7, v13  }
0x9a: {  	s7 =	simm.s32 $0x400;
	s5 =	simm.s32 $0x80;
	v10 =	vld [tilespmem:s6+$0x60];
	v14 =	vshll.u32 v14, $0x7;
	v13 =	vor.u32 v0, v15;
	[tilespmem:s6+$0x4070] =	vst v16  }
.LBB2_4:
0x9b: {  	p0 =	sne.s32 s7, $0x7E00;
	v15 =	vld [tilespmem:s5+$0x70];
	[tilespmem:s6+$0x4000] =	vst v13;
	v13 =	vor.u32 v1, v14;
	v12 =	vshll.u32 v12, $0x7  }
0x9c: {  	v14 =	vld [tilespmem:s5+$0x0];
	[tilespmem:s6+$0x4010] =	vst v13;
	v12 =	vor.u32 v2, v12;
	v11 =	vshll.u32 v11, $0x7  }
0x9d: {  	v16 =	vld [tilespmem:s5+$0x10];
	[tilespmem:s6+$0x4020] =	vst v12;
	v11 =	vor.u32 v3, v11;
	v9 =	vshll.u32 v9, $0x7  }
.Ltmp1:
0x9e: {  	v12 =	vld [tilespmem:s5+$0x20];
	[tilespmem:s6+$0x4030] =	vst v11;
	v9 =	vor.u32 v4, v9;
	v8 =	vshll.u32 v8, $0x7;
	(pc) =	sbr.rel @p0 .LBB2_4-.Ltmp1, $4  }
0x9f: {  	v11 =	vld [tilespmem:s5+$0x30];
	[tilespmem:s6+$0x4040] =	vst v9;
	v8 =	vor.u32 v5, v8;
	v10 =	vshll.u32 v10, $0x7  }
0xa0: {  	v9 =	vld [tilespmem:s5+$0x40];
	v13 =	vshll.u32 v15, $0x7;
	[tilespmem:s6+$0x4050] =	vst v8;
	v10 =	vor.u32 v6, v10  }
0xa1: {  	v14 =	vshll.u32 v14, $0x7;
	v8 =	vld [tilespmem:s5+$0x50];
	v15 =	vor.u32 v7, v13;
	[tilespmem:s6+$0x4060] =	vst v10;
	s6 =	smov.u32 s5  }
0xa2: {  	s5 =	sshra.s32 s7, $0x2;
	s7 =	sadd.s32 $0x200, s7;
	v13 =	vor.u32 v0, v14;
	v14 =	vshll.u32 v16, $0x7;
	v10 =	vld [tilespmem:s6+$0x60];
	[tilespmem:s6+$0x4070] =	vst v15  }
0xa3: {  	v15 =	vld [tilespmem:s5+$0x70];
	[tilespmem:s6+$0x4000] =	vst v13;
	v13 =	vor.u32 v1, v14;
	v12 =	vshll.u32 v12, $0x7  }
0xa4: {  	v14 =	vld [tilespmem:s5+$0x0];
	[tilespmem:s6+$0x4010] =	vst v13;
	v12 =	vor.u32 v2, v12;
	v11 =	vshll.u32 v11, $0x7  }
0xa5: {  	v13 =	vld [tilespmem:s5+$0x10];
	[tilespmem:s6+$0x4020] =	vst v12;
	v11 =	vor.u32 v3, v11;
	v9 =	vshll.u32 v9, $0x7  }
0xa6: {  	v12 =	vld [tilespmem:s5+$0x20];
	[tilespmem:s6+$0x4030] =	vst v11;
	v9 =	vor.u32 v4, v9;
	v8 =	vshll.u32 v8, $0x7  }
0xa7: {  	v11 =	vld [tilespmem:s5+$0x30];
	[tilespmem:s6+$0x4040] =	vst v9;
	v8 =	vor.u32 v5, v8;
	v10 =	vshll.u32 v10, $0x7  }
0xa8: {  	v9 =	vld [tilespmem:s5+$0x40];
	[tilespmem:s6+$0x4050] =	vst v8;
	v8 =	vor.u32 v6, v10;
	v15 =	vshll.u32 v15, $0x7  }
0xa9: {  	v10 =	vld [tilespmem:s5+$0x50];
	[tilespmem:s6+$0x4060] =	vst v8;
	v8 =	vshll.u32 v14, $0x7;
	v14 =	vor.u32 v7, v15  }
0xaa: {  	v15 =	vld [tilespmem:s5+$0x60];
	v8 =	vor.u32 v0, v8;
	v13 =	vshll.u32 v13, $0x7;
	[tilespmem:s5+$0x4070] =	vst v14  }
0xab: {  	[tilespmem:s5+$0x4000] =	vst v8;
	v8 =	vor.u32 v1, v13;
	v12 =	vshll.u32 v12, $0x7  }
0xac: {  	[tilespmem:s5+$0x4010] =	vst v8;
	v8 =	vor.u32 v2, v12;
	v11 =	vshll.u32 v11, $0x7  }
0xad: {  	[tilespmem:s5+$0x4020] =	vst v8;
	v8 =	vor.u32 v3, v11;
	v9 =	vshll.u32 v9, $0x7  }
0xae: {  	[tilespmem:s5+$0x4030] =	vst v8;
	v8 =	vor.u32 v4, v9;
	v9 =	vshll.u32 v10, $0x7  }
0xaf: {  	[tilespmem:s5+$0x4040] =	vst v8;
	v8 =	vor.u32 v5, v9;
	v9 =	vshll.u32 v15, $0x7  }
0xb0: {  	[tilespmem:s5+$0x4050] =	vst v8;
	v8 =	vor.u32 v6, v9  }
0xb1: {  	[tilespmem:s5+$0x4060] =	vst v8  }
0xb2: {  	[tilespmem:s28], [sflag:$0x3] =	stream.indirect.gather [hbm4b:s1+s24], $0x1, s26, s24, $0xb8;
	[tilespmem:$0xC000] =	vst v63  }
0xb3: {  	_ =	swait.ge [sflag:s25], $0x2000  }
0xb4: {  	[sflag:s25] =	ssyncset.done $0x0  }
0xb5: {  	s7 =	simm.s32 $0x0;
	[sflag:s25] =	ssyncadd.s32 $0xFFFFE000  }
0xb6: {  	[hbm4b:s9+s7] =	stream.linear.scatter [tilespmem:s31], [sflag:$0x5], $0x2000, $0x38;
	[tilespmem:$0xC000] =	vst v63  }
0xb7: {  	_ =	swait.ge [sflag:s2], $0x2000  }
0xb8: {  	[sflag:s2] =	ssyncset.done $0x0  }
0xb9: {  	[sflag:s2] =	ssyncadd.s32 $0xFFFFE000  }
0xba: {  	_ =	swait.ge [sflag:s29], $0x2000  }
0xbb: {  	[sflag:s29] =	ssyncset.done $0x0  }
0xbc: {  	s6 =	simm.s32 $0x0;
	[sflag:s29] =	ssyncadd.s32 $0xFFFFE000  }
0xbd: {  	[tilespmem:s7], [sflag:$0x1] =	stream.linear.gather [hbm4b:s10+s7], $0x2000, $0x38;
	[tilespmem:$0xC000] =	vst v63  }
0xbe: {  	v8 =	vld [tilespmem:s6+$0x2070]  }
0xbf: {  	v10 =	vld [tilespmem:s6+$0x2000]  }
0xc0: {  	v14 =	vld [tilespmem:s6+$0x2010]  }
0xc1: {  	v12 =	vld [tilespmem:s6+$0x2020]  }
0xc2: {  	v11 =	vld [tilespmem:s6+$0x2030]  }
0xc3: {  	v9 =	vld [tilespmem:s6+$0x2040];
	v13 =	vshll.u32 v8, $0x7  }
0xc4: {  	v8 =	vld [tilespmem:s6+$0x2050];
	v15 =	vshll.u32 v10, $0x7;
	v16 =	vor.u32 v7, v13  }
0xc5: {  	s5 =	simm.s32 $0x80;
	s7 =	simm.s32 $0x400;
	v10 =	vld [tilespmem:s6+$0x2060];
	v14 =	vshll.u32 v14, $0x7;
	v13 =	vor.u32 v0, v15;
	[tilespmem:s6+$0x6070] =	vst v16  }
.LBB2_6:
0xc6: {  	p0 =	sne.s32 s7, $0x7E00;
	v15 =	vld [tilespmem:s5+$0x2070];
	[tilespmem:s6+$0x6000] =	vst v13;
	v13 =	vor.u32 v1, v14;
	v12 =	vshll.u32 v12, $0x7  }
0xc7: {  	v14 =	vld [tilespmem:s5+$0x2000];
	[tilespmem:s6+$0x6010] =	vst v13;
	v12 =	vor.u32 v2, v12;
	v11 =	vshll.u32 v11, $0x7  }
0xc8: {  	v16 =	vld [tilespmem:s5+$0x2010];
	[tilespmem:s6+$0x6020] =	vst v12;
	v11 =	vor.u32 v3, v11;
	v9 =	vshll.u32 v9, $0x7  }
.Ltmp2:
0xc9: {  	v12 =	vld [tilespmem:s5+$0x2020];
	[tilespmem:s6+$0x6030] =	vst v11;
	v9 =	vor.u32 v4, v9;
	v8 =	vshll.u32 v8, $0x7;
	(pc) =	sbr.rel @p0 .LBB2_6-.Ltmp2, $4  }
0xca: {  	v11 =	vld [tilespmem:s5+$0x2030];
	[tilespmem:s6+$0x6040] =	vst v9;
	v8 =	vor.u32 v5, v8;
	v10 =	vshll.u32 v10, $0x7  }
0xcb: {  	v9 =	vld [tilespmem:s5+$0x2040];
	v13 =	vshll.u32 v15, $0x7;
	[tilespmem:s6+$0x6050] =	vst v8;
	v10 =	vor.u32 v6, v10  }
0xcc: {  	v14 =	vshll.u32 v14, $0x7;
	v8 =	vld [tilespmem:s5+$0x2050];
	v15 =	vor.u32 v7, v13;
	[tilespmem:s6+$0x6060] =	vst v10;
	s6 =	smov.u32 s5  }
0xcd: {  	s5 =	sshra.s32 s7, $0x2;
	s7 =	sadd.s32 $0x200, s7;
	v13 =	vor.u32 v0, v14;
	v14 =	vshll.u32 v16, $0x7;
	v10 =	vld [tilespmem:s6+$0x2060];
	[tilespmem:s6+$0x6070] =	vst v15  }
0xce: {  	v15 =	vld [tilespmem:s5+$0x2070];
	[tilespmem:s6+$0x6000] =	vst v13;
	v13 =	vor.u32 v1, v14;
	v12 =	vshll.u32 v12, $0x7  }
0xcf: {  	v14 =	vld [tilespmem:s5+$0x2000];
	[tilespmem:s6+$0x6010] =	vst v13;
	v12 =	vor.u32 v2, v12;
	v11 =	vshll.u32 v11, $0x7  }
0xd0: {  	v13 =	vld [tilespmem:s5+$0x2010];
	[tilespmem:s6+$0x6020] =	vst v12;
	v11 =	vor.u32 v3, v11;
	v9 =	vshll.u32 v9, $0x7  }
0xd1: {  	v12 =	vld [tilespmem:s5+$0x2020];
	[tilespmem:s6+$0x6030] =	vst v11;
	v9 =	vor.u32 v4, v9;
	v8 =	vshll.u32 v8, $0x7  }
0xd2: {  	v11 =	vld [tilespmem:s5+$0x2030];
	[tilespmem:s6+$0x6040] =	vst v9;
	v8 =	vor.u32 v5, v8;
	v10 =	vshll.u32 v10, $0x7  }
0xd3: {  	v9 =	vld [tilespmem:s5+$0x2040];
	[tilespmem:s6+$0x6050] =	vst v8;
	v8 =	vor.u32 v6, v10;
	v15 =	vshll.u32 v15, $0x7  }
0xd4: {  	v10 =	vld [tilespmem:s5+$0x2050];
	[tilespmem:s6+$0x6060] =	vst v8;
	v8 =	vshll.u32 v14, $0x7;
	v14 =	vor.u32 v7, v15  }
0xd5: {  	v15 =	vld [tilespmem:s5+$0x2060];
	v8 =	vor.u32 v0, v8;
	v13 =	vshll.u32 v13, $0x7;
	[tilespmem:s5+$0x6070] =	vst v14  }
0xd6: {  	[tilespmem:s5+$0x6000] =	vst v8;
	v8 =	vor.u32 v1, v13;
	v12 =	vshll.u32 v12, $0x7  }
0xd7: {  	[tilespmem:s5+$0x6010] =	vst v8;
	v8 =	vor.u32 v2, v12;
	v11 =	vshll.u32 v11, $0x7  }
0xd8: {  	[tilespmem:s5+$0x6020] =	vst v8;
	v8 =	vor.u32 v3, v11;
	v9 =	vshll.u32 v9, $0x7  }
0xd9: {  	[tilespmem:s5+$0x6030] =	vst v8;
	v8 =	vor.u32 v4, v9;
	v9 =	vshll.u32 v10, $0x7  }
0xda: {  	[tilespmem:s5+$0x6040] =	vst v8;
	v8 =	vor.u32 v5, v9;
	v9 =	vshll.u32 v15, $0x7  }
0xdb: {  	[tilespmem:s5+$0x6050] =	vst v8;
	v8 =	vor.u32 v6, v9  }
0xdc: {  	[tilespmem:s5+$0x6060] =	vst v8  }
0xdd: {  	[tilespmem:s31], [sflag:$0x4] =	stream.indirect.gather [hbm4b:s1+s24], $0x1, s30, s24, $0xb8;
	[tilespmem:$0xC000] =	vst v63  }
0xde: {  	_ =	swait.ge [sflag:s0], $0x2000  }
0xdf: {  	[sflag:s0] =	ssyncset.done $0x0  }
0xe0: {  	s7 =	simm.s32 $0x0;
	[sflag:s0] =	ssyncadd.s32 $0xFFFFE000  }
0xe1: {  	[hbm4b:s11+s7] =	stream.linear.scatter [tilespmem:s28], [sflag:$0x5], $0x2000, $0x38;
	[tilespmem:$0xC000] =	vst v63  }
0xe2: {  	_ =	swait.ge [sflag:s2], $0x2000  }
0xe3: {  	[sflag:s2] =	ssyncset.done $0x0  }
0xe4: {  	[sflag:s2] =	ssyncadd.s32 $0xFFFFE000  }
0xe5: {  	_ =	swait.ge [sflag:s23], $0x2000  }
0xe6: {  	[sflag:s23] =	ssyncset.done $0x0  }
0xe7: {  	s6 =	simm.s32 $0x0;
	[sflag:s23] =	ssyncadd.s32 $0xFFFFE000  }
0xe8: {  	[tilespmem:s24], [sflag:$0x2] =	stream.linear.gather [hbm4b:s12+s7], $0x2000, $0x38;
	[tilespmem:$0xC000] =	vst v63  }
0xe9: {  	v8 =	vld [tilespmem:s6+$0x70]  }
0xea: {  	v10 =	vld [tilespmem:s6+$0x0]  }
0xeb: {  	v14 =	vld [tilespmem:s6+$0x10]  }
0xec: {  	v12 =	vld [tilespmem:s6+$0x20]  }
0xed: {  	v11 =	vld [tilespmem:s6+$0x30]  }
0xee: {  	v9 =	vld [tilespmem:s6+$0x40];
	v13 =	vshll.u32 v8, $0x7  }
0xef: {  	v8 =	vld [tilespmem:s6+$0x50];
	v15 =	vshll.u32 v10, $0x7;
	v16 =	vor.u32 v7, v13  }
0xf0: {  	s5 =	simm.s32 $0x80;
	s7 =	simm.s32 $0x400;
	v10 =	vld [tilespmem:s6+$0x60];
	v14 =	vshll.u32 v14, $0x7;
	v13 =	vor.u32 v0, v15;
	[tilespmem:s6+$0x4070] =	vst v16  }
.LBB2_8:
0xf1: {  	p0 =	sne.s32 s7, $0x7E00;
	v15 =	vld [tilespmem:s5+$0x70];
	[tilespmem:s6+$0x4000] =	vst v13;
	v13 =	vor.u32 v1, v14;
	v12 =	vshll.u32 v12, $0x7  }
0xf2: {  	v14 =	vld [tilespmem:s5+$0x0];
	[tilespmem:s6+$0x4010] =	vst v13;
	v12 =	vor.u32 v2, v12;
	v11 =	vshll.u32 v11, $0x7  }
0xf3: {  	v16 =	vld [tilespmem:s5+$0x10];
	[tilespmem:s6+$0x4020] =	vst v12;
	v11 =	vor.u32 v3, v11;
	v9 =	vshll.u32 v9, $0x7  }
.Ltmp3:
0xf4: {  	v12 =	vld [tilespmem:s5+$0x20];
	[tilespmem:s6+$0x4030] =	vst v11;
	v9 =	vor.u32 v4, v9;
	v8 =	vshll.u32 v8, $0x7;
	(pc) =	sbr.rel @p0 .LBB2_8-.Ltmp3, $4  }
0xf5: {  	v11 =	vld [tilespmem:s5+$0x30];
	[tilespmem:s6+$0x4040] =	vst v9;
	v8 =	vor.u32 v5, v8;
	v10 =	vshll.u32 v10, $0x7  }
0xf6: {  	v9 =	vld [tilespmem:s5+$0x40];
	v13 =	vshll.u32 v15, $0x7;
	[tilespmem:s6+$0x4050] =	vst v8;
	v10 =	vor.u32 v6, v10  }
0xf7: {  	v14 =	vshll.u32 v14, $0x7;
	v8 =	vld [tilespmem:s5+$0x50];
	v15 =	vor.u32 v7, v13;
	[tilespmem:s6+$0x4060] =	vst v10;
	s6 =	smov.u32 s5  }
0xf8: {  	s5 =	sshra.s32 s7, $0x2;
	s7 =	sadd.s32 $0x200, s7;
	v13 =	vor.u32 v0, v14;
	v14 =	vshll.u32 v16, $0x7;
	v10 =	vld [tilespmem:s6+$0x60];
	[tilespmem:s6+$0x4070] =	vst v15  }
0xf9: {  	v15 =	vld [tilespmem:s5+$0x70];
	[tilespmem:s6+$0x4000] =	vst v13;
	v13 =	vor.u32 v1, v14;
	v12 =	vshll.u32 v12, $0x7  }
0xfa: {  	v14 =	vld [tilespmem:s5+$0x0];
	[tilespmem:s6+$0x4010] =	vst v13;
	v12 =	vor.u32 v2, v12;
	v11 =	vshll.u32 v11, $0x7  }
0xfb: {  	v13 =	vld [tilespmem:s5+$0x10];
	[tilespmem:s6+$0x4020] =	vst v12;
	v11 =	vor.u32 v3, v11;
	v9 =	vshll.u32 v9, $0x7  }
0xfc: {  	v12 =	vld [tilespmem:s5+$0x20];
	[tilespmem:s6+$0x4030] =	vst v11;
	v9 =	vor.u32 v4, v9;
	v8 =	vshll.u32 v8, $0x7  }
0xfd: {  	v11 =	vld [tilespmem:s5+$0x30];
	[tilespmem:s6+$0x4040] =	vst v9;
	v8 =	vor.u32 v5, v8;
	v10 =	vshll.u32 v10, $0x7  }
0xfe: {  	v9 =	vld [tilespmem:s5+$0x40];
	[tilespmem:s6+$0x4050] =	vst v8;
	v8 =	vor.u32 v6, v10;
	v15 =	vshll.u32 v15, $0x7  }
0xff: {  	v10 =	vld [tilespmem:s5+$0x50];
	[tilespmem:s6+$0x4060] =	vst v8;
	v8 =	vshll.u32 v14, $0x7;
	v14 =	vor.u32 v7, v15  }
0x100: {  	v15 =	vld [tilespmem:s5+$0x60];
	v8 =	vor.u32 v0, v8;
	v13 =	vshll.u32 v13, $0x7;
	[tilespmem:s5+$0x4070] =	vst v14  }
0x101: {  	[tilespmem:s5+$0x4000] =	vst v8;
	v8 =	vor.u32 v1, v13;
	v12 =	vshll.u32 v12, $0x7  }
0x102: {  	[tilespmem:s5+$0x4010] =	vst v8;
	v8 =	vor.u32 v2, v12;
	v11 =	vshll.u32 v11, $0x7  }
0x103: {  	[tilespmem:s5+$0x4020] =	vst v8;
	v8 =	vor.u32 v3, v11;
	v9 =	vshll.u32 v9, $0x7  }
0x104: {  	[tilespmem:s5+$0x4030] =	vst v8;
	v8 =	vor.u32 v4, v9;
	v9 =	vshll.u32 v10, $0x7  }
0x105: {  	[tilespmem:s5+$0x4040] =	vst v8;
	v8 =	vor.u32 v5, v9;
	v9 =	vshll.u32 v15, $0x7  }
0x106: {  	[tilespmem:s5+$0x4050] =	vst v8;
	v8 =	vor.u32 v6, v9  }
0x107: {  	[tilespmem:s5+$0x4060] =	vst v8  }
0x108: {  	[tilespmem:s28], [sflag:$0x3] =	stream.indirect.gather [hbm4b:s1+s24], $0x1, s26, s24, $0xb8;
	[tilespmem:$0xC000] =	vst v63  }
0x109: {  	_ =	swait.ge [sflag:s25], $0x2000  }
0x10a: {  	[sflag:s25] =	ssyncset.done $0x0  }
0x10b: {  	s7 =	simm.s32 $0x0;
	[sflag:s25] =	ssyncadd.s32 $0xFFFFE000  }
0x10c: {  	[hbm4b:s13+s7] =	stream.linear.scatter [tilespmem:s31], [sflag:$0x5], $0x2000, $0x38;
	[tilespmem:$0xC000] =	vst v63  }
0x10d: {  	_ =	swait.ge [sflag:s2], $0x2000  }
0x10e: {  	[sflag:s2] =	ssyncset.done $0x0  }
0x10f: {  	[sflag:s2] =	ssyncadd.s32 $0xFFFFE000  }
0x110: {  	_ =	swait.ge [sflag:s29], $0x2000  }
0x111: {  	[sflag:s29] =	ssyncset.done $0x0  }
0x112: {  	s6 =	simm.s32 $0x0;
	[sflag:s29] =	ssyncadd.s32 $0xFFFFE000  }
0x113: {  	[tilespmem:s7], [sflag:$0x1] =	stream.linear.gather [hbm4b:s14+s7], $0x2000, $0x38;
	[tilespmem:$0xC000] =	vst v63  }
0x114: {  	v8 =	vld [tilespmem:s6+$0x2070]  }
0x115: {  	v10 =	vld [tilespmem:s6+$0x2000]  }
0x116: {  	v14 =	vld [tilespmem:s6+$0x2010]  }
0x117: {  	v12 =	vld [tilespmem:s6+$0x2020]  }
0x118: {  	v11 =	vld [tilespmem:s6+$0x2030]  }
0x119: {  	v9 =	vld [tilespmem:s6+$0x2040];
	v13 =	vshll.u32 v8, $0x7  }
0x11a: {  	v8 =	vld [tilespmem:s6+$0x2050];
	v15 =	vshll.u32 v10, $0x7;
	v16 =	vor.u32 v7, v13  }
0x11b: {  	s5 =	simm.s32 $0x80;
	s7 =	simm.s32 $0x400;
	v10 =	vld [tilespmem:s6+$0x2060];
	v14 =	vshll.u32 v14, $0x7;
	v13 =	vor.u32 v0, v15;
	[tilespmem:s6+$0x6070] =	vst v16  }
.LBB2_10:
0x11c: {  	p0 =	sne.s32 s7, $0x7E00;
	v15 =	vld [tilespmem:s5+$0x2070];
	[tilespmem:s6+$0x6000] =	vst v13;
	v13 =	vor.u32 v1, v14;
	v12 =	vshll.u32 v12, $0x7  }
0x11d: {  	v14 =	vld [tilespmem:s5+$0x2000];
	[tilespmem:s6+$0x6010] =	vst v13;
	v12 =	vor.u32 v2, v12;
	v11 =	vshll.u32 v11, $0x7  }
0x11e: {  	v16 =	vld [tilespmem:s5+$0x2010];
	[tilespmem:s6+$0x6020] =	vst v12;
	v11 =	vor.u32 v3, v11;
	v9 =	vshll.u32 v9, $0x7  }
.Ltmp4:
0x11f: {  	v12 =	vld [tilespmem:s5+$0x2020];
	[tilespmem:s6+$0x6030] =	vst v11;
	v9 =	vor.u32 v4, v9;
	v8 =	vshll.u32 v8, $0x7;
	(pc) =	sbr.rel @p0 .LBB2_10-.Ltmp4, $4  }
0x120: {  	v11 =	vld [tilespmem:s5+$0x2030];
	[tilespmem:s6+$0x6040] =	vst v9;
	v8 =	vor.u32 v5, v8;
	v10 =	vshll.u32 v10, $0x7  }
0x121: {  	v9 =	vld [tilespmem:s5+$0x2040];
	v13 =	vshll.u32 v15, $0x7;
	[tilespmem:s6+$0x6050] =	vst v8;
	v10 =	vor.u32 v6, v10  }
0x122: {  	v14 =	vshll.u32 v14, $0x7;
	v8 =	vld [tilespmem:s5+$0x2050];
	v15 =	vor.u32 v7, v13;
	[tilespmem:s6+$0x6060] =	vst v10;
	s6 =	smov.u32 s5  }
0x123: {  	s5 =	sshra.s32 s7, $0x2;
	s7 =	sadd.s32 $0x200, s7;
	v13 =	vor.u32 v0, v14;
	v14 =	vshll.u32 v16, $0x7;
	v10 =	vld [tilespmem:s6+$0x2060];
	[tilespmem:s6+$0x6070] =	vst v15  }
0x124: {  	v15 =	vld [tilespmem:s5+$0x2070];
	[tilespmem:s6+$0x6000] =	vst v13;
	v13 =	vor.u32 v1, v14;
	v12 =	vshll.u32 v12, $0x7  }
0x125: {  	v14 =	vld [tilespmem:s5+$0x2000];
	[tilespmem:s6+$0x6010] =	vst v13;
	v12 =	vor.u32 v2, v12;
	v11 =	vshll.u32 v11, $0x7  }
0x126: {  	v13 =	vld [tilespmem:s5+$0x2010];
	[tilespmem:s6+$0x6020] =	vst v12;
	v11 =	vor.u32 v3, v11;
	v9 =	vshll.u32 v9, $0x7  }
0x127: {  	v12 =	vld [tilespmem:s5+$0x2020];
	[tilespmem:s6+$0x6030] =	vst v11;
	v9 =	vor.u32 v4, v9;
	v8 =	vshll.u32 v8, $0x7  }
0x128: {  	v11 =	vld [tilespmem:s5+$0x2030];
	[tilespmem:s6+$0x6040] =	vst v9;
	v8 =	vor.u32 v5, v8;
	v10 =	vshll.u32 v10, $0x7  }
0x129: {  	v9 =	vld [tilespmem:s5+$0x2040];
	[tilespmem:s6+$0x6050] =	vst v8;
	v8 =	vor.u32 v6, v10;
	v15 =	vshll.u32 v15, $0x7  }
0x12a: {  	v10 =	vld [tilespmem:s5+$0x2050];
	[tilespmem:s6+$0x6060] =	vst v8;
	v8 =	vshll.u32 v14, $0x7;
	v14 =	vor.u32 v7, v15  }
0x12b: {  	v15 =	vld [tilespmem:s5+$0x2060];
	v8 =	vor.u32 v0, v8;
	v13 =	vshll.u32 v13, $0x7;
	[tilespmem:s5+$0x6070] =	vst v14  }
0x12c: {  	[tilespmem:s5+$0x6000] =	vst v8;
	v8 =	vor.u32 v1, v13;
	v12 =	vshll.u32 v12, $0x7  }
0x12d: {  	[tilespmem:s5+$0x6010] =	vst v8;
	v8 =	vor.u32 v2, v12;
	v11 =	vshll.u32 v11, $0x7  }
0x12e: {  	[tilespmem:s5+$0x6020] =	vst v8;
	v8 =	vor.u32 v3, v11;
	v9 =	vshll.u32 v9, $0x7  }
0x12f: {  	[tilespmem:s5+$0x6030] =	vst v8;
	v8 =	vor.u32 v4, v9;
	v9 =	vshll.u32 v10, $0x7  }
0x130: {  	[tilespmem:s5+$0x6040] =	vst v8;
	v8 =	vor.u32 v5, v9;
	v9 =	vshll.u32 v15, $0x7  }
0x131: {  	[tilespmem:s5+$0x6050] =	vst v8;
	v8 =	vor.u32 v6, v9  }
0x132: {  	[tilespmem:s5+$0x6060] =	vst v8  }
0x133: {  	[tilespmem:s31], [sflag:$0x4] =	stream.indirect.gather [hbm4b:s1+s24], $0x1, s30, s24, $0xb8;
	[tilespmem:$0xC000] =	vst v63  }
0x134: {  	_ =	swait.ge [sflag:s0], $0x2000  }
0x135: {  	[sflag:s0] =	ssyncset.done $0x0  }
0x136: {  	s7 =	simm.s32 $0x0;
	[sflag:s0] =	ssyncadd.s32 $0xFFFFE000  }
0x137: {  	[hbm4b:s15+s7] =	stream.linear.scatter [tilespmem:s28], [sflag:$0x5], $0x2000, $0x38;
	[tilespmem:$0xC000] =	vst v63  }
0x138: {  	_ =	swait.ge [sflag:s2], $0x2000  }
0x139: {  	[sflag:s2] =	ssyncset.done $0x0  }
0x13a: {  	[sflag:s2] =	ssyncadd.s32 $0xFFFFE000  }
0x13b: {  	_ =	swait.ge [sflag:s23], $0x2000  }
0x13c: {  	[sflag:s23] =	ssyncset.done $0x0  }
0x13d: {  	s6 =	simm.s32 $0x0;
	[sflag:s23] =	ssyncadd.s32 $0xFFFFE000  }
0x13e: {  	[tilespmem:s24], [sflag:$0x2] =	stream.linear.gather [hbm4b:s16+s7], $0x2000, $0x38;
	[tilespmem:$0xC000] =	vst v63  }
0x13f: {  	v8 =	vld [tilespmem:s6+$0x70]  }
0x140: {  	v10 =	vld [tilespmem:s6+$0x0]  }
0x141: {  	v14 =	vld [tilespmem:s6+$0x10]  }
0x142: {  	v12 =	vld [tilespmem:s6+$0x20]  }
0x143: {  	v11 =	vld [tilespmem:s6+$0x30]  }
0x144: {  	v9 =	vld [tilespmem:s6+$0x40];
	v13 =	vshll.u32 v8, $0x7  }
0x145: {  	v8 =	vld [tilespmem:s6+$0x50];
	v15 =	vshll.u32 v10, $0x7;
	v16 =	vor.u32 v7, v13  }
0x146: {  	s5 =	simm.s32 $0x80;
	s7 =	simm.s32 $0x400;
	v10 =	vld [tilespmem:s6+$0x60];
	v14 =	vshll.u32 v14, $0x7;
	v13 =	vor.u32 v0, v15;
	[tilespmem:s6+$0x4070] =	vst v16  }
.LBB2_12:
0x147: {  	p0 =	sne.s32 s7, $0x7E00;
	v15 =	vld [tilespmem:s5+$0x70];
	[tilespmem:s6+$0x4000] =	vst v13;
	v13 =	vor.u32 v1, v14;
	v12 =	vshll.u32 v12, $0x7  }
0x148: {  	v14 =	vld [tilespmem:s5+$0x0];
	[tilespmem:s6+$0x4010] =	vst v13;
	v12 =	vor.u32 v2, v12;
	v11 =	vshll.u32 v11, $0x7  }
0x149: {  	v16 =	vld [tilespmem:s5+$0x10];
	[tilespmem:s6+$0x4020] =	vst v12;
	v11 =	vor.u32 v3, v11;
	v9 =	vshll.u32 v9, $0x7  }
.Ltmp5:
0x14a: {  	v12 =	vld [tilespmem:s5+$0x20];
	[tilespmem:s6+$0x4030] =	vst v11;
	v9 =	vor.u32 v4, v9;
	v8 =	vshll.u32 v8, $0x7;
	(pc) =	sbr.rel @p0 .LBB2_12-.Ltmp5, $4  }
0x14b: {  	v11 =	vld [tilespmem:s5+$0x30];
	[tilespmem:s6+$0x4040] =	vst v9;
	v8 =	vor.u32 v5, v8;
	v10 =	vshll.u32 v10, $0x7  }
0x14c: {  	v9 =	vld [tilespmem:s5+$0x40];
	v13 =	vshll.u32 v15, $0x7;
	[tilespmem:s6+$0x4050] =	vst v8;
	v10 =	vor.u32 v6, v10  }
0x14d: {  	v14 =	vshll.u32 v14, $0x7;
	v8 =	vld [tilespmem:s5+$0x50];
	v15 =	vor.u32 v7, v13;
	[tilespmem:s6+$0x4060] =	vst v10;
	s6 =	smov.u32 s5  }
0x14e: {  	s5 =	sshra.s32 s7, $0x2;
	s7 =	sadd.s32 $0x200, s7;
	v13 =	vor.u32 v0, v14;
	v14 =	vshll.u32 v16, $0x7;
	v10 =	vld [tilespmem:s6+$0x60];
	[tilespmem:s6+$0x4070] =	vst v15  }
0x14f: {  	v15 =	vld [tilespmem:s5+$0x70];
	[tilespmem:s6+$0x4000] =	vst v13;
	v13 =	vor.u32 v1, v14;
	v12 =	vshll.u32 v12, $0x7  }
0x150: {  	v14 =	vld [tilespmem:s5+$0x0];
	[tilespmem:s6+$0x4010] =	vst v13;
	v12 =	vor.u32 v2, v12;
	v11 =	vshll.u32 v11, $0x7  }
0x151: {  	v13 =	vld [tilespmem:s5+$0x10];
	[tilespmem:s6+$0x4020] =	vst v12;
	v11 =	vor.u32 v3, v11;
	v9 =	vshll.u32 v9, $0x7  }
0x152: {  	v12 =	vld [tilespmem:s5+$0x20];
	[tilespmem:s6+$0x4030] =	vst v11;
	v9 =	vor.u32 v4, v9;
	v8 =	vshll.u32 v8, $0x7  }
0x153: {  	v11 =	vld [tilespmem:s5+$0x30];
	[tilespmem:s6+$0x4040] =	vst v9;
	v8 =	vor.u32 v5, v8;
	v10 =	vshll.u32 v10, $0x7  }
0x154: {  	v9 =	vld [tilespmem:s5+$0x40];
	[tilespmem:s6+$0x4050] =	vst v8;
	v8 =	vor.u32 v6, v10;
	v15 =	vshll.u32 v15, $0x7  }
0x155: {  	v10 =	vld [tilespmem:s5+$0x50];
	[tilespmem:s6+$0x4060] =	vst v8;
	v8 =	vshll.u32 v14, $0x7;
	v14 =	vor.u32 v7, v15  }
0x156: {  	v15 =	vld [tilespmem:s5+$0x60];
	v8 =	vor.u32 v0, v8;
	v13 =	vshll.u32 v13, $0x7;
	[tilespmem:s5+$0x4070] =	vst v14  }
0x157: {  	[tilespmem:s5+$0x4000] =	vst v8;
	v8 =	vor.u32 v1, v13;
	v12 =	vshll.u32 v12, $0x7  }
0x158: {  	[tilespmem:s5+$0x4010] =	vst v8;
	v8 =	vor.u32 v2, v12;
	v11 =	vshll.u32 v11, $0x7  }
0x159: {  	[tilespmem:s5+$0x4020] =	vst v8;
	v8 =	vor.u32 v3, v11;
	v9 =	vshll.u32 v9, $0x7  }
0x15a: {  	[tilespmem:s5+$0x4030] =	vst v8;
	v8 =	vor.u32 v4, v9;
	v9 =	vshll.u32 v10, $0x7  }
0x15b: {  	[tilespmem:s5+$0x4040] =	vst v8;
	v8 =	vor.u32 v5, v9;
	v9 =	vshll.u32 v15, $0x7  }
0x15c: {  	[tilespmem:s5+$0x4050] =	vst v8;
	v8 =	vor.u32 v6, v9  }
0x15d: {  	[tilespmem:s5+$0x4060] =	vst v8  }
0x15e: {  	[tilespmem:s28], [sflag:$0x3] =	stream.indirect.gather [hbm4b:s1+s24], $0x1, s26, s24, $0xb8;
	[tilespmem:$0xC000] =	vst v63  }
0x15f: {  	_ =	swait.ge [sflag:s25], $0x2000  }
0x160: {  	[sflag:s25] =	ssyncset.done $0x0  }
0x161: {  	s7 =	simm.s32 $0x0;
	[sflag:s25] =	ssyncadd.s32 $0xFFFFE000  }
0x162: {  	[hbm4b:s17+s7] =	stream.linear.scatter [tilespmem:s31], [sflag:$0x5], $0x2000, $0x38;
	[tilespmem:$0xC000] =	vst v63  }
0x163: {  	_ =	swait.ge [sflag:s2], $0x2000  }
0x164: {  	[sflag:s2] =	ssyncset.done $0x0  }
0x165: {  	[sflag:s2] =	ssyncadd.s32 $0xFFFFE000  }
0x166: {  	_ =	swait.ge [sflag:s29], $0x2000  }
0x167: {  	[sflag:s29] =	ssyncset.done $0x0  }
0x168: {  	s6 =	simm.s32 $0x0;
	[sflag:s29] =	ssyncadd.s32 $0xFFFFE000  }
0x169: {  	[tilespmem:s7], [sflag:$0x1] =	stream.linear.gather [hbm4b:s18+s7], $0x1C00, $0x38;
	[tilespmem:$0xC000] =	vst v63  }
0x16a: {  	v8 =	vld [tilespmem:s6+$0x2070]  }
0x16b: {  	v10 =	vld [tilespmem:s6+$0x2000]  }
0x16c: {  	v14 =	vld [tilespmem:s6+$0x2010]  }
0x16d: {  	v12 =	vld [tilespmem:s6+$0x2020]  }
0x16e: {  	v11 =	vld [tilespmem:s6+$0x2030]  }
0x16f: {  	v9 =	vld [tilespmem:s6+$0x2040];
	v13 =	vshll.u32 v8, $0x7  }
0x170: {  	v8 =	vld [tilespmem:s6+$0x2050];
	v15 =	vshll.u32 v10, $0x7;
	v16 =	vor.u32 v7, v13  }
0x171: {  	s5 =	simm.s32 $0x80;
	s7 =	simm.s32 $0x400;
	v10 =	vld [tilespmem:s6+$0x2060];
	v14 =	vshll.u32 v14, $0x7;
	v13 =	vor.u32 v0, v15;
	[tilespmem:s6+$0x6070] =	vst v16  }
.LBB2_14:
0x172: {  	p0 =	sne.s32 s7, $0x7E00;
	v15 =	vld [tilespmem:s5+$0x2070];
	[tilespmem:s6+$0x6000] =	vst v13;
	v13 =	vor.u32 v1, v14;
	v12 =	vshll.u32 v12, $0x7  }
0x173: {  	v14 =	vld [tilespmem:s5+$0x2000];
	[tilespmem:s6+$0x6010] =	vst v13;
	v12 =	vor.u32 v2, v12;
	v11 =	vshll.u32 v11, $0x7  }
0x174: {  	v16 =	vld [tilespmem:s5+$0x2010];
	[tilespmem:s6+$0x6020] =	vst v12;
	v11 =	vor.u32 v3, v11;
	v9 =	vshll.u32 v9, $0x7  }
.Ltmp6:
0x175: {  	v12 =	vld [tilespmem:s5+$0x2020];
	[tilespmem:s6+$0x6030] =	vst v11;
	v9 =	vor.u32 v4, v9;
	v8 =	vshll.u32 v8, $0x7;
	(pc) =	sbr.rel @p0 .LBB2_14-.Ltmp6, $4  }
0x176: {  	v11 =	vld [tilespmem:s5+$0x2030];
	[tilespmem:s6+$0x6040] =	vst v9;
	v8 =	vor.u32 v5, v8;
	v10 =	vshll.u32 v10, $0x7  }
0x177: {  	v9 =	vld [tilespmem:s5+$0x2040];
	v13 =	vshll.u32 v15, $0x7;
	[tilespmem:s6+$0x6050] =	vst v8;
	v10 =	vor.u32 v6, v10  }
0x178: {  	v14 =	vshll.u32 v14, $0x7;
	v8 =	vld [tilespmem:s5+$0x2050];
	v15 =	vor.u32 v7, v13;
	[tilespmem:s6+$0x6060] =	vst v10;
	s6 =	smov.u32 s5  }
0x179: {  	s5 =	sshra.s32 s7, $0x2;
	s7 =	sadd.s32 $0x200, s7;
	v13 =	vor.u32 v0, v14;
	v14 =	vshll.u32 v16, $0x7;
	v10 =	vld [tilespmem:s6+$0x2060];
	[tilespmem:s6+$0x6070] =	vst v15  }
0x17a: {  	v15 =	vld [tilespmem:s5+$0x2070];
	[tilespmem:s6+$0x6000] =	vst v13;
	v13 =	vor.u32 v1, v14;
	v12 =	vshll.u32 v12, $0x7  }
0x17b: {  	v14 =	vld [tilespmem:s5+$0x2000];
	[tilespmem:s6+$0x6010] =	vst v13;
	v12 =	vor.u32 v2, v12;
	v11 =	vshll.u32 v11, $0x7  }
0x17c: {  	v13 =	vld [tilespmem:s5+$0x2010];
	[tilespmem:s6+$0x6020] =	vst v12;
	v11 =	vor.u32 v3, v11;
	v9 =	vshll.u32 v9, $0x7  }
0x17d: {  	v12 =	vld [tilespmem:s5+$0x2020];
	[tilespmem:s6+$0x6030] =	vst v11;
	v9 =	vor.u32 v4, v9;
	v8 =	vshll.u32 v8, $0x7  }
0x17e: {  	v11 =	vld [tilespmem:s5+$0x2030];
	[tilespmem:s6+$0x6040] =	vst v9;
	v8 =	vor.u32 v5, v8;
	v10 =	vshll.u32 v10, $0x7  }
0x17f: {  	v9 =	vld [tilespmem:s5+$0x2040];
	[tilespmem:s6+$0x6050] =	vst v8;
	v8 =	vor.u32 v6, v10;
	v15 =	vshll.u32 v15, $0x7  }
0x180: {  	v10 =	vld [tilespmem:s5+$0x2050];
	[tilespmem:s6+$0x6060] =	vst v8;
	v8 =	vshll.u32 v14, $0x7;
	v14 =	vor.u32 v7, v15  }
0x181: {  	v15 =	vld [tilespmem:s5+$0x2060];
	v8 =	vor.u32 v0, v8;
	v13 =	vshll.u32 v13, $0x7;
	[tilespmem:s5+$0x6070] =	vst v14  }
0x182: {  	[tilespmem:s5+$0x6000] =	vst v8;
	v8 =	vor.u32 v1, v13;
	v12 =	vshll.u32 v12, $0x7  }
0x183: {  	[tilespmem:s5+$0x6010] =	vst v8;
	v8 =	vor.u32 v2, v12;
	v11 =	vshll.u32 v11, $0x7  }
0x184: {  	[tilespmem:s5+$0x6020] =	vst v8;
	v8 =	vor.u32 v3, v11;
	v9 =	vshll.u32 v9, $0x7  }
0x185: {  	[tilespmem:s5+$0x6030] =	vst v8;
	v8 =	vor.u32 v4, v9;
	v9 =	vshll.u32 v10, $0x7  }
0x186: {  	[tilespmem:s5+$0x6040] =	vst v8;
	v8 =	vor.u32 v5, v9;
	v9 =	vshll.u32 v15, $0x7  }
0x187: {  	[tilespmem:s5+$0x6050] =	vst v8;
	v8 =	vor.u32 v6, v9  }
0x188: {  	[tilespmem:s5+$0x6060] =	vst v8  }
0x189: {  	[tilespmem:s31], [sflag:$0x4] =	stream.indirect.gather [hbm4b:s1+s24], $0x1, s30, s24, $0xb8;
	[tilespmem:$0xC000] =	vst v63  }
0x18a: {  	_ =	swait.ge [sflag:s0], $0x2000  }
0x18b: {  	[sflag:s0] =	ssyncset.done $0x0  }
0x18c: {  	s7 =	simm.s32 $0x0;
	[sflag:s0] =	ssyncadd.s32 $0xFFFFE000  }
0x18d: {  	[hbm4b:s19+s7] =	stream.linear.scatter [tilespmem:s28], [sflag:$0x5], $0x2000, $0x38;
	[tilespmem:$0xC000] =	vst v63  }
0x18e: {  	_ =	swait.ge [sflag:s2], $0x2000  }
0x18f: {  	[sflag:s2] =	ssyncset.done $0x0  }
0x190: {  	[sflag:s2] =	ssyncadd.s32 $0xFFFFE000  }
0x191: {  	_ =	swait.ge [sflag:s23], $0x1C00  }
0x192: {  	[sflag:s23] =	ssyncset.done $0x0  }
0x193: {  	s6 =	simm.s32 $0x0;
	[sflag:s23] =	ssyncadd.s32 $0xFFFFE400  }
0x194: {  	v8 =	vld [tilespmem:s6+$0x70]  }
0x195: {  	v10 =	vld [tilespmem:s6+$0x0]  }
0x196: {  	v14 =	vld [tilespmem:s6+$0x10]  }
0x197: {  	v12 =	vld [tilespmem:s6+$0x20]  }
0x198: {  	v11 =	vld [tilespmem:s6+$0x30]  }
0x199: {  	v9 =	vld [tilespmem:s6+$0x40];
	v13 =	vshll.u32 v8, $0x7  }
0x19a: {  	v8 =	vld [tilespmem:s6+$0x50];
	v15 =	vshll.u32 v10, $0x7;
	v16 =	vor.u32 v7, v13  }
0x19b: {  	s5 =	simm.s32 $0x80;
	s7 =	simm.s32 $0x400;
	v10 =	vld [tilespmem:s6+$0x60];
	v14 =	vshll.u32 v14, $0x7;
	v13 =	vor.u32 v0, v15;
	[tilespmem:s6+$0x4070] =	vst v16  }
.LBB2_16:
0x19c: {  	p0 =	sne.s32 s7, $0x6E00;
	v15 =	vld [tilespmem:s5+$0x70];
	[tilespmem:s6+$0x4000] =	vst v13;
	v13 =	vor.u32 v1, v14;
	v12 =	vshll.u32 v12, $0x7  }
0x19d: {  	v14 =	vld [tilespmem:s5+$0x0];
	[tilespmem:s6+$0x4010] =	vst v13;
	v12 =	vor.u32 v2, v12;
	v11 =	vshll.u32 v11, $0x7  }
0x19e: {  	v16 =	vld [tilespmem:s5+$0x10];
	[tilespmem:s6+$0x4020] =	vst v12;
	v11 =	vor.u32 v3, v11;
	v9 =	vshll.u32 v9, $0x7  }
.Ltmp7:
0x19f: {  	v12 =	vld [tilespmem:s5+$0x20];
	[tilespmem:s6+$0x4030] =	vst v11;
	v9 =	vor.u32 v4, v9;
	v8 =	vshll.u32 v8, $0x7;
	(pc) =	sbr.rel @p0 .LBB2_16-.Ltmp7, $4  }
0x1a0: {  	v11 =	vld [tilespmem:s5+$0x30];
	[tilespmem:s6+$0x4040] =	vst v9;
	v8 =	vor.u32 v5, v8;
	v10 =	vshll.u32 v10, $0x7  }
0x1a1: {  	v9 =	vld [tilespmem:s5+$0x40];
	v13 =	vshll.u32 v15, $0x7;
	[tilespmem:s6+$0x4050] =	vst v8;
	v10 =	vor.u32 v6, v10  }
0x1a2: {  	v14 =	vshll.u32 v14, $0x7;
	v8 =	vld [tilespmem:s5+$0x50];
	v15 =	vor.u32 v7, v13;
	[tilespmem:s6+$0x4060] =	vst v10;
	s6 =	smov.u32 s5  }
0x1a3: {  	s5 =	sshra.s32 s7, $0x2;
	s7 =	sadd.s32 $0x200, s7;
	v13 =	vor.u32 v0, v14;
	v14 =	vshll.u32 v16, $0x7;
	v10 =	vld [tilespmem:s6+$0x60];
	[tilespmem:s6+$0x4070] =	vst v15  }
0x1a4: {  	v15 =	vld [tilespmem:s5+$0x70];
	[tilespmem:s6+$0x4000] =	vst v13;
	v57 =	vor.u32 v1, v14;
	v12 =	vshll.u32 v12, $0x7  }
0x1a5: {  	v58 =	vld [tilespmem:s5+$0x0];
	[tilespmem:s6+$0x4010] =	vst v57;
	v12 =	vor.u32 v2, v12;
	v11 =	vshll.u32 v11, $0x7  }
0x1a6: {  	v13 =	vld [tilespmem:s5+$0x10];
	[tilespmem:s6+$0x4020] =	vst v12;
	v11 =	vor.u32 v3, v11;
	v9 =	vshll.u32 v9, $0x7  }
0x1a7: {  	v12 =	vld [tilespmem:s5+$0x20];
	[tilespmem:s6+$0x4030] =	vst v11;
	v9 =	vor.u32 v4, v9;
	v8 =	vshll.u32 v8, $0x7  }
0x1a8: {  	v11 =	vld [tilespmem:s5+$0x30];
	[tilespmem:s6+$0x4040] =	vst v9;
	v8 =	vor.u32 v5, v8;
	v10 =	vshll.u32 v10, $0x7  }
0x1a9: {  	v9 =	vld [tilespmem:s5+$0x40];
	[tilespmem:s6+$0x4050] =	vst v8;
	v8 =	vor.u32 v6, v10;
	v15 =	vshll.u32 v15, $0x7  }
0x1aa: {  	v59 =	vld [tilespmem:s5+$0x50];
	[tilespmem:s6+$0x4060] =	vst v8;
	v8 =	vshll.u32 v58, $0x7;
	v60 =	vor.u32 v7, v15  }
0x1ab: {  	v61 =	vld [tilespmem:s5+$0x60];
	v8 =	vor.u32 v0, v8;
	v13 =	vshll.u32 v13, $0x7;
	[tilespmem:s5+$0x4070] =	vst v60  }
0x1ac: {  	[tilespmem:s5+$0x4000] =	vst v8;
	v8 =	vor.u32 v1, v13;
	v12 =	vshll.u32 v12, $0x7  }
0x1ad: {  	[tilespmem:s5+$0x4010] =	vst v8;
	v8 =	vor.u32 v2, v12;
	v11 =	vshll.u32 v11, $0x7  }
0x1ae: {  	[tilespmem:s5+$0x4020] =	vst v8;
	v8 =	vor.u32 v3, v11;
	v9 =	vshll.u32 v9, $0x7  }
0x1af: {  	[tilespmem:s5+$0x4030] =	vst v8;
	v8 =	vor.u32 v4, v9;
	v62 =	vshll.u32 v59, $0x7  }
0x1b0: {  	[tilespmem:s5+$0x4040] =	vst v8;
	v8 =	vor.u32 v5, v62;
	v63 =	vshll.u32 v61, $0x7  }
0x1b1: {  	[tilespmem:s5+$0x4050] =	vst v8;
	v8 =	vor.u32 v6, v63  }
0x1b2: {  	s7 =	simm.s32 $0x1C00;
	[tilespmem:s5+$0x4060] =	vst v8  }
0x1b3: {  	[tilespmem:s28], [sflag:$0x3] =	stream.indirect.gather [hbm4b:s1+s7], $0x1, s26, s7, $0xb8;
	[tilespmem:$0xC000] =	vst v63  }
0x1b4: {  	_ =	swait.ge [sflag:s25], $0x2000  }
0x1b5: {  	[sflag:s25] =	ssyncset.done $0x0  }
0x1b6: {  	[sflag:s25] =	ssyncadd.s32 $0xFFFFE000  }
0x1b7: {  	[hbm4b:s20+s3] =	stream.linear.scatter [tilespmem:s31], [sflag:$0x5], $0x2000, $0x38;
	[tilespmem:$0xC000] =	vst v63  }
0x1b8: {  	_ =	swait.ge [sflag:s2], $0x2000  }
0x1b9: {  	[sflag:s2] =	ssyncset.done $0x0  }
0x1ba: {  	[sflag:s2] =	ssyncadd.s32 $0xFFFFE000  }
0x1bb: {  	s4 =	sadd.s32 $0x1, s4;
	_ =	swait.ge [sflag:s0], $0x1C00  }
0x1bc: {  	p0 =	sne.s32 s4, s22;
	[sflag:s0] =	ssyncset.done $0x0  }
.Ltmp8:
0x1bd: {  	[sflag:s0] =	ssyncadd.s32 $0xFFFFE400;
	(pc) =	sbr.rel @p0 .LBB2_1-.Ltmp8, $4  }
0x1be: {  	[hbm4b:s21+s3] =	stream.linear.scatter [tilespmem:s28], [sflag:$0x5], $0x1C00, $0x38;
	[tilespmem:$0xC000] =	vst v63  }
0x1bf: {  	_ =	swait.ge [sflag:s2], $0x1C00  }
0x1c0: {  	[sflag:s2] =	ssyncset.done $0x0  }
0x1c1: {  	[sflag:s2] =	ssyncadd.s32 $0xFFFFE400  }
0x1c2: {  	_ =	sfence.sel $0x180000  }
0x1c3: {  	[bflag:$0x0] =	sbarrier.arrive $0xFFFF  }
0x1c4: {  	_ =	strace $0x90000047  }
0x1c5: {  	s0 =	stileid.u32;
	[bflag:$0x2] =	sbarrier.arrive $0xFFFF  }
0x1c6: {  	p0 =	sne.s32 s0, $0x0;
	s0 =	rddreg [dreg:$0x3]  }
0x1c7: {  	s0 =	sadd.s32 @!p0 $0x100000, s0  }
0x1c8: {  	[sflag:s0] =	ssyncadd.tile.s32 @!p0 $0x1;
	_ =	shalt  }
.Lfunc_end2:
_tile_overlayer_lowered:
.L_overlay_start_2:
0x1c9: {  	(tag) =	ssettag $0x2  }
0x1ca: {  	s0 =	rddreg [dreg:$0x0];
	s2 =	stileid.u32  }
0x1cb: {  	s1 =	rddreg [dreg:$0x1];
	p0 =	sne.s32 s2, $0x0  }
0x1cc: {  	s3 =	rddreg [dreg:$0x2];
	[bflag:$0x3] =	sbarrier.arrive $0xFFFF;
	s2 =	simm.s32 @!p0 $0x1C05  }
0x1cd: {  	[timem:s3], [sflag:s2] =	dma.local @!p0 [hbm:s0], s1  }
0x1ce: {  	s0 =	simm.s32 @!p0 $0x5  }
0x1cf: {  	_ =	swait.ge @!p0 [sflag:s0], s1  }
0x1d0: {  	s1 =	ssub.s32 @!p0 $0x0, s1;
	[sflag:s0] =	ssyncset.done @!p0 $0x0  }
0x1d1: {  	[sflag:s0] =	ssyncadd.s32 @!p0 s1  }
0x1d2: {  	[bflag:$0x3] =	sbarrier.arrive $0xFFFF  }
0x1d3: {  	_ =	shalt  }

</sc_bundles>
